<compile_context>
chip_gen: v7x
topology: tpu7x:2x2x1
jax: 0.10.2.dev20260603
libtpu: 0.0.44.dev20260713+nightly
codegen_flags: <defaults>
</compile_context>

<pallas_src>
import functools

import jax
import jax.numpy as jnp
from jax import lax
from jax.experimental import pallas as pl
from jax.experimental.pallas import tpu as pltpu
from jax.experimental.pallas import tpu_sc as plsc

N = 100000
NUM_SCALARS = 128
NUM_VECS = 32
HIDDEN = 64
NUM_GRAPHS = 256
FEAT_DIM = NUM_SCALARS + 3 * NUM_VECS

BLK = 4096

NUM_CORES = 2
NUM_SUBCORES = 16
NW = NUM_CORES * NUM_SUBCORES
ROWS_PER_STREAM = 128
STREAMS_PER_WORKER = 32
CHUNK = ROWS_PER_STREAM * STREAMS_PER_WORKER
NP = NW * CHUNK
ACC = 384


def _tc_body(f_ref, w1_ref, b1_ref, w2c_ref, b2v_ref, wf4_ref, out_ref):
    f = f_ref[...]
    h = jnp.dot(f[:, :NUM_SCALARS], w1_ref[...],
                preferred_element_type=jnp.float32) + b1_ref[...]
    h = h * lax.logistic(h)
    o = (jnp.dot(h, w2c_ref[...], preferred_element_type=jnp.float32)
         + jnp.dot(f[:, NUM_SCALARS:], wf4_ref[...],
                   preferred_element_type=jnp.float32)
         + b2v_ref[...])
    out_ref[...] = o.T


def _tc_call(node_feats, W1, b1r, W2c, b2v, Wfp4, interpret=False):
    grid = (pl.cdiv(N, BLK),)
    return pl.pallas_call(
        _tc_body,
        grid=grid,
        in_specs=[
            pl.BlockSpec((BLK, FEAT_DIM), lambda i: (i, 0)),
            pl.BlockSpec((NUM_SCALARS, HIDDEN), lambda i: (0, 0)),
            pl.BlockSpec((1, HIDDEN), lambda i: (0, 0)),
            pl.BlockSpec((HIDDEN, 4), lambda i: (0, 0)),
            pl.BlockSpec((1, 4), lambda i: (0, 0)),
            pl.BlockSpec((NUM_VECS * 3, 4), lambda i: (0, 0)),
        ],
        out_specs=pl.BlockSpec((4, BLK), lambda i: (0, i)),
        out_shape=jax.ShapeDtypeStruct((4, N), jnp.float32),
        interpret=interpret,
    )(node_feats, W1, b1r, W2c, b2v, Wfp4)


@functools.cache
def _sc_segsum_kernel():
    mesh = plsc.VectorSubcoreMesh(
        core_axis_name="c", subcore_axis_name="s",
        num_cores=NUM_CORES, num_subcores=NUM_SUBCORES)

    @functools.partial(
        pl.kernel,
        out_type=(
            jax.ShapeDtypeStruct((NUM_CORES * ACC,), jnp.float32),
            jax.ShapeDtypeStruct((NUM_CORES * ACC,), jnp.float32),
        ),
        mesh=mesh,
        scratch_types=[
            pltpu.VMEM((STREAMS_PER_WORKER, ROWS_PER_STREAM), jnp.int32),
            pltpu.VMEM((STREAMS_PER_WORKER, ROWS_PER_STREAM), jnp.float32),
            pltpu.VMEM((ROWS_PER_STREAM,), jnp.float32),
            pltpu.VMEM((ACC,), jnp.float32),
            pltpu.VMEM_SHARED((ACC,), jnp.float32),
            pltpu.VMEM_SHARED((ACC,), jnp.float32),
            pltpu.SemaphoreType.DMA,
            pltpu.SemaphoreType.DMA,
        ],
    )
    def _sc_segsum(ids_hbm, vals_hbm, out_e, out_n,
                   ids_v, vals_v, ones_v, z_v, acc_e, acc_n,
                   sem_in, sem_s):
        cid = lax.axis_index("c")
        sid = lax.axis_index("s")
        wid = cid * NUM_SUBCORES + sid
        row0 = wid * STREAMS_PER_WORKER

        ids_cp = pltpu.async_copy(
            ids_hbm.at[pl.ds(row0, STREAMS_PER_WORKER)], ids_v, sem_in)
        vals_cp = pltpu.async_copy(
            vals_hbm.at[pl.ds(row0, STREAMS_PER_WORKER)], vals_v, sem_in)

        for i in range(ROWS_PER_STREAM // 16):
            ones_v[pl.ds(i * 16, 16)] = jnp.ones((16,), jnp.float32)
        for i in range(ACC // 16):
            z_v[pl.ds(i * 16, 16)] = jnp.zeros((16,), jnp.float32)

        @pl.when(sid == 0)
        def _():
            pltpu.sync_copy(z_v, acc_e)
            pltpu.sync_copy(z_v, acc_n)

        ids_cp.wait()
        vals_cp.wait()
        plsc.subcore_barrier()

        descs = []
        for j in range(STREAMS_PER_WORKER):
            descs.append(pltpu.async_copy(
                vals_v.at[j], acc_e.at[ids_v.at[j]], sem_s, add=True))
            descs.append(pltpu.async_copy(
                ones_v, acc_n.at[ids_v.at[j]], sem_s, add=True))
        for d in descs:
            d.wait()

        plsc.subcore_barrier()

        @pl.when(sid == 0)
        def _():
            pltpu.sync_copy(acc_e, out_e.at[pl.ds(cid * ACC, ACC)])
            pltpu.sync_copy(acc_n, out_n.at[pl.ds(cid * ACC, ACC)])

    return _sc_segsum


def kernel(node_feats, batch, W1, b1, W2, b2, Wf):
    node_feats = node_feats.astype(jnp.float32)
    batch = batch.astype(jnp.int32)

    rows = jnp.arange(NUM_VECS * 3)
    Wfp4 = jnp.where((1 + rows[:, None] % 3) == jnp.arange(4)[None, :],
                     Wf[rows // 3][:, None], 0.0).astype(jnp.float32)
    W2c = jnp.pad(W2, ((0, 0), (0, 3)))
    b2v = jnp.pad(b2.reshape(1, 1), ((0, 0), (0, 3)))

    out4t = _tc_call(node_feats, W1, b1.reshape(1, HIDDEN), W2c, b2v, Wfp4)
    forces = out4t[1:4].T

    ids = jnp.concatenate(
        [batch, jnp.full((NP - N,), NUM_GRAPHS, jnp.int32)]
    ).reshape(ROWS_PER_STREAM, NP // ROWS_PER_STREAM).T
    vals = jnp.concatenate(
        [out4t[0], jnp.zeros((NP - N,), jnp.float32)]
    ).reshape(ROWS_PER_STREAM, NP // ROWS_PER_STREAM).T

    out_e, out_n = _sc_segsum_kernel()(ids, vals)
    out_e = out_e.reshape(NUM_CORES, ACC)
    out_n = out_n.reshape(NUM_CORES, ACC)
    energy = (out_e[0] + out_e[1])[:NUM_GRAPHS]
    num_atoms = (out_n[0] + out_n[1])[:NUM_GRAPHS]
    return energy, forces, num_atoms

# --- scband reference (transcript-rebuilt; emitter-appended) ---
"""Pipeline reference for scband-direct-forces-head-15848429322580 (READ-ONLY COPY).

The authoritative reference and input builder live on the scoring server;
editing this copy changes nothing except your own understanding.
"""

import jax, jax.numpy as jnp
import numpy as np

N = 100000
NUM_SCALARS = 128
NUM_VECS = 32
HIDDEN = 64
NUM_GRAPHS = 256
FEAT_DIM = NUM_SCALARS + 3 * NUM_VECS


def setup_inputs(seed: int = 0) -> dict:
    key = jax.random.key(seed)
    ks = jax.random.split(key, 6)
    node_feats = jax.random.normal(ks[0], (N, FEAT_DIM), dtype=jnp.float32)
    batch = jnp.sort(jax.random.randint(ks[1], (N,), 0, NUM_GRAPHS)).astype(jnp.int64)
    # ScalarReadout MLP params: Linear(128->64), SiLU, Linear(64->1)
    W1 = jax.random.normal(ks[2], (NUM_SCALARS, HIDDEN), dtype=jnp.float32) / np.sqrt(NUM_SCALARS)
    b1 = jnp.zeros((HIDDEN,), dtype=jnp.float32)
    W2 = jax.random.normal(ks[3], (HIDDEN, 1), dtype=jnp.float32) / np.sqrt(HIDDEN)
    b2 = jnp.zeros((1,), dtype=jnp.float32)
    # EquivariantLinear '32x1o' -> '1x1o': per-m-component mixing of vector channels
    Wf = jax.random.normal(ks[4], (NUM_VECS,), dtype=jnp.float32) / np.sqrt(NUM_VECS)
    return {"node_feats": node_feats, "batch": batch, "W1": W1, "b1": b1, "W2": W2, "b2": b2, "Wf": Wf}


def reference(node_feats, batch, W1, b1, W2, b2, Wf):
    # Scalar readout on l=0 channels -> per-atom energy
    scalars = node_feats[:, :NUM_SCALARS]
    h = jax.nn.silu(scalars @ W1 + b1)
    node_energies = (h @ W2 + b2)[:, 0]
    # scatter(node_energies, batch, reduce='sum') -> per-graph energy
    energy = jax.ops.segment_sum(node_energies, batch, num_segments=NUM_GRAPHS)
    # EquivariantLinear: mix 32 l=1 vector channels down to 1 vector -> forces [N, 3]
    vecs = node_feats[:, NUM_SCALARS:].reshape(node_feats.shape[0], NUM_VECS, 3)
    forces = jnp.einsum('nvi,v->ni', vecs, Wf)
    # num_atoms per graph
    num_atoms = jax.ops.segment_sum(jnp.ones_like(node_energies), batch, num_segments=NUM_GRAPHS)
    return (energy, forces, num_atoms)

if __name__ == "__main__":
    import jax
    _d = setup_inputs()
    print(jax.jit(kernel)(*tuple(_d.values())))

</pallas_src>

<mosaic_0001>
#map = affine_map<(d0, d1) -> (0, 0)>
#map1 = affine_map<(d0, d1) -> (0)>
module attributes {stable_mosaic.version = 14 : i64} {
  func.func @_sc_segsum(%arg0: i32, %arg1: i32, %arg2: memref<1024x128xi32, #tpu.memory_space<hbm>>, %arg3: memref<1024x128xf32, #tpu.memory_space<hbm>>, %arg4: memref<768xf32, #tpu.memory_space<hbm>>, %arg5: memref<768xf32, #tpu.memory_space<hbm>>, %arg6: memref<32x128xi32, #tpu.memory_space<vmem>>, %arg7: memref<32x128xf32, #tpu.memory_space<vmem>>, %arg8: memref<128xf32, #tpu.memory_space<vmem>>, %arg9: memref<384xf32, #tpu.memory_space<vmem>>, %arg10: memref<384xf32, #tpu.memory_space<vmem_shared>>, %arg11: memref<384xf32, #tpu.memory_space<vmem_shared>>, %arg12: memref<!tpu.dma_semaphore, #tpu.memory_space<semaphore_mem>>, %arg13: memref<!tpu.dma_semaphore, #tpu.memory_space<semaphore_mem>>) attributes {dimension_semantics = [#tpu.dimension_semantics<core_parallel>, #tpu.dimension_semantics<subcore_parallel>], iteration_bounds = array<i64: 2, 16>, scalar_prefetch = 0 : i64, scratch_operands = 8 : i64, tpu.core_type = #tpu.core_type<sc_vector_subcore>, window_params = [{transform_indices = #map}, {transform_indices = #map}, {transform_indices = #map1}, {transform_indices = #map1}]} {
    %mul3A = arith.constant 16 : i32
    %mul3A_0 = arith.muli %arg0, %mul3A : i32
    %add3A = arith.addi %mul3A_0, %arg1 : i32
    %mul3A_1 = arith.constant 32 : i32
    %mul3A_2 = arith.muli %add3A, %mul3A_1 : i32
    %dma_start3A = arith.constant 0 : i32
    %dma_start3A_3 = tpu.memref_slice %arg2[%mul3A_2, %dma_start3A] : memref<1024x128xi32, #tpu.memory_space<hbm>> -> memref<32x128xi32, #tpu.memory_space<hbm>>
    %dma_start3A_4 = arith.constant 0 : i32
    %dma_start3A_5 = tpu.memref_slice %arg2[%mul3A_2, %dma_start3A_4] : memref<1024x128xi32, #tpu.memory_space<hbm>> -> memref<32x128xi32, #tpu.memory_space<hbm>>
    tpu.enqueue_dma source(%dma_start3A_5 : memref<32x128xi32, #tpu.memory_space<hbm>>) target(%arg6 : memref<32x128xi32, #tpu.memory_space<vmem>>) target_semaphore(%arg12 : memref<!tpu.dma_semaphore, #tpu.memory_space<semaphore_mem>>)
    %dma_start3A_6 = arith.constant 0 : i32
    %dma_start3A_7 = tpu.memref_slice %arg3[%mul3A_2, %dma_start3A_6] : memref<1024x128xf32, #tpu.memory_space<hbm>> -> memref<32x128xf32, #tpu.memory_space<hbm>>
    %dma_start3A_8 = arith.constant 0 : i32
    %dma_start3A_9 = tpu.memref_slice %arg3[%mul3A_2, %dma_start3A_8] : memref<1024x128xf32, #tpu.memory_space<hbm>> -> memref<32x128xf32, #tpu.memory_space<hbm>>
    tpu.enqueue_dma source(%dma_start3A_9 : memref<32x128xf32, #tpu.memory_space<hbm>>) target(%arg7 : memref<32x128xf32, #tpu.memory_space<vmem>>) target_semaphore(%arg12 : memref<!tpu.dma_semaphore, #tpu.memory_space<semaphore_mem>>)
    %broadcast_in_dim3A = arith.constant 1.000000e+00 : f32
    %broadcast_in_dim3A_10 = vector.broadcast %broadcast_in_dim3A : f32 to vector<16xf32>
    %swap3A = arith.constant 0 : index
    %swap3A_11 = tpu.vector_load %arg8[%swap3A] {strides = array<i32>} : memref<128xf32, #tpu.memory_space<vmem>>, vector<16xf32>,
    %swap3A_12 = vector.shape_cast %swap3A_11 : vector<16xf32> to vector<16xf32>
    %swap3A_13 = vector.shape_cast %broadcast_in_dim3A_10 : vector<16xf32> to vector<16xf32>
    tpu.vector_store %arg8[%swap3A], %swap3A_13 {strides = array<i32>} : memref<128xf32, #tpu.memory_space<vmem>>, vector<16xf32>,
    %broadcast_in_dim3A_14 = arith.constant 1.000000e+00 : f32
    %broadcast_in_dim3A_15 = vector.broadcast %broadcast_in_dim3A_14 : f32 to vector<16xf32>
    %swap3A_16 = arith.constant 16 : index
    %swap3A_17 = tpu.vector_load %arg8[%swap3A_16] {strides = array<i32>} : memref<128xf32, #tpu.memory_space<vmem>>, vector<16xf32>,
    %swap3A_18 = vector.shape_cast %swap3A_17 : vector<16xf32> to vector<16xf32>
    %swap3A_19 = vector.shape_cast %broadcast_in_dim3A_15 : vector<16xf32> to vector<16xf32>
    tpu.vector_store %arg8[%swap3A_16], %swap3A_19 {strides = array<i32>} : memref<128xf32, #tpu.memory_space<vmem>>, vector<16xf32>,
    %broadcast_in_dim3A_20 = arith.constant 1.000000e+00 : f32
    %broadcast_in_dim3A_21 = vector.broadcast %broadcast_in_dim3A_20 : f32 to vector<16xf32>
    %swap3A_22 = arith.constant 32 : index
    %swap3A_23 = tpu.vector_load %arg8[%swap3A_22] {strides = array<i32>} : memref<128xf32, #tpu.memory_space<vmem>>, vector<16xf32>,
    %swap3A_24 = vector.shape_cast %swap3A_23 : vector<16xf32> to vector<16xf32>
    %swap3A_25 = vector.shape_cast %broadcast_in_dim3A_21 : vector<16xf32> to vector<16xf32>
    tpu.vector_store %arg8[%swap3A_22], %swap3A_25 {strides = array<i32>} : memref<128xf32, #tpu.memory_space<vmem>>, vector<16xf32>,
    %broadcast_in_dim3A_26 = arith.constant 1.000000e+00 : f32
    %broadcast_in_dim3A_27 = vector.broadcast %broadcast_in_dim3A_26 : f32 to vector<16xf32>
    %swap3A_28 = arith.constant 48 : index
    %swap3A_29 = tpu.vector_load %arg8[%swap3A_28] {strides = array<i32>} : memref<128xf32, #tpu.memory_space<vmem>>, vector<16xf32>,
    %swap3A_30 = vector.shape_cast %swap3A_29 : vector<16xf32> to vector<16xf32>
    %swap3A_31 = vector.shape_cast %broadcast_in_dim3A_27 : vector<16xf32> to vector<16xf32>
    tpu.vector_store %arg8[%swap3A_28], %swap3A_31 {strides = array<i32>} : memref<128xf32, #tpu.memory_space<vmem>>, vector<16xf32>,
    %broadcast_in_dim3A_32 = arith.constant 1.000000e+00 : f32
    %broadcast_in_dim3A_33 = vector.broadcast %broadcast_in_dim3A_32 : f32 to vector<16xf32>
    %swap3A_34 = arith.constant 64 : index
    %swap3A_35 = tpu.vector_load %arg8[%swap3A_34] {strides = array<i32>} : memref<128xf32, #tpu.memory_space<vmem>>, vector<16xf32>,
    %swap3A_36 = vector.shape_cast %swap3A_35 : vector<16xf32> to vector<16xf32>
    %swap3A_37 = vector.shape_cast %broadcast_in_dim3A_33 : vector<16xf32> to vector<16xf32>
    tpu.vector_store %arg8[%swap3A_34], %swap3A_37 {strides = array<i32>} : memref<128xf32, #tpu.memory_space<vmem>>, vector<16xf32>,
    %broadcast_in_dim3A_38 = arith.constant 1.000000e+00 : f32
    %broadcast_in_dim3A_39 = vector.broadcast %broadcast_in_dim3A_38 : f32 to vector<16xf32>
    %swap3A_40 = arith.constant 80 : index
    %swap3A_41 = tpu.vector_load %arg8[%swap3A_40] {strides = array<i32>} : memref<128xf32, #tpu.memory_space<vmem>>, vector<16xf32>,
    %swap3A_42 = vector.shape_cast %swap3A_41 : vector<16xf32> to vector<16xf32>
    %swap3A_43 = vector.shape_cast %broadcast_in_dim3A_39 : vector<16xf32> to vector<16xf32>
    tpu.vector_store %arg8[%swap3A_40], %swap3A_43 {strides = array<i32>} : memref<128xf32, #tpu.memory_space<vmem>>, vector<16xf32>,
    %broadcast_in_dim3A_44 = arith.constant 1.000000e+00 : f32
    %broadcast_in_dim3A_45 = vector.broadcast %broadcast_in_dim3A_44 : f32 to vector<16xf32>
    %swap3A_46 = arith.constant 96 : index
    %swap3A_47 = tpu.vector_load %arg8[%swap3A_46] {strides = array<i32>} : memref<128xf32, #tpu.memory_space<vmem>>, vector<16xf32>,
    %swap3A_48 = vector.shape_cast %swap3A_47 : vector<16xf32> to vector<16xf32>
    %swap3A_49 = vector.shape_cast %broadcast_in_dim3A_45 : vector<16xf32> to vector<16xf32>
    tpu.vector_store %arg8[%swap3A_46], %swap3A_49 {strides = array<i32>} : memref<128xf32, #tpu.memory_space<vmem>>, vector<16xf32>,
    %broadcast_in_dim3A_50 = arith.constant 1.000000e+00 : f32
    %broadcast_in_dim3A_51 = vector.broadcast %broadcast_in_dim3A_50 : f32 to vector<16xf32>
    %swap3A_52 = arith.constant 112 : index
    %swap3A_53 = tpu.vector_load %arg8[%swap3A_52] {strides = array<i32>} : memref<128xf32, #tpu.memory_space<vmem>>, vector<16xf32>,
    %swap3A_54 = vector.shape_cast %swap3A_53 : vector<16xf32> to vector<16xf32>
    %swap3A_55 = vector.shape_cast %broadcast_in_dim3A_51 : vector<16xf32> to vector<16xf32>
    tpu.vector_store %arg8[%swap3A_52], %swap3A_55 {strides = array<i32>} : memref<128xf32, #tpu.memory_space<vmem>>, vector<16xf32>,
    %broadcast_in_dim3A_56 = arith.constant 0.000000e+00 : f32
    %broadcast_in_dim3A_57 = vector.broadcast %broadcast_in_dim3A_56 : f32 to vector<16xf32>
    %swap3A_58 = arith.constant 0 : index
    %swap3A_59 = tpu.vector_load %arg9[%swap3A_58] {strides = array<i32>} : memref<384xf32, #tpu.memory_space<vmem>>, vector<16xf32>,
    %swap3A_60 = vector.shape_cast %swap3A_59 : vector<16xf32> to vector<16xf32>
    %swap3A_61 = vector.shape_cast %broadcast_in_dim3A_57 : vector<16xf32> to vector<16xf32>
    tpu.vector_store %arg9[%swap3A_58], %swap3A_61 {strides = array<i32>} : memref<384xf32, #tpu.memory_space<vmem>>, vector<16xf32>,
    %broadcast_in_dim3A_62 = arith.constant 0.000000e+00 : f32
    %broadcast_in_dim3A_63 = vector.broadcast %broadcast_in_dim3A_62 : f32 to vector<16xf32>
    %swap3A_64 = arith.constant 16 : index
    %swap3A_65 = tpu.vector_load %arg9[%swap3A_64] {strides = array<i32>} : memref<384xf32, #tpu.memory_space<vmem>>, vector<16xf32>,
    %swap3A_66 = vector.shape_cast %swap3A_65 : vector<16xf32> to vector<16xf32>
    %swap3A_67 = vector.shape_cast %broadcast_in_dim3A_63 : vector<16xf32> to vector<16xf32>
    tpu.vector_store %arg9[%swap3A_64], %swap3A_67 {strides = array<i32>} : memref<384xf32, #tpu.memory_space<vmem>>, vector<16xf32>,
    %broadcast_in_dim3A_68 = arith.constant 0.000000e+00 : f32
    %broadcast_in_dim3A_69 = vector.broadcast %broadcast_in_dim3A_68 : f32 to vector<16xf32>
    %swap3A_70 = arith.constant 32 : index
    %swap3A_71 = tpu.vector_load %arg9[%swap3A_70] {strides = array<i32>} : memref<384xf32, #tpu.memory_space<vmem>>, vector<16xf32>,
    %swap3A_72 = vector.shape_cast %swap3A_71 : vector<16xf32> to vector<16xf32>
    %swap3A_73 = vector.shape_cast %broadcast_in_dim3A_69 : vector<16xf32> to vector<16xf32>
    tpu.vector_store %arg9[%swap3A_70], %swap3A_73 {strides = array<i32>} : memref<384xf32, #tpu.memory_space<vmem>>, vector<16xf32>,
    %broadcast_in_dim3A_74 = arith.constant 0.000000e+00 : f32
    %broadcast_in_dim3A_75 = vector.broadcast %broadcast_in_dim3A_74 : f32 to vector<16xf32>
    %swap3A_76 = arith.constant 48 : index
    %swap3A_77 = tpu.vector_load %arg9[%swap3A_76] {strides = array<i32>} : memref<384xf32, #tpu.memory_space<vmem>>, vector<16xf32>,
    %swap3A_78 = vector.shape_cast %swap3A_77 : vector<16xf32> to vector<16xf32>
    %swap3A_79 = vector.shape_cast %broadcast_in_dim3A_75 : vector<16xf32> to vector<16xf32>
    tpu.vector_store %arg9[%swap3A_76], %swap3A_79 {strides = array<i32>} : memref<384xf32, #tpu.memory_space<vmem>>, vector<16xf32>,
    %broadcast_in_dim3A_80 = arith.constant 0.000000e+00 : f32
    %broadcast_in_dim3A_81 = vector.broadcast %broadcast_in_dim3A_80 : f32 to vector<16xf32>
    %swap3A_82 = arith.constant 64 : index
    %swap3A_83 = tpu.vector_load %arg9[%swap3A_82] {strides = array<i32>} : memref<384xf32, #tpu.memory_space<vmem>>, vector<16xf32>,
    %swap3A_84 = vector.shape_cast %swap3A_83 : vector<16xf32> to vector<16xf32>
    %swap3A_85 = vector.shape_cast %broadcast_in_dim3A_81 : vector<16xf32> to vector<16xf32>
    tpu.vector_store %arg9[%swap3A_82], %swap3A_85 {strides = array<i32>} : memref<384xf32, #tpu.memory_space<vmem>>, vector<16xf32>,
    %broadcast_in_dim3A_86 = arith.constant 0.000000e+00 : f32
    %broadcast_in_dim3A_87 = vector.broadcast %broadcast_in_dim3A_86 : f32 to vector<16xf32>
    %swap3A_88 = arith.constant 80 : index
    %swap3A_89 = tpu.vector_load %arg9[%swap3A_88] {strides = array<i32>} : memref<384xf32, #tpu.memory_space<vmem>>, vector<16xf32>,
    %swap3A_90 = vector.shape_cast %swap3A_89 : vector<16xf32> to vector<16xf32>
    %swap3A_91 = vector.shape_cast %broadcast_in_dim3A_87 : vector<16xf32> to vector<16xf32>
    tpu.vector_store %arg9[%swap3A_88], %swap3A_91 {strides = array<i32>} : memref<384xf32, #tpu.memory_space<vmem>>, vector<16xf32>,
    %broadcast_in_dim3A_92 = arith.constant 0.000000e+00 : f32
    %broadcast_in_dim3A_93 = vector.broadcast %broadcast_in_dim3A_92 : f32 to vector<16xf32>
    %swap3A_94 = arith.constant 96 : index
    %swap3A_95 = tpu.vector_load %arg9[%swap3A_94] {strides = array<i32>} : memref<384xf32, #tpu.memory_space<vmem>>, vector<16xf32>,
    %swap3A_96 = vector.shape_cast %swap3A_95 : vector<16xf32> to vector<16xf32>
    %swap3A_97 = vector.shape_cast %broadcast_in_dim3A_93 : vector<16xf32> to vector<16xf32>
    tpu.vector_store %arg9[%swap3A_94], %swap3A_97 {strides = array<i32>} : memref<384xf32, #tpu.memory_space<vmem>>, vector<16xf32>,
    %broadcast_in_dim3A_98 = arith.constant 0.000000e+00 : f32
    %broadcast_in_dim3A_99 = vector.broadcast %broadcast_in_dim3A_98 : f32 to vector<16xf32>
    %swap3A_100 = arith.constant 112 : index
    %swap3A_101 = tpu.vector_load %arg9[%swap3A_100] {strides = array<i32>} : memref<384xf32, #tpu.memory_space<vmem>>, vector<16xf32>,
    %swap3A_102 = vector.shape_cast %swap3A_101 : vector<16xf32> to vector<16xf32>
    %swap3A_103 = vector.shape_cast %broadcast_in_dim3A_99 : vector<16xf32> to vector<16xf32>
    tpu.vector_store %arg9[%swap3A_100], %swap3A_103 {strides = array<i32>} : memref<384xf32, #tpu.memory_space<vmem>>, vector<16xf32>,
    %broadcast_in_dim3A_104 = arith.constant 0.000000e+00 : f32
    %broadcast_in_dim3A_105 = vector.broadcast %broadcast_in_dim3A_104 : f32 to vector<16xf32>
    %swap3A_106 = arith.constant 128 : index
    %swap3A_107 = tpu.vector_load %arg9[%swap3A_106] {strides = array<i32>} : memref<384xf32, #tpu.memory_space<vmem>>, vector<16xf32>,
    %swap3A_108 = vector.shape_cast %swap3A_107 : vector<16xf32> to vector<16xf32>
    %swap3A_109 = vector.shape_cast %broadcast_in_dim3A_105 : vector<16xf32> to vector<16xf32>
    tpu.vector_store %arg9[%swap3A_106], %swap3A_109 {strides = array<i32>} : memref<384xf32, #tpu.memory_space<vmem>>, vector<16xf32>,
    %broadcast_in_dim3A_110 = arith.constant 0.000000e+00 : f32
    %broadcast_in_dim3A_111 = vector.broadcast %broadcast_in_dim3A_110 : f32 to vector<16xf32>
    %swap3A_112 = arith.constant 144 : index
    %swap3A_113 = tpu.vector_load %arg9[%swap3A_112] {strides = array<i32>} : memref<384xf32, #tpu.memory_space<vmem>>, vector<16xf32>,
    %swap3A_114 = vector.shape_cast %swap3A_113 : vector<16xf32> to vector<16xf32>
    %swap3A_115 = vector.shape_cast %broadcast_in_dim3A_111 : vector<16xf32> to vector<16xf32>
    tpu.vector_store %arg9[%swap3A_112], %swap3A_115 {strides = array<i32>} : memref<384xf32, #tpu.memory_space<vmem>>, vector<16xf32>,
    %broadcast_in_dim3A_116 = arith.constant 0.000000e+00 : f32
    %broadcast_in_dim3A_117 = vector.broadcast %broadcast_in_dim3A_116 : f32 to vector<16xf32>
    %swap3A_118 = arith.constant 160 : index
    %swap3A_119 = tpu.vector_load %arg9[%swap3A_118] {strides = array<i32>} : memref<384xf32, #tpu.memory_space<vmem>>, vector<16xf32>,
    %swap3A_120 = vector.shape_cast %swap3A_119 : vector<16xf32> to vector<16xf32>
    %swap3A_121 = vector.shape_cast %broadcast_in_dim3A_117 : vector<16xf32> to vector<16xf32>
    tpu.vector_store %arg9[%swap3A_118], %swap3A_121 {strides = array<i32>} : memref<384xf32, #tpu.memory_space<vmem>>, vector<16xf32>,
    %broadcast_in_dim3A_122 = arith.constant 0.000000e+00 : f32
    %broadcast_in_dim3A_123 = vector.broadcast %broadcast_in_dim3A_122 : f32 to vector<16xf32>
    %swap3A_124 = arith.constant 176 : index
    %swap3A_125 = tpu.vector_load %arg9[%swap3A_124] {strides = array<i32>} : memref<384xf32, #tpu.memory_space<vmem>>, vector<16xf32>,
    %swap3A_126 = vector.shape_cast %swap3A_125 : vector<16xf32> to vector<16xf32>
    %swap3A_127 = vector.shape_cast %broadcast_in_dim3A_123 : vector<16xf32> to vector<16xf32>
    tpu.vector_store %arg9[%swap3A_124], %swap3A_127 {strides = array<i32>} : memref<384xf32, #tpu.memory_space<vmem>>, vector<16xf32>,
    %broadcast_in_dim3A_128 = arith.constant 0.000000e+00 : f32
    %broadcast_in_dim3A_129 = vector.broadcast %broadcast_in_dim3A_128 : f32 to vector<16xf32>
    %swap3A_130 = arith.constant 192 : index
    %swap3A_131 = tpu.vector_load %arg9[%swap3A_130] {strides = array<i32>} : memref<384xf32, #tpu.memory_space<vmem>>, vector<16xf32>,
    %swap3A_132 = vector.shape_cast %swap3A_131 : vector<16xf32> to vector<16xf32>
    %swap3A_133 = vector.shape_cast %broadcast_in_dim3A_129 : vector<16xf32> to vector<16xf32>
    tpu.vector_store %arg9[%swap3A_130], %swap3A_133 {strides = array<i32>} : memref<384xf32, #tpu.memory_space<vmem>>, vector<16xf32>,
    %broadcast_in_dim3A_134 = arith.constant 0.000000e+00 : f32
    %broadcast_in_dim3A_135 = vector.broadcast %broadcast_in_dim3A_134 : f32 to vector<16xf32>
    %swap3A_136 = arith.constant 208 : index
    %swap3A_137 = tpu.vector_load %arg9[%swap3A_136] {strides = array<i32>} : memref<384xf32, #tpu.memory_space<vmem>>, vector<16xf32>,
    %swap3A_138 = vector.shape_cast %swap3A_137 : vector<16xf32> to vector<16xf32>
    %swap3A_139 = vector.shape_cast %broadcast_in_dim3A_135 : vector<16xf32> to vector<16xf32>
    tpu.vector_store %arg9[%swap3A_136], %swap3A_139 {strides = array<i32>} : memref<384xf32, #tpu.memory_space<vmem>>, vector<16xf32>,
    %broadcast_in_dim3A_140 = arith.constant 0.000000e+00 : f32
    %broadcast_in_dim3A_141 = vector.broadcast %broadcast_in_dim3A_140 : f32 to vector<16xf32>
    %swap3A_142 = arith.constant 224 : index
    %swap3A_143 = tpu.vector_load %arg9[%swap3A_142] {strides = array<i32>} : memref<384xf32, #tpu.memory_space<vmem>>, vector<16xf32>,
    %swap3A_144 = vector.shape_cast %swap3A_143 : vector<16xf32> to vector<16xf32>
    %swap3A_145 = vector.shape_cast %broadcast_in_dim3A_141 : vector<16xf32> to vector<16xf32>
    tpu.vector_store %arg9[%swap3A_142], %swap3A_145 {strides = array<i32>} : memref<384xf32, #tpu.memory_space<vmem>>, vector<16xf32>,
    %broadcast_in_dim3A_146 = arith.constant 0.000000e+00 : f32
    %broadcast_in_dim3A_147 = vector.broadcast %broadcast_in_dim3A_146 : f32 to vector<16xf32>
    %swap3A_148 = arith.constant 240 : index
    %swap3A_149 = tpu.vector_load %arg9[%swap3A_148] {strides = array<i32>} : memref<384xf32, #tpu.memory_space<vmem>>, vector<16xf32>,
    %swap3A_150 = vector.shape_cast %swap3A_149 : vector<16xf32> to vector<16xf32>
    %swap3A_151 = vector.shape_cast %broadcast_in_dim3A_147 : vector<16xf32> to vector<16xf32>
    tpu.vector_store %arg9[%swap3A_148], %swap3A_151 {strides = array<i32>} : memref<384xf32, #tpu.memory_space<vmem>>, vector<16xf32>,
    %broadcast_in_dim3A_152 = arith.constant 0.000000e+00 : f32
    %broadcast_in_dim3A_153 = vector.broadcast %broadcast_in_dim3A_152 : f32 to vector<16xf32>
    %swap3A_154 = arith.constant 256 : index
    %swap3A_155 = tpu.vector_load %arg9[%swap3A_154] {strides = array<i32>} : memref<384xf32, #tpu.memory_space<vmem>>, vector<16xf32>,
    %swap3A_156 = vector.shape_cast %swap3A_155 : vector<16xf32> to vector<16xf32>
    %swap3A_157 = vector.shape_cast %broadcast_in_dim3A_153 : vector<16xf32> to vector<16xf32>
    tpu.vector_store %arg9[%swap3A_154], %swap3A_157 {strides = array<i32>} : memref<384xf32, #tpu.memory_space<vmem>>, vector<16xf32>,
    %broadcast_in_dim3A_158 = arith.constant 0.000000e+00 : f32
    %broadcast_in_dim3A_159 = vector.broadcast %broadcast_in_dim3A_158 : f32 to vector<16xf32>
    %swap3A_160 = arith.constant 272 : index
    %swap3A_161 = tpu.vector_load %arg9[%swap3A_160] {strides = array<i32>} : memref<384xf32, #tpu.memory_space<vmem>>, vector<16xf32>,
    %swap3A_162 = vector.shape_cast %swap3A_161 : vector<16xf32> to vector<16xf32>
    %swap3A_163 = vector.shape_cast %broadcast_in_dim3A_159 : vector<16xf32> to vector<16xf32>
    tpu.vector_store %arg9[%swap3A_160], %swap3A_163 {strides = array<i32>} : memref<384xf32, #tpu.memory_space<vmem>>, vector<16xf32>,
    %broadcast_in_dim3A_164 = arith.constant 0.000000e+00 : f32
    %broadcast_in_dim3A_165 = vector.broadcast %broadcast_in_dim3A_164 : f32 to vector<16xf32>
    %swap3A_166 = arith.constant 288 : index
    %swap3A_167 = tpu.vector_load %arg9[%swap3A_166] {strides = array<i32>} : memref<384xf32, #tpu.memory_space<vmem>>, vector<16xf32>,
    %swap3A_168 = vector.shape_cast %swap3A_167 : vector<16xf32> to vector<16xf32>
    %swap3A_169 = vector.shape_cast %broadcast_in_dim3A_165 : vector<16xf32> to vector<16xf32>
    tpu.vector_store %arg9[%swap3A_166], %swap3A_169 {strides = array<i32>} : memref<384xf32, #tpu.memory_space<vmem>>, vector<16xf32>,
    %broadcast_in_dim3A_170 = arith.constant 0.000000e+00 : f32
    %broadcast_in_dim3A_171 = vector.broadcast %broadcast_in_dim3A_170 : f32 to vector<16xf32>
    %swap3A_172 = arith.constant 304 : index
    %swap3A_173 = tpu.vector_load %arg9[%swap3A_172] {strides = array<i32>} : memref<384xf32, #tpu.memory_space<vmem>>, vector<16xf32>,
    %swap3A_174 = vector.shape_cast %swap3A_173 : vector<16xf32> to vector<16xf32>
    %swap3A_175 = vector.shape_cast %broadcast_in_dim3A_171 : vector<16xf32> to vector<16xf32>
    tpu.vector_store %arg9[%swap3A_172], %swap3A_175 {strides = array<i32>} : memref<384xf32, #tpu.memory_space<vmem>>, vector<16xf32>,
    %broadcast_in_dim3A_176 = arith.constant 0.000000e+00 : f32
    %broadcast_in_dim3A_177 = vector.broadcast %broadcast_in_dim3A_176 : f32 to vector<16xf32>
    %swap3A_178 = arith.constant 320 : index
    %swap3A_179 = tpu.vector_load %arg9[%swap3A_178] {strides = array<i32>} : memref<384xf32, #tpu.memory_space<vmem>>, vector<16xf32>,
    %swap3A_180 = vector.shape_cast %swap3A_179 : vector<16xf32> to vector<16xf32>
    %swap3A_181 = vector.shape_cast %broadcast_in_dim3A_177 : vector<16xf32> to vector<16xf32>
    tpu.vector_store %arg9[%swap3A_178], %swap3A_181 {strides = array<i32>} : memref<384xf32, #tpu.memory_space<vmem>>, vector<16xf32>,
    %broadcast_in_dim3A_182 = arith.constant 0.000000e+00 : f32
    %broadcast_in_dim3A_183 = vector.broadcast %broadcast_in_dim3A_182 : f32 to vector<16xf32>
    %swap3A_184 = arith.constant 336 : index
    %swap3A_185 = tpu.vector_load %arg9[%swap3A_184] {strides = array<i32>} : memref<384xf32, #tpu.memory_space<vmem>>, vector<16xf32>,
    %swap3A_186 = vector.shape_cast %swap3A_185 : vector<16xf32> to vector<16xf32>
    %swap3A_187 = vector.shape_cast %broadcast_in_dim3A_183 : vector<16xf32> to vector<16xf32>
    tpu.vector_store %arg9[%swap3A_184], %swap3A_187 {strides = array<i32>} : memref<384xf32, #tpu.memory_space<vmem>>, vector<16xf32>,
    %broadcast_in_dim3A_188 = arith.constant 0.000000e+00 : f32
    %broadcast_in_dim3A_189 = vector.broadcast %broadcast_in_dim3A_188 : f32 to vector<16xf32>
    %swap3A_190 = arith.constant 352 : index
    %swap3A_191 = tpu.vector_load %arg9[%swap3A_190] {strides = array<i32>} : memref<384xf32, #tpu.memory_space<vmem>>, vector<16xf32>,
    %swap3A_192 = vector.shape_cast %swap3A_191 : vector<16xf32> to vector<16xf32>
    %swap3A_193 = vector.shape_cast %broadcast_in_dim3A_189 : vector<16xf32> to vector<16xf32>
    tpu.vector_store %arg9[%swap3A_190], %swap3A_193 {strides = array<i32>} : memref<384xf32, #tpu.memory_space<vmem>>, vector<16xf32>,
    %broadcast_in_dim3A_194 = arith.constant 0.000000e+00 : f32
    %broadcast_in_dim3A_195 = vector.broadcast %broadcast_in_dim3A_194 : f32 to vector<16xf32>
    %swap3A_196 = arith.constant 368 : index
    %swap3A_197 = tpu.vector_load %arg9[%swap3A_196] {strides = array<i32>} : memref<384xf32, #tpu.memory_space<vmem>>, vector<16xf32>,
    %swap3A_198 = vector.shape_cast %swap3A_197 : vector<16xf32> to vector<16xf32>
    %swap3A_199 = vector.shape_cast %broadcast_in_dim3A_195 : vector<16xf32> to vector<16xf32>
    tpu.vector_store %arg9[%swap3A_196], %swap3A_199 {strides = array<i32>} : memref<384xf32, #tpu.memory_space<vmem>>, vector<16xf32>,
    %eq3A = arith.constant 0 : i32
    %eq3A_200 = arith.cmpi eq, %arg1, %eq3A : i32
    %convert_element_type3A = arith.extui %eq3A_200 : i1 to i32
    %cond3A = arith.constant 0 : i32
    %cond3A_201 = arith.cmpi ne, %convert_element_type3A, %cond3A : i32
    scf.if %cond3A_201 {
      "tpu.region"() ({
        %run_scoped3A = tpu.sem_alloc : memref<!tpu.dma_semaphore, #tpu.memory_space<semaphore_mem>>
        tpu.enqueue_dma source(%arg9 : memref<384xf32, #tpu.memory_space<vmem>>) target(%arg10 : memref<384xf32, #tpu.memory_space<vmem_shared>>) target_semaphore(%run_scoped3A : memref<!tpu.dma_semaphore, #tpu.memory_space<semaphore_mem>>)
        tpu.wait_dma2 semaphore(%run_scoped3A : memref<!tpu.dma_semaphore, #tpu.memory_space<semaphore_mem>>) src(%arg9 : memref<384xf32, #tpu.memory_space<vmem>>) dst(%arg10 : memref<384xf32, #tpu.memory_space<vmem_shared>>)
        tpu.yield
      }) : () -> ()
      "tpu.region"() ({
        %run_scoped3A = tpu.sem_alloc : memref<!tpu.dma_semaphore, #tpu.memory_space<semaphore_mem>>
        tpu.enqueue_dma source(%arg9 : memref<384xf32, #tpu.memory_space<vmem>>) target(%arg11 : memref<384xf32, #tpu.memory_space<vmem_shared>>) target_semaphore(%run_scoped3A : memref<!tpu.dma_semaphore, #tpu.memory_space<semaphore_mem>>)
        tpu.wait_dma2 semaphore(%run_scoped3A : memref<!tpu.dma_semaphore, #tpu.memory_space<semaphore_mem>>) src(%arg9 : memref<384xf32, #tpu.memory_space<vmem>>) dst(%arg11 : memref<384xf32, #tpu.memory_space<vmem_shared>>)
        tpu.yield
      }) : () -> ()
    } else {
    }
    %dma_wait3A = arith.constant 0 : i32
    %dma_wait3A_202 = tpu.memref_slice %arg2[%mul3A_2, %dma_wait3A] : memref<1024x128xi32, #tpu.memory_space<hbm>> -> memref<32x128xi32, #tpu.memory_space<hbm>>
    %dma_wait3A_203 = arith.constant 0 : i32
    %dma_wait3A_204 = tpu.memref_slice %arg2[%mul3A_2, %dma_wait3A_203] : memref<1024x128xi32, #tpu.memory_space<hbm>> -> memref<32x128xi32, #tpu.memory_space<hbm>>
    tpu.wait_dma2 semaphore(%arg12 : memref<!tpu.dma_semaphore, #tpu.memory_space<semaphore_mem>>) src(%dma_wait3A_204 : memref<32x128xi32, #tpu.memory_space<hbm>>) dst(%arg6 : memref<32x128xi32, #tpu.memory_space<vmem>>)
    %dma_wait3A_205 = arith.constant 0 : i32
    %dma_wait3A_206 = tpu.memref_slice %arg3[%mul3A_2, %dma_wait3A_205] : memref<1024x128xf32, #tpu.memory_space<hbm>> -> memref<32x128xf32, #tpu.memory_space<hbm>>
    %dma_wait3A_207 = arith.constant 0 : i32
    %dma_wait3A_208 = tpu.memref_slice %arg3[%mul3A_2, %dma_wait3A_207] : memref<1024x128xf32, #tpu.memory_space<hbm>> -> memref<32x128xf32, #tpu.memory_space<hbm>>
    tpu.wait_dma2 semaphore(%arg12 : memref<!tpu.dma_semaphore, #tpu.memory_space<semaphore_mem>>) src(%dma_wait3A_208 : memref<32x128xf32, #tpu.memory_space<hbm>>) dst(%arg7 : memref<32x128xf32, #tpu.memory_space<vmem>>)
    %barrier3A = arith.constant 0 : index
    tpu.barrier barrier_id(%barrier3A)
    %dma_start3A_209 = arith.constant 0 : i32
    %dma_start3A_210 = arith.constant 0 : i32
    %dma_start3A_211 = arith.constant 0 : i32
    %dma_start3A_212 = tpu.memref_slice %arg7[%dma_start3A_209, %dma_start3A_211] : memref<32x128xf32, #tpu.memory_space<vmem>> -> memref<1x128xf32, #tpu.memory_space<vmem>>
    %dma_start3A_213 = tpu.memref_squeeze %dma_start3A_212 : memref<1x128xf32, #tpu.memory_space<vmem>> -> memref<128xf32, #tpu.memory_space<vmem>>
    %dma_start3A_214 = arith.constant 0 : i32
    %dma_start3A_215 = tpu.memref_slice %arg6[%dma_start3A_210, %dma_start3A_214] : memref<32x128xi32, #tpu.memory_space<vmem>> -> memref<1x128xi32, #tpu.memory_space<vmem>>
    %dma_start3A_216 = tpu.memref_squeeze %dma_start3A_215 : memref<1x128xi32, #tpu.memory_space<vmem>> -> memref<128xi32, #tpu.memory_space<vmem>>
    %dma_start3A_217 = arith.constant 0 : i32
    %dma_start3A_218 = tpu.memref_slice %arg10[%dma_start3A_217] : memref<384xf32, #tpu.memory_space<vmem_shared>> -> memref<384xf32, #tpu.memory_space<vmem_shared>>
    tpu.enqueue_indirect_dma source(%dma_start3A_213 : memref<128xf32, #tpu.memory_space<vmem>>) target(%dma_start3A_218 : memref<384xf32, #tpu.memory_space<vmem_shared>>) offsets(%dma_start3A_216 : memref<128xi32, #tpu.memory_space<vmem>>) semaphore(%arg13 : memref<!tpu.dma_semaphore, #tpu.memory_space<semaphore_mem>>) {add = true}
    %dma_start3A_219 = arith.constant 0 : i32
    %dma_start3A_220 = arith.constant 0 : i32
    %dma_start3A_221 = tpu.memref_slice %arg6[%dma_start3A_219, %dma_start3A_220] : memref<32x128xi32, #tpu.memory_space<vmem>> -> memref<1x128xi32, #tpu.memory_space<vmem>>
    %dma_start3A_222 = tpu.memref_squeeze %dma_start3A_221 : memref<1x128xi32, #tpu.memory_space<vmem>> -> memref<128xi32, #tpu.memory_space<vmem>>
    %dma_start3A_223 = arith.constant 0 : i32
    %dma_start3A_224 = tpu.memref_slice %arg11[%dma_start3A_223] : memref<384xf32, #tpu.memory_space<vmem_shared>> -> memref<384xf32, #tpu.memory_space<vmem_shared>>
    tpu.enqueue_indirect_dma source(%arg8 : memref<128xf32, #tpu.memory_space<vmem>>) target(%dma_start3A_224 : memref<384xf32, #tpu.memory_space<vmem_shared>>) offsets(%dma_start3A_222 : memref<128xi32, #tpu.memory_space<vmem>>) semaphore(%arg13 : memref<!tpu.dma_semaphore, #tpu.memory_space<semaphore_mem>>) {add = true}
    %dma_start3A_225 = arith.constant 1 : i32
    %dma_start3A_226 = arith.constant 1 : i32
    %dma_start3A_227 = arith.constant 0 : i32
    %dma_start3A_228 = tpu.memref_slice %arg7[%dma_start3A_225, %dma_start3A_227] : memref<32x128xf32, #tpu.memory_space<vmem>> -> memref<1x128xf32, #tpu.memory_space<vmem>>
    %dma_start3A_229 = tpu.memref_squeeze %dma_start3A_228 : memref<1x128xf32, #tpu.memory_space<vmem>> -> memref<128xf32, #tpu.memory_space<vmem>>
    %dma_start3A_230 = arith.constant 0 : i32
    %dma_start3A_231 = tpu.memref_slice %arg6[%dma_start3A_226, %dma_start3A_230] : memref<32x128xi32, #tpu.memory_space<vmem>> -> memref<1x128xi32, #tpu.memory_space<vmem>>
    %dma_start3A_232 = tpu.memref_squeeze %dma_start3A_231 : memref<1x128xi32, #tpu.memory_space<vmem>> -> memref<128xi32, #tpu.memory_space<vmem>>
    %dma_start3A_233 = arith.constant 0 : i32
    %dma_start3A_234 = tpu.memref_slice %arg10[%dma_start3A_233] : memref<384xf32, #tpu.memory_space<vmem_shared>> -> memref<384xf32, #tpu.memory_space<vmem_shared>>
    tpu.enqueue_indirect_dma source(%dma_start3A_229 : memref<128xf32, #tpu.memory_space<vmem>>) target(%dma_start3A_234 : memref<384xf32, #tpu.memory_space<vmem_shared>>) offsets(%dma_start3A_232 : memref<128xi32, #tpu.memory_space<vmem>>) semaphore(%arg13 : memref<!tpu.dma_semaphore, #tpu.memory_space<semaphore_mem>>) {add = true}
    %dma_start3A_235 = arith.constant 1 : i32
    %dma_start3A_236 = arith.constant 0 : i32
    %dma_start3A_237 = tpu.memref_slice %arg6[%dma_start3A_235, %dma_start3A_236] : memref<32x128xi32, #tpu.memory_space<vmem>> -> memref<1x128xi32, #tpu.memory_space<vmem>>
    %dma_start3A_238 = tpu.memref_squeeze %dma_start3A_237 : memref<1x128xi32, #tpu.memory_space<vmem>> -> memref<128xi32, #tpu.memory_space<vmem>>
    %dma_start3A_239 = arith.constant 0 : i32
    %dma_start3A_240 = tpu.memref_slice %arg11[%dma_start3A_239] : memref<384xf32, #tpu.memory_space<vmem_shared>> -> memref<384xf32, #tpu.memory_space<vmem_shared>>
    tpu.enqueue_indirect_dma source(%arg8 : memref<128xf32, #tpu.memory_space<vmem>>) target(%dma_start3A_240 : memref<384xf32, #tpu.memory_space<vmem_shared>>) offsets(%dma_start3A_238 : memref<128xi32, #tpu.memory_space<vmem>>) semaphore(%arg13 : memref<!tpu.dma_semaphore, #tpu.memory_space<semaphore_mem>>) {add = true}
    %dma_start3A_241 = arith.constant 2 : i32
    %dma_start3A_242 = arith.constant 2 : i32
    %dma_start3A_243 = arith.constant 0 : i32
    %dma_start3A_244 = tpu.memref_slice %arg7[%dma_start3A_241, %dma_start3A_243] : memref<32x128xf32, #tpu.memory_space<vmem>> -> memref<1x128xf32, #tpu.memory_space<vmem>>
    %dma_start3A_245 = tpu.memref_squeeze %dma_start3A_244 : memref<1x128xf32, #tpu.memory_space<vmem>> -> memref<128xf32, #tpu.memory_space<vmem>>
    %dma_start3A_246 = arith.constant 0 : i32
    %dma_start3A_247 = tpu.memref_slice %arg6[%dma_start3A_242, %dma_start3A_246] : memref<32x128xi32, #tpu.memory_space<vmem>> -> memref<1x128xi32, #tpu.memory_space<vmem>>
    %dma_start3A_248 = tpu.memref_squeeze %dma_start3A_247 : memref<1x128xi32, #tpu.memory_space<vmem>> -> memref<128xi32, #tpu.memory_space<vmem>>
    %dma_start3A_249 = arith.constant 0 : i32
    %dma_start3A_250 = tpu.memref_slice %arg10[%dma_start3A_249] : memref<384xf32, #tpu.memory_space<vmem_shared>> -> memref<384xf32, #tpu.memory_space<vmem_shared>>
    tpu.enqueue_indirect_dma source(%dma_start3A_245 : memref<128xf32, #tpu.memory_space<vmem>>) target(%dma_start3A_250 : memref<384xf32, #tpu.memory_space<vmem_shared>>) offsets(%dma_start3A_248 : memref<128xi32, #tpu.memory_space<vmem>>) semaphore(%arg13 : memref<!tpu.dma_semaphore, #tpu.memory_space<semaphore_mem>>) {add = true}
    %dma_start3A_251 = arith.constant 2 : i32
    %dma_start3A_252 = arith.constant 0 : i32
    %dma_start3A_253 = tpu.memref_slice %arg6[%dma_start3A_251, %dma_start3A_252] : memref<32x128xi32, #tpu.memory_space<vmem>> -> memref<1x128xi32, #tpu.memory_space<vmem>>
    %dma_start3A_254 = tpu.memref_squeeze %dma_start3A_253 : memref<1x128xi32, #tpu.memory_space<vmem>> -> memref<128xi32, #tpu.memory_space<vmem>>
    %dma_start3A_255 = arith.constant 0 : i32
    %dma_start3A_256 = tpu.memref_slice %arg11[%dma_start3A_255] : memref<384xf32, #tpu.memory_space<vmem_shared>> -> memref<384xf32, #tpu.memory_space<vmem_shared>>
    tpu.enqueue_indirect_dma source(%arg8 : memref<128xf32, #tpu.memory_space<vmem>>) target(%dma_start3A_256 : memref<384xf32, #tpu.memory_space<vmem_shared>>) offsets(%dma_start3A_254 : memref<128xi32, #tpu.memory_space<vmem>>) semaphore(%arg13 : memref<!tpu.dma_semaphore, #tpu.memory_space<semaphore_mem>>) {add = true}
    %dma_start3A_257 = arith.constant 3 : i32
    %dma_start3A_258 = arith.constant 3 : i32
    %dma_start3A_259 = arith.constant 0 : i32
    %dma_start3A_260 = tpu.memref_slice %arg7[%dma_start3A_257, %dma_start3A_259] : memref<32x128xf32, #tpu.memory_space<vmem>> -> memref<1x128xf32, #tpu.memory_space<vmem>>
    %dma_start3A_261 = tpu.memref_squeeze %dma_start3A_260 : memref<1x128xf32, #tpu.memory_space<vmem>> -> memref<128xf32, #tpu.memory_space<vmem>>
    %dma_start3A_262 = arith.constant 0 : i32
    %dma_start3A_263 = tpu.memref_slice %arg6[%dma_start3A_258, %dma_start3A_262] : memref<32x128xi32, #tpu.memory_space<vmem>> -> memref<1x128xi32, #tpu.memory_space<vmem>>
    %dma_start3A_264 = tpu.memref_squeeze %dma_start3A_263 : memref<1x128xi32, #tpu.memory_space<vmem>> -> memref<128xi32, #tpu.memory_space<vmem>>
    %dma_start3A_265 = arith.constant 0 : i32
    %dma_start3A_266 = tpu.memref_slice %arg10[%dma_start3A_265] : memref<384xf32, #tpu.memory_space<vmem_shared>> -> memref<384xf32, #tpu.memory_space<vmem_shared>>
    tpu.enqueue_indirect_dma source(%dma_start3A_261 : memref<128xf32, #tpu.memory_space<vmem>>) target(%dma_start3A_266 : memref<384xf32, #tpu.memory_space<vmem_shared>>) offsets(%dma_start3A_264 : memref<128xi32, #tpu.memory_space<vmem>>) semaphore(%arg13 : memref<!tpu.dma_semaphore, #tpu.memory_space<semaphore_mem>>) {add = true}
    %dma_start3A_267 = arith.constant 3 : i32
    %dma_start3A_268 = arith.constant 0 : i32
    %dma_start3A_269 = tpu.memref_slice %arg6[%dma_start3A_267, %dma_start3A_268] : memref<32x128xi32, #tpu.memory_space<vmem>> -> memref<1x128xi32, #tpu.memory_space<vmem>>
    %dma_start3A_270 = tpu.memref_squeeze %dma_start3A_269 : memref<1x128xi32, #tpu.memory_space<vmem>> -> memref<128xi32, #tpu.memory_space<vmem>>
    %dma_start3A_271 = arith.constant 0 : i32
    %dma_start3A_272 = tpu.memref_slice %arg11[%dma_start3A_271] : memref<384xf32, #tpu.memory_space<vmem_shared>> -> memref<384xf32, #tpu.memory_space<vmem_shared>>
    tpu.enqueue_indirect_dma source(%arg8 : memref<128xf32, #tpu.memory_space<vmem>>) target(%dma_start3A_272 : memref<384xf32, #tpu.memory_space<vmem_shared>>) offsets(%dma_start3A_270 : memref<128xi32, #tpu.memory_space<vmem>>) semaphore(%arg13 : memref<!tpu.dma_semaphore, #tpu.memory_space<semaphore_mem>>) {add = true}
    %dma_start3A_273 = arith.constant 4 : i32
    %dma_start3A_274 = arith.constant 4 : i32
    %dma_start3A_275 = arith.constant 0 : i32
    %dma_start3A_276 = tpu.memref_slice %arg7[%dma_start3A_273, %dma_start3A_275] : memref<32x128xf32, #tpu.memory_space<vmem>> -> memref<1x128xf32, #tpu.memory_space<vmem>>
    %dma_start3A_277 = tpu.memref_squeeze %dma_start3A_276 : memref<1x128xf32, #tpu.memory_space<vmem>> -> memref<128xf32, #tpu.memory_space<vmem>>
    %dma_start3A_278 = arith.constant 0 : i32
    %dma_start3A_279 = tpu.memref_slice %arg6[%dma_start3A_274, %dma_start3A_278] : memref<32x128xi32, #tpu.memory_space<vmem>> -> memref<1x128xi32, #tpu.memory_space<vmem>>
    %dma_start3A_280 = tpu.memref_squeeze %dma_start3A_279 : memref<1x128xi32, #tpu.memory_space<vmem>> -> memref<128xi32, #tpu.memory_space<vmem>>
    %dma_start3A_281 = arith.constant 0 : i32
    %dma_start3A_282 = tpu.memref_slice %arg10[%dma_start3A_281] : memref<384xf32, #tpu.memory_space<vmem_shared>> -> memref<384xf32, #tpu.memory_space<vmem_shared>>
    tpu.enqueue_indirect_dma source(%dma_start3A_277 : memref<128xf32, #tpu.memory_space<vmem>>) target(%dma_start3A_282 : memref<384xf32, #tpu.memory_space<vmem_shared>>) offsets(%dma_start3A_280 : memref<128xi32, #tpu.memory_space<vmem>>) semaphore(%arg13 : memref<!tpu.dma_semaphore, #tpu.memory_space<semaphore_mem>>) {add = true}
    %dma_start3A_283 = arith.constant 4 : i32
    %dma_start3A_284 = arith.constant 0 : i32
    %dma_start3A_285 = tpu.memref_slice %arg6[%dma_start3A_283, %dma_start3A_284] : memref<32x128xi32, #tpu.memory_space<vmem>> -> memref<1x128xi32, #tpu.memory_space<vmem>>
    %dma_start3A_286 = tpu.memref_squeeze %dma_start3A_285 : memref<1x128xi32, #tpu.memory_space<vmem>> -> memref<128xi32, #tpu.memory_space<vmem>>
    %dma_start3A_287 = arith.constant 0 : i32
    %dma_start3A_288 = tpu.memref_slice %arg11[%dma_start3A_287] : memref<384xf32, #tpu.memory_space<vmem_shared>> -> memref<384xf32, #tpu.memory_space<vmem_shared>>
    tpu.enqueue_indirect_dma source(%arg8 : memref<128xf32, #tpu.memory_space<vmem>>) target(%dma_start3A_288 : memref<384xf32, #tpu.memory_space<vmem_shared>>) offsets(%dma_start3A_286 : memref<128xi32, #tpu.memory_space<vmem>>) semaphore(%arg13 : memref<!tpu.dma_semaphore, #tpu.memory_space<semaphore_mem>>) {add = true}
    %dma_start3A_289 = arith.constant 5 : i32
    %dma_start3A_290 = arith.constant 5 : i32
    %dma_start3A_291 = arith.constant 0 : i32
    %dma_start3A_292 = tpu.memref_slice %arg7[%dma_start3A_289, %dma_start3A_291] : memref<32x128xf32, #tpu.memory_space<vmem>> -> memref<1x128xf32, #tpu.memory_space<vmem>>
    %dma_start3A_293 = tpu.memref_squeeze %dma_start3A_292 : memref<1x128xf32, #tpu.memory_space<vmem>> -> memref<128xf32, #tpu.memory_space<vmem>>
    %dma_start3A_294 = arith.constant 0 : i32
    %dma_start3A_295 = tpu.memref_slice %arg6[%dma_start3A_290, %dma_start3A_294] : memref<32x128xi32, #tpu.memory_space<vmem>> -> memref<1x128xi32, #tpu.memory_space<vmem>>
    %dma_start3A_296 = tpu.memref_squeeze %dma_start3A_295 : memref<1x128xi32, #tpu.memory_space<vmem>> -> memref<128xi32, #tpu.memory_space<vmem>>
    %dma_start3A_297 = arith.constant 0 : i32
    %dma_start3A_298 = tpu.memref_slice %arg10[%dma_start3A_297] : memref<384xf32, #tpu.memory_space<vmem_shared>> -> memref<384xf32, #tpu.memory_space<vmem_shared>>
    tpu.enqueue_indirect_dma source(%dma_start3A_293 : memref<128xf32, #tpu.memory_space<vmem>>) target(%dma_start3A_298 : memref<384xf32, #tpu.memory_space<vmem_shared>>) offsets(%dma_start3A_296 : memref<128xi32, #tpu.memory_space<vmem>>) semaphore(%arg13 : memref<!tpu.dma_semaphore, #tpu.memory_space<semaphore_mem>>) {add = true}
    %dma_start3A_299 = arith.constant 5 : i32
    %dma_start3A_300 = arith.constant 0 : i32
    %dma_start3A_301 = tpu.memref_slice %arg6[%dma_start3A_299, %dma_start3A_300] : memref<32x128xi32, #tpu.memory_space<vmem>> -> memref<1x128xi32, #tpu.memory_space<vmem>>
    %dma_start3A_302 = tpu.memref_squeeze %dma_start3A_301 : memref<1x128xi32, #tpu.memory_space<vmem>> -> memref<128xi32, #tpu.memory_space<vmem>>
    %dma_start3A_303 = arith.constant 0 : i32
    %dma_start3A_304 = tpu.memref_slice %arg11[%dma_start3A_303] : memref<384xf32, #tpu.memory_space<vmem_shared>> -> memref<384xf32, #tpu.memory_space<vmem_shared>>
    tpu.enqueue_indirect_dma source(%arg8 : memref<128xf32, #tpu.memory_space<vmem>>) target(%dma_start3A_304 : memref<384xf32, #tpu.memory_space<vmem_shared>>) offsets(%dma_start3A_302 : memref<128xi32, #tpu.memory_space<vmem>>) semaphore(%arg13 : memref<!tpu.dma_semaphore, #tpu.memory_space<semaphore_mem>>) {add = true}
    %dma_start3A_305 = arith.constant 6 : i32
    %dma_start3A_306 = arith.constant 6 : i32
    %dma_start3A_307 = arith.constant 0 : i32
    %dma_start3A_308 = tpu.memref_slice %arg7[%dma_start3A_305, %dma_start3A_307] : memref<32x128xf32, #tpu.memory_space<vmem>> -> memref<1x128xf32, #tpu.memory_space<vmem>>
    %dma_start3A_309 = tpu.memref_squeeze %dma_start3A_308 : memref<1x128xf32, #tpu.memory_space<vmem>> -> memref<128xf32, #tpu.memory_space<vmem>>
    %dma_start3A_310 = arith.constant 0 : i32
    %dma_start3A_311 = tpu.memref_slice %arg6[%dma_start3A_306, %dma_start3A_310] : memref<32x128xi32, #tpu.memory_space<vmem>> -> memref<1x128xi32, #tpu.memory_space<vmem>>
    %dma_start3A_312 = tpu.memref_squeeze %dma_start3A_311 : memref<1x128xi32, #tpu.memory_space<vmem>> -> memref<128xi32, #tpu.memory_space<vmem>>
    %dma_start3A_313 = arith.constant 0 : i32
    %dma_start3A_314 = tpu.memref_slice %arg10[%dma_start3A_313] : memref<384xf32, #tpu.memory_space<vmem_shared>> -> memref<384xf32, #tpu.memory_space<vmem_shared>>
    tpu.enqueue_indirect_dma source(%dma_start3A_309 : memref<128xf32, #tpu.memory_space<vmem>>) target(%dma_start3A_314 : memref<384xf32, #tpu.memory_space<vmem_shared>>) offsets(%dma_start3A_312 : memref<128xi32, #tpu.memory_space<vmem>>) semaphore(%arg13 : memref<!tpu.dma_semaphore, #tpu.memory_space<semaphore_mem>>) {add = true}
    %dma_start3A_315 = arith.constant 6 : i32
    %dma_start3A_316 = arith.constant 0 : i32
    %dma_start3A_317 = tpu.memref_slice %arg6[%dma_start3A_315, %dma_start3A_316] : memref<32x128xi32, #tpu.memory_space<vmem>> -> memref<1x128xi32, #tpu.memory_space<vmem>>
    %dma_start3A_318 = tpu.memref_squeeze %dma_start3A_317 : memref<1x128xi32, #tpu.memory_space<vmem>> -> memref<128xi32, #tpu.memory_space<vmem>>
    %dma_start3A_319 = arith.constant 0 : i32
    %dma_start3A_320 = tpu.memref_slice %arg11[%dma_start3A_319] : memref<384xf32, #tpu.memory_space<vmem_shared>> -> memref<384xf32, #tpu.memory_space<vmem_shared>>
    tpu.enqueue_indirect_dma source(%arg8 : memref<128xf32, #tpu.memory_space<vmem>>) target(%dma_start3A_320 : memref<384xf32, #tpu.memory_space<vmem_shared>>) offsets(%dma_start3A_318 : memref<128xi32, #tpu.memory_space<vmem>>) semaphore(%arg13 : memref<!tpu.dma_semaphore, #tpu.memory_space<semaphore_mem>>) {add = true}
    %dma_start3A_321 = arith.constant 7 : i32
    %dma_start3A_322 = arith.constant 7 : i32
    %dma_start3A_323 = arith.constant 0 : i32
    %dma_start3A_324 = tpu.memref_slice %arg7[%dma_start3A_321, %dma_start3A_323] : memref<32x128xf32, #tpu.memory_space<vmem>> -> memref<1x128xf32, #tpu.memory_space<vmem>>
    %dma_start3A_325 = tpu.memref_squeeze %dma_start3A_324 : memref<1x128xf32, #tpu.memory_space<vmem>> -> memref<128xf32, #tpu.memory_space<vmem>>
    %dma_start3A_326 = arith.constant 0 : i32
    %dma_start3A_327 = tpu.memref_slice %arg6[%dma_start3A_322, %dma_start3A_326] : memref<32x128xi32, #tpu.memory_space<vmem>> -> memref<1x128xi32, #tpu.memory_space<vmem>>
    %dma_start3A_328 = tpu.memref_squeeze %dma_start3A_327 : memref<1x128xi32, #tpu.memory_space<vmem>> -> memref<128xi32, #tpu.memory_space<vmem>>
    %dma_start3A_329 = arith.constant 0 : i32
    %dma_start3A_330 = tpu.memref_slice %arg10[%dma_start3A_329] : memref<384xf32, #tpu.memory_space<vmem_shared>> -> memref<384xf32, #tpu.memory_space<vmem_shared>>
    tpu.enqueue_indirect_dma source(%dma_start3A_325 : memref<128xf32, #tpu.memory_space<vmem>>) target(%dma_start3A_330 : memref<384xf32, #tpu.memory_space<vmem_shared>>) offsets(%dma_start3A_328 : memref<128xi32, #tpu.memory_space<vmem>>) semaphore(%arg13 : memref<!tpu.dma_semaphore, #tpu.memory_space<semaphore_mem>>) {add = true}
    %dma_start3A_331 = arith.constant 7 : i32
    %dma_start3A_332 = arith.constant 0 : i32
    %dma_start3A_333 = tpu.memref_slice %arg6[%dma_start3A_331, %dma_start3A_332] : memref<32x128xi32, #tpu.memory_space<vmem>> -> memref<1x128xi32, #tpu.memory_space<vmem>>
    %dma_start3A_334 = tpu.memref_squeeze %dma_start3A_333 : memref<1x128xi32, #tpu.memory_space<vmem>> -> memref<128xi32, #tpu.memory_space<vmem>>
    %dma_start3A_335 = arith.constant 0 : i32
    %dma_start3A_336 = tpu.memref_slice %arg11[%dma_start3A_335] : memref<384xf32, #tpu.memory_space<vmem_shared>> -> memref<384xf32, #tpu.memory_space<vmem_shared>>
    tpu.enqueue_indirect_dma source(%arg8 : memref<128xf32, #tpu.memory_space<vmem>>) target(%dma_start3A_336 : memref<384xf32, #tpu.memory_space<vmem_shared>>) offsets(%dma_start3A_334 : memref<128xi32, #tpu.memory_space<vmem>>) semaphore(%arg13 : memref<!tpu.dma_semaphore, #tpu.memory_space<semaphore_mem>>) {add = true}
    %dma_start3A_337 = arith.constant 8 : i32
    %dma_start3A_338 = arith.constant 8 : i32
    %dma_start3A_339 = arith.constant 0 : i32
    %dma_start3A_340 = tpu.memref_slice %arg7[%dma_start3A_337, %dma_start3A_339] : memref<32x128xf32, #tpu.memory_space<vmem>> -> memref<1x128xf32, #tpu.memory_space<vmem>>
    %dma_start3A_341 = tpu.memref_squeeze %dma_start3A_340 : memref<1x128xf32, #tpu.memory_space<vmem>> -> memref<128xf32, #tpu.memory_space<vmem>>
    %dma_start3A_342 = arith.constant 0 : i32
    %dma_start3A_343 = tpu.memref_slice %arg6[%dma_start3A_338, %dma_start3A_342] : memref<32x128xi32, #tpu.memory_space<vmem>> -> memref<1x128xi32, #tpu.memory_space<vmem>>
    %dma_start3A_344 = tpu.memref_squeeze %dma_start3A_343 : memref<1x128xi32, #tpu.memory_space<vmem>> -> memref<128xi32, #tpu.memory_space<vmem>>
    %dma_start3A_345 = arith.constant 0 : i32
    %dma_start3A_346 = tpu.memref_slice %arg10[%dma_start3A_345] : memref<384xf32, #tpu.memory_space<vmem_shared>> -> memref<384xf32, #tpu.memory_space<vmem_shared>>
    tpu.enqueue_indirect_dma source(%dma_start3A_341 : memref<128xf32, #tpu.memory_space<vmem>>) target(%dma_start3A_346 : memref<384xf32, #tpu.memory_space<vmem_shared>>) offsets(%dma_start3A_344 : memref<128xi32, #tpu.memory_space<vmem>>) semaphore(%arg13 : memref<!tpu.dma_semaphore, #tpu.memory_space<semaphore_mem>>) {add = true}
    %dma_start3A_347 = arith.constant 8 : i32
    %dma_start3A_348 = arith.constant 0 : i32
    %dma_start3A_349 = tpu.memref_slice %arg6[%dma_start3A_347, %dma_start3A_348] : memref<32x128xi32, #tpu.memory_space<vmem>> -> memref<1x128xi32, #tpu.memory_space<vmem>>
    %dma_start3A_350 = tpu.memref_squeeze %dma_start3A_349 : memref<1x128xi32, #tpu.memory_space<vmem>> -> memref<128xi32, #tpu.memory_space<vmem>>
    %dma_start3A_351 = arith.constant 0 : i32
    %dma_start3A_352 = tpu.memref_slice %arg11[%dma_start3A_351] : memref<384xf32, #tpu.memory_space<vmem_shared>> -> memref<384xf32, #tpu.memory_space<vmem_shared>>
    tpu.enqueue_indirect_dma source(%arg8 : memref<128xf32, #tpu.memory_space<vmem>>) target(%dma_start3A_352 : memref<384xf32, #tpu.memory_space<vmem_shared>>) offsets(%dma_start3A_350 : memref<128xi32, #tpu.memory_space<vmem>>) semaphore(%arg13 : memref<!tpu.dma_semaphore, #tpu.memory_space<semaphore_mem>>) {add = true}
    %dma_start3A_353 = arith.constant 9 : i32
    %dma_start3A_354 = arith.constant 9 : i32
    %dma_start3A_355 = arith.constant 0 : i32
    %dma_start3A_356 = tpu.memref_slice %arg7[%dma_start3A_353, %dma_start3A_355] : memref<32x128xf32, #tpu.memory_space<vmem>> -> memref<1x128xf32, #tpu.memory_space<vmem>>
    %dma_start3A_357 = tpu.memref_squeeze %dma_start3A_356 : memref<1x128xf32, #tpu.memory_space<vmem>> -> memref<128xf32, #tpu.memory_space<vmem>>
    %dma_start3A_358 = arith.constant 0 : i32
    %dma_start3A_359 = tpu.memref_slice %arg6[%dma_start3A_354, %dma_start3A_358] : memref<32x128xi32, #tpu.memory_space<vmem>> -> memref<1x128xi32, #tpu.memory_space<vmem>>
    %dma_start3A_360 = tpu.memref_squeeze %dma_start3A_359 : memref<1x128xi32, #tpu.memory_space<vmem>> -> memref<128xi32, #tpu.memory_space<vmem>>
    %dma_start3A_361 = arith.constant 0 : i32
    %dma_start3A_362 = tpu.memref_slice %arg10[%dma_start3A_361] : memref<384xf32, #tpu.memory_space<vmem_shared>> -> memref<384xf32, #tpu.memory_space<vmem_shared>>
    tpu.enqueue_indirect_dma source(%dma_start3A_357 : memref<128xf32, #tpu.memory_space<vmem>>) target(%dma_start3A_362 : memref<384xf32, #tpu.memory_space<vmem_shared>>) offsets(%dma_start3A_360 : memref<128xi32, #tpu.memory_space<vmem>>) semaphore(%arg13 : memref<!tpu.dma_semaphore, #tpu.memory_space<semaphore_mem>>) {add = true}
    %dma_start3A_363 = arith.constant 9 : i32
    %dma_start3A_364 = arith.constant 0 : i32
    %dma_start3A_365 = tpu.memref_slice %arg6[%dma_start3A_363, %dma_start3A_364] : memref<32x128xi32, #tpu.memory_space<vmem>> -> memref<1x128xi32, #tpu.memory_space<vmem>>
    %dma_start3A_366 = tpu.memref_squeeze %dma_start3A_365 : memref<1x128xi32, #tpu.memory_space<vmem>> -> memref<128xi32, #tpu.memory_space<vmem>>
    %dma_start3A_367 = arith.constant 0 : i32
    %dma_start3A_368 = tpu.memref_slice %arg11[%dma_start3A_367] : memref<384xf32, #tpu.memory_space<vmem_shared>> -> memref<384xf32, #tpu.memory_space<vmem_shared>>
    tpu.enqueue_indirect_dma source(%arg8 : memref<128xf32, #tpu.memory_space<vmem>>) target(%dma_start3A_368 : memref<384xf32, #tpu.memory_space<vmem_shared>>) offsets(%dma_start3A_366 : memref<128xi32, #tpu.memory_space<vmem>>) semaphore(%arg13 : memref<!tpu.dma_semaphore, #tpu.memory_space<semaphore_mem>>) {add = true}
    %dma_start3A_369 = arith.constant 10 : i32
    %dma_start3A_370 = arith.constant 10 : i32
    %dma_start3A_371 = arith.constant 0 : i32
    %dma_start3A_372 = tpu.memref_slice %arg7[%dma_start3A_369, %dma_start3A_371] : memref<32x128xf32, #tpu.memory_space<vmem>> -> memref<1x128xf32, #tpu.memory_space<vmem>>
    %dma_start3A_373 = tpu.memref_squeeze %dma_start3A_372 : memref<1x128xf32, #tpu.memory_space<vmem>> -> memref<128xf32, #tpu.memory_space<vmem>>
    %dma_start3A_374 = arith.constant 0 : i32
    %dma_start3A_375 = tpu.memref_slice %arg6[%dma_start3A_370, %dma_start3A_374] : memref<32x128xi32, #tpu.memory_space<vmem>> -> memref<1x128xi32, #tpu.memory_space<vmem>>
    %dma_start3A_376 = tpu.memref_squeeze %dma_start3A_375 : memref<1x128xi32, #tpu.memory_space<vmem>> -> memref<128xi32, #tpu.memory_space<vmem>>
    %dma_start3A_377 = arith.constant 0 : i32
    %dma_start3A_378 = tpu.memref_slice %arg10[%dma_start3A_377] : memref<384xf32, #tpu.memory_space<vmem_shared>> -> memref<384xf32, #tpu.memory_space<vmem_shared>>
    tpu.enqueue_indirect_dma source(%dma_start3A_373 : memref<128xf32, #tpu.memory_space<vmem>>) target(%dma_start3A_378 : memref<384xf32, #tpu.memory_space<vmem_shared>>) offsets(%dma_start3A_376 : memref<128xi32, #tpu.memory_space<vmem>>) semaphore(%arg13 : memref<!tpu.dma_semaphore, #tpu.memory_space<semaphore_mem>>) {add = true}
    %dma_start3A_379 = arith.constant 10 : i32
    %dma_start3A_380 = arith.constant 0 : i32
    %dma_start3A_381 = tpu.memref_slice %arg6[%dma_start3A_379, %dma_start3A_380] : memref<32x128xi32, #tpu.memory_space<vmem>> -> memref<1x128xi32, #tpu.memory_space<vmem>>
    %dma_start3A_382 = tpu.memref_squeeze %dma_start3A_381 : memref<1x128xi32, #tpu.memory_space<vmem>> -> memref<128xi32, #tpu.memory_space<vmem>>
    %dma_start3A_383 = arith.constant 0 : i32
    %dma_start3A_384 = tpu.memref_slice %arg11[%dma_start3A_383] : memref<384xf32, #tpu.memory_space<vmem_shared>> -> memref<384xf32, #tpu.memory_space<vmem_shared>>
    tpu.enqueue_indirect_dma source(%arg8 : memref<128xf32, #tpu.memory_space<vmem>>) target(%dma_start3A_384 : memref<384xf32, #tpu.memory_space<vmem_shared>>) offsets(%dma_start3A_382 : memref<128xi32, #tpu.memory_space<vmem>>) semaphore(%arg13 : memref<!tpu.dma_semaphore, #tpu.memory_space<semaphore_mem>>) {add = true}
    %dma_start3A_385 = arith.constant 11 : i32
    %dma_start3A_386 = arith.constant 11 : i32
    %dma_start3A_387 = arith.constant 0 : i32
    %dma_start3A_388 = tpu.memref_slice %arg7[%dma_start3A_385, %dma_start3A_387] : memref<32x128xf32, #tpu.memory_space<vmem>> -> memref<1x128xf32, #tpu.memory_space<vmem>>
    %dma_start3A_389 = tpu.memref_squeeze %dma_start3A_388 : memref<1x128xf32, #tpu.memory_space<vmem>> -> memref<128xf32, #tpu.memory_space<vmem>>
    %dma_start3A_390 = arith.constant 0 : i32
    %dma_start3A_391 = tpu.memref_slice %arg6[%dma_start3A_386, %dma_start3A_390] : memref<32x128xi32, #tpu.memory_space<vmem>> -> memref<1x128xi32, #tpu.memory_space<vmem>>
    %dma_start3A_392 = tpu.memref_squeeze %dma_start3A_391 : memref<1x128xi32, #tpu.memory_space<vmem>> -> memref<128xi32, #tpu.memory_space<vmem>>
    %dma_start3A_393 = arith.constant 0 : i32
    %dma_start3A_394 = tpu.memref_slice %arg10[%dma_start3A_393] : memref<384xf32, #tpu.memory_space<vmem_shared>> -> memref<384xf32, #tpu.memory_space<vmem_shared>>
    tpu.enqueue_indirect_dma source(%dma_start3A_389 : memref<128xf32, #tpu.memory_space<vmem>>) target(%dma_start3A_394 : memref<384xf32, #tpu.memory_space<vmem_shared>>) offsets(%dma_start3A_392 : memref<128xi32, #tpu.memory_space<vmem>>) semaphore(%arg13 : memref<!tpu.dma_semaphore, #tpu.memory_space<semaphore_mem>>) {add = true}
    %dma_start3A_395 = arith.constant 11 : i32
    %dma_start3A_396 = arith.constant 0 : i32
    %dma_start3A_397 = tpu.memref_slice %arg6[%dma_start3A_395, %dma_start3A_396] : memref<32x128xi32, #tpu.memory_space<vmem>> -> memref<1x128xi32, #tpu.memory_space<vmem>>
    %dma_start3A_398 = tpu.memref_squeeze %dma_start3A_397 : memref<1x128xi32, #tpu.memory_space<vmem>> -> memref<128xi32, #tpu.memory_space<vmem>>
    %dma_start3A_399 = arith.constant 0 : i32
    %dma_start3A_400 = tpu.memref_slice %arg11[%dma_start3A_399] : memref<384xf32, #tpu.memory_space<vmem_shared>> -> memref<384xf32, #tpu.memory_space<vmem_shared>>
    tpu.enqueue_indirect_dma source(%arg8 : memref<128xf32, #tpu.memory_space<vmem>>) target(%dma_start3A_400 : memref<384xf32, #tpu.memory_space<vmem_shared>>) offsets(%dma_start3A_398 : memref<128xi32, #tpu.memory_space<vmem>>) semaphore(%arg13 : memref<!tpu.dma_semaphore, #tpu.memory_space<semaphore_mem>>) {add = true}
    %dma_start3A_401 = arith.constant 12 : i32
    %dma_start3A_402 = arith.constant 12 : i32
    %dma_start3A_403 = arith.constant 0 : i32
    %dma_start3A_404 = tpu.memref_slice %arg7[%dma_start3A_401, %dma_start3A_403] : memref<32x128xf32, #tpu.memory_space<vmem>> -> memref<1x128xf32, #tpu.memory_space<vmem>>
    %dma_start3A_405 = tpu.memref_squeeze %dma_start3A_404 : memref<1x128xf32, #tpu.memory_space<vmem>> -> memref<128xf32, #tpu.memory_space<vmem>>
    %dma_start3A_406 = arith.constant 0 : i32
    %dma_start3A_407 = tpu.memref_slice %arg6[%dma_start3A_402, %dma_start3A_406] : memref<32x128xi32, #tpu.memory_space<vmem>> -> memref<1x128xi32, #tpu.memory_space<vmem>>
    %dma_start3A_408 = tpu.memref_squeeze %dma_start3A_407 : memref<1x128xi32, #tpu.memory_space<vmem>> -> memref<128xi32, #tpu.memory_space<vmem>>
    %dma_start3A_409 = arith.constant 0 : i32
    %dma_start3A_410 = tpu.memref_slice %arg10[%dma_start3A_409] : memref<384xf32, #tpu.memory_space<vmem_shared>> -> memref<384xf32, #tpu.memory_space<vmem_shared>>
    tpu.enqueue_indirect_dma source(%dma_start3A_405 : memref<128xf32, #tpu.memory_space<vmem>>) target(%dma_start3A_410 : memref<384xf32, #tpu.memory_space<vmem_shared>>) offsets(%dma_start3A_408 : memref<128xi32, #tpu.memory_space<vmem>>) semaphore(%arg13 : memref<!tpu.dma_semaphore, #tpu.memory_space<semaphore_mem>>) {add = true}
    %dma_start3A_411 = arith.constant 12 : i32
    %dma_start3A_412 = arith.constant 0 : i32
    %dma_start3A_413 = tpu.memref_slice %arg6[%dma_start3A_411, %dma_start3A_412] : memref<32x128xi32, #tpu.memory_space<vmem>> -> memref<1x128xi32, #tpu.memory_space<vmem>>
    %dma_start3A_414 = tpu.memref_squeeze %dma_start3A_413 : memref<1x128xi32, #tpu.memory_space<vmem>> -> memref<128xi32, #tpu.memory_space<vmem>>
    %dma_start3A_415 = arith.constant 0 : i32
    %dma_start3A_416 = tpu.memref_slice %arg11[%dma_start3A_415] : memref<384xf32, #tpu.memory_space<vmem_shared>> -> memref<384xf32, #tpu.memory_space<vmem_shared>>
    tpu.enqueue_indirect_dma source(%arg8 : memref<128xf32, #tpu.memory_space<vmem>>) target(%dma_start3A_416 : memref<384xf32, #tpu.memory_space<vmem_shared>>) offsets(%dma_start3A_414 : memref<128xi32, #tpu.memory_space<vmem>>) semaphore(%arg13 : memref<!tpu.dma_semaphore, #tpu.memory_space<semaphore_mem>>) {add = true}
    %dma_start3A_417 = arith.constant 13 : i32
    %dma_start3A_418 = arith.constant 13 : i32
    %dma_start3A_419 = arith.constant 0 : i32
    %dma_start3A_420 = tpu.memref_slice %arg7[%dma_start3A_417, %dma_start3A_419] : memref<32x128xf32, #tpu.memory_space<vmem>> -> memref<1x128xf32, #tpu.memory_space<vmem>>
    %dma_start3A_421 = tpu.memref_squeeze %dma_start3A_420 : memref<1x128xf32, #tpu.memory_space<vmem>> -> memref<128xf32, #tpu.memory_space<vmem>>
    %dma_start3A_422 = arith.constant 0 : i32
    %dma_start3A_423 = tpu.memref_slice %arg6[%dma_start3A_418, %dma_start3A_422] : memref<32x128xi32, #tpu.memory_space<vmem>> -> memref<1x128xi32, #tpu.memory_space<vmem>>
    %dma_start3A_424 = tpu.memref_squeeze %dma_start3A_423 : memref<1x128xi32, #tpu.memory_space<vmem>> -> memref<128xi32, #tpu.memory_space<vmem>>
    %dma_start3A_425 = arith.constant 0 : i32
    %dma_start3A_426 = tpu.memref_slice %arg10[%dma_start3A_425] : memref<384xf32, #tpu.memory_space<vmem_shared>> -> memref<384xf32, #tpu.memory_space<vmem_shared>>
    tpu.enqueue_indirect_dma source(%dma_start3A_421 : memref<128xf32, #tpu.memory_space<vmem>>) target(%dma_start3A_426 : memref<384xf32, #tpu.memory_space<vmem_shared>>) offsets(%dma_start3A_424 : memref<128xi32, #tpu.memory_space<vmem>>) semaphore(%arg13 : memref<!tpu.dma_semaphore, #tpu.memory_space<semaphore_mem>>) {add = true}
    %dma_start3A_427 = arith.constant 13 : i32
    %dma_start3A_428 = arith.constant 0 : i32
    %dma_start3A_429 = tpu.memref_slice %arg6[%dma_start3A_427, %dma_start3A_428] : memref<32x128xi32, #tpu.memory_space<vmem>> -> memref<1x128xi32, #tpu.memory_space<vmem>>
    %dma_start3A_430 = tpu.memref_squeeze %dma_start3A_429 : memref<1x128xi32, #tpu.memory_space<vmem>> -> memref<128xi32, #tpu.memory_space<vmem>>
    %dma_start3A_431 = arith.constant 0 : i32
    %dma_start3A_432 = tpu.memref_slice %arg11[%dma_start3A_431] : memref<384xf32, #tpu.memory_space<vmem_shared>> -> memref<384xf32, #tpu.memory_space<vmem_shared>>
    tpu.enqueue_indirect_dma source(%arg8 : memref<128xf32, #tpu.memory_space<vmem>>) target(%dma_start3A_432 : memref<384xf32, #tpu.memory_space<vmem_shared>>) offsets(%dma_start3A_430 : memref<128xi32, #tpu.memory_space<vmem>>) semaphore(%arg13 : memref<!tpu.dma_semaphore, #tpu.memory_space<semaphore_mem>>) {add = true}
    %dma_start3A_433 = arith.constant 14 : i32
    %dma_start3A_434 = arith.constant 14 : i32
    %dma_start3A_435 = arith.constant 0 : i32
    %dma_start3A_436 = tpu.memref_slice %arg7[%dma_start3A_433, %dma_start3A_435] : memref<32x128xf32, #tpu.memory_space<vmem>> -> memref<1x128xf32, #tpu.memory_space<vmem>>
    %dma_start3A_437 = tpu.memref_squeeze %dma_start3A_436 : memref<1x128xf32, #tpu.memory_space<vmem>> -> memref<128xf32, #tpu.memory_space<vmem>>
    %dma_start3A_438 = arith.constant 0 : i32
    %dma_start3A_439 = tpu.memref_slice %arg6[%dma_start3A_434, %dma_start3A_438] : memref<32x128xi32, #tpu.memory_space<vmem>> -> memref<1x128xi32, #tpu.memory_space<vmem>>
    %dma_start3A_440 = tpu.memref_squeeze %dma_start3A_439 : memref<1x128xi32, #tpu.memory_space<vmem>> -> memref<128xi32, #tpu.memory_space<vmem>>
    %dma_start3A_441 = arith.constant 0 : i32
    %dma_start3A_442 = tpu.memref_slice %arg10[%dma_start3A_441] : memref<384xf32, #tpu.memory_space<vmem_shared>> -> memref<384xf32, #tpu.memory_space<vmem_shared>>
    tpu.enqueue_indirect_dma source(%dma_start3A_437 : memref<128xf32, #tpu.memory_space<vmem>>) target(%dma_start3A_442 : memref<384xf32, #tpu.memory_space<vmem_shared>>) offsets(%dma_start3A_440 : memref<128xi32, #tpu.memory_space<vmem>>) semaphore(%arg13 : memref<!tpu.dma_semaphore, #tpu.memory_space<semaphore_mem>>) {add = true}
    %dma_start3A_443 = arith.constant 14 : i32
    %dma_start3A_444 = arith.constant 0 : i32
    %dma_start3A_445 = tpu.memref_slice %arg6[%dma_start3A_443, %dma_start3A_444] : memref<32x128xi32, #tpu.memory_space<vmem>> -> memref<1x128xi32, #tpu.memory_space<vmem>>
    %dma_start3A_446 = tpu.memref_squeeze %dma_start3A_445 : memref<1x128xi32, #tpu.memory_space<vmem>> -> memref<128xi32, #tpu.memory_space<vmem>>
    %dma_start3A_447 = arith.constant 0 : i32
    %dma_start3A_448 = tpu.memref_slice %arg11[%dma_start3A_447] : memref<384xf32, #tpu.memory_space<vmem_shared>> -> memref<384xf32, #tpu.memory_space<vmem_shared>>
    tpu.enqueue_indirect_dma source(%arg8 : memref<128xf32, #tpu.memory_space<vmem>>) target(%dma_start3A_448 : memref<384xf32, #tpu.memory_space<vmem_shared>>) offsets(%dma_start3A_446 : memref<128xi32, #tpu.memory_space<vmem>>) semaphore(%arg13 : memref<!tpu.dma_semaphore, #tpu.memory_space<semaphore_mem>>) {add = true}
    %dma_start3A_449 = arith.constant 15 : i32
    %dma_start3A_450 = arith.constant 15 : i32
    %dma_start3A_451 = arith.constant 0 : i32
    %dma_start3A_452 = tpu.memref_slice %arg7[%dma_start3A_449, %dma_start3A_451] : memref<32x128xf32, #tpu.memory_space<vmem>> -> memref<1x128xf32, #tpu.memory_space<vmem>>
    %dma_start3A_453 = tpu.memref_squeeze %dma_start3A_452 : memref<1x128xf32, #tpu.memory_space<vmem>> -> memref<128xf32, #tpu.memory_space<vmem>>
    %dma_start3A_454 = arith.constant 0 : i32
    %dma_start3A_455 = tpu.memref_slice %arg6[%dma_start3A_450, %dma_start3A_454] : memref<32x128xi32, #tpu.memory_space<vmem>> -> memref<1x128xi32, #tpu.memory_space<vmem>>
    %dma_start3A_456 = tpu.memref_squeeze %dma_start3A_455 : memref<1x128xi32, #tpu.memory_space<vmem>> -> memref<128xi32, #tpu.memory_space<vmem>>
    %dma_start3A_457 = arith.constant 0 : i32
    %dma_start3A_458 = tpu.memref_slice %arg10[%dma_start3A_457] : memref<384xf32, #tpu.memory_space<vmem_shared>> -> memref<384xf32, #tpu.memory_space<vmem_shared>>
    tpu.enqueue_indirect_dma source(%dma_start3A_453 : memref<128xf32, #tpu.memory_space<vmem>>) target(%dma_start3A_458 : memref<384xf32, #tpu.memory_space<vmem_shared>>) offsets(%dma_start3A_456 : memref<128xi32, #tpu.memory_space<vmem>>) semaphore(%arg13 : memref<!tpu.dma_semaphore, #tpu.memory_space<semaphore_mem>>) {add = true}
    %dma_start3A_459 = arith.constant 15 : i32
    %dma_start3A_460 = arith.constant 0 : i32
    %dma_start3A_461 = tpu.memref_slice %arg6[%dma_start3A_459, %dma_start3A_460] : memref<32x128xi32, #tpu.memory_space<vmem>> -> memref<1x128xi32, #tpu.memory_space<vmem>>
    %dma_start3A_462 = tpu.memref_squeeze %dma_start3A_461 : memref<1x128xi32, #tpu.memory_space<vmem>> -> memref<128xi32, #tpu.memory_space<vmem>>
    %dma_start3A_463 = arith.constant 0 : i32
    %dma_start3A_464 = tpu.memref_slice %arg11[%dma_start3A_463] : memref<384xf32, #tpu.memory_space<vmem_shared>> -> memref<384xf32, #tpu.memory_space<vmem_shared>>
    tpu.enqueue_indirect_dma source(%arg8 : memref<128xf32, #tpu.memory_space<vmem>>) target(%dma_start3A_464 : memref<384xf32, #tpu.memory_space<vmem_shared>>) offsets(%dma_start3A_462 : memref<128xi32, #tpu.memory_space<vmem>>) semaphore(%arg13 : memref<!tpu.dma_semaphore, #tpu.memory_space<semaphore_mem>>) {add = true}
    %dma_start3A_465 = arith.constant 16 : i32
    %dma_start3A_466 = arith.constant 16 : i32
    %dma_start3A_467 = arith.constant 0 : i32
    %dma_start3A_468 = tpu.memref_slice %arg7[%dma_start3A_465, %dma_start3A_467] : memref<32x128xf32, #tpu.memory_space<vmem>> -> memref<1x128xf32, #tpu.memory_space<vmem>>
    %dma_start3A_469 = tpu.memref_squeeze %dma_start3A_468 : memref<1x128xf32, #tpu.memory_space<vmem>> -> memref<128xf32, #tpu.memory_space<vmem>>
    %dma_start3A_470 = arith.constant 0 : i32
    %dma_start3A_471 = tpu.memref_slice %arg6[%dma_start3A_466, %dma_start3A_470] : memref<32x128xi32, #tpu.memory_space<vmem>> -> memref<1x128xi32, #tpu.memory_space<vmem>>
    %dma_start3A_472 = tpu.memref_squeeze %dma_start3A_471 : memref<1x128xi32, #tpu.memory_space<vmem>> -> memref<128xi32, #tpu.memory_space<vmem>>
    %dma_start3A_473 = arith.constant 0 : i32
    %dma_start3A_474 = tpu.memref_slice %arg10[%dma_start3A_473] : memref<384xf32, #tpu.memory_space<vmem_shared>> -> memref<384xf32, #tpu.memory_space<vmem_shared>>
    tpu.enqueue_indirect_dma source(%dma_start3A_469 : memref<128xf32, #tpu.memory_space<vmem>>) target(%dma_start3A_474 : memref<384xf32, #tpu.memory_space<vmem_shared>>) offsets(%dma_start3A_472 : memref<128xi32, #tpu.memory_space<vmem>>) semaphore(%arg13 : memref<!tpu.dma_semaphore, #tpu.memory_space<semaphore_mem>>) {add = true}
    %dma_start3A_475 = arith.constant 16 : i32
    %dma_start3A_476 = arith.constant 0 : i32
    %dma_start3A_477 = tpu.memref_slice %arg6[%dma_start3A_475, %dma_start3A_476] : memref<32x128xi32, #tpu.memory_space<vmem>> -> memref<1x128xi32, #tpu.memory_space<vmem>>
    %dma_start3A_478 = tpu.memref_squeeze %dma_start3A_477 : memref<1x128xi32, #tpu.memory_space<vmem>> -> memref<128xi32, #tpu.memory_space<vmem>>
    %dma_start3A_479 = arith.constant 0 : i32
    %dma_start3A_480 = tpu.memref_slice %arg11[%dma_start3A_479] : memref<384xf32, #tpu.memory_space<vmem_shared>> -> memref<384xf32, #tpu.memory_space<vmem_shared>>
    tpu.enqueue_indirect_dma source(%arg8 : memref<128xf32, #tpu.memory_space<vmem>>) target(%dma_start3A_480 : memref<384xf32, #tpu.memory_space<vmem_shared>>) offsets(%dma_start3A_478 : memref<128xi32, #tpu.memory_space<vmem>>) semaphore(%arg13 : memref<!tpu.dma_semaphore, #tpu.memory_space<semaphore_mem>>) {add = true}
    %dma_start3A_481 = arith.constant 17 : i32
    %dma_start3A_482 = arith.constant 17 : i32
    %dma_start3A_483 = arith.constant 0 : i32
    %dma_start3A_484 = tpu.memref_slice %arg7[%dma_start3A_481, %dma_start3A_483] : memref<32x128xf32, #tpu.memory_space<vmem>> -> memref<1x128xf32, #tpu.memory_space<vmem>>
    %dma_start3A_485 = tpu.memref_squeeze %dma_start3A_484 : memref<1x128xf32, #tpu.memory_space<vmem>> -> memref<128xf32, #tpu.memory_space<vmem>>
    %dma_start3A_486 = arith.constant 0 : i32
    %dma_start3A_487 = tpu.memref_slice %arg6[%dma_start3A_482, %dma_start3A_486] : memref<32x128xi32, #tpu.memory_space<vmem>> -> memref<1x128xi32, #tpu.memory_space<vmem>>
    %dma_start3A_488 = tpu.memref_squeeze %dma_start3A_487 : memref<1x128xi32, #tpu.memory_space<vmem>> -> memref<128xi32, #tpu.memory_space<vmem>>
    %dma_start3A_489 = arith.constant 0 : i32
    %dma_start3A_490 = tpu.memref_slice %arg10[%dma_start3A_489] : memref<384xf32, #tpu.memory_space<vmem_shared>> -> memref<384xf32, #tpu.memory_space<vmem_shared>>
    tpu.enqueue_indirect_dma source(%dma_start3A_485 : memref<128xf32, #tpu.memory_space<vmem>>) target(%dma_start3A_490 : memref<384xf32, #tpu.memory_space<vmem_shared>>) offsets(%dma_start3A_488 : memref<128xi32, #tpu.memory_space<vmem>>) semaphore(%arg13 : memref<!tpu.dma_semaphore, #tpu.memory_space<semaphore_mem>>) {add = true}
    %dma_start3A_491 = arith.constant 17 : i32
    %dma_start3A_492 = arith.constant 0 : i32
    %dma_start3A_493 = tpu.memref_slice %arg6[%dma_start3A_491, %dma_start3A_492] : memref<32x128xi32, #tpu.memory_space<vmem>> -> memref<1x128xi32, #tpu.memory_space<vmem>>
    %dma_start3A_494 = tpu.memref_squeeze %dma_start3A_493 : memref<1x128xi32, #tpu.memory_space<vmem>> -> memref<128xi32, #tpu.memory_space<vmem>>
    %dma_start3A_495 = arith.constant 0 : i32
    %dma_start3A_496 = tpu.memref_slice %arg11[%dma_start3A_495] : memref<384xf32, #tpu.memory_space<vmem_shared>> -> memref<384xf32, #tpu.memory_space<vmem_shared>>
    tpu.enqueue_indirect_dma source(%arg8 : memref<128xf32, #tpu.memory_space<vmem>>) target(%dma_start3A_496 : memref<384xf32, #tpu.memory_space<vmem_shared>>) offsets(%dma_start3A_494 : memref<128xi32, #tpu.memory_space<vmem>>) semaphore(%arg13 : memref<!tpu.dma_semaphore, #tpu.memory_space<semaphore_mem>>) {add = true}
    %dma_start3A_497 = arith.constant 18 : i32
    %dma_start3A_498 = arith.constant 18 : i32
    %dma_start3A_499 = arith.constant 0 : i32
    %dma_start3A_500 = tpu.memref_slice %arg7[%dma_start3A_497, %dma_start3A_499] : memref<32x128xf32, #tpu.memory_space<vmem>> -> memref<1x128xf32, #tpu.memory_space<vmem>>
    %dma_start3A_501 = tpu.memref_squeeze %dma_start3A_500 : memref<1x128xf32, #tpu.memory_space<vmem>> -> memref<128xf32, #tpu.memory_space<vmem>>
    %dma_start3A_502 = arith.constant 0 : i32
    %dma_start3A_503 = tpu.memref_slice %arg6[%dma_start3A_498, %dma_start3A_502] : memref<32x128xi32, #tpu.memory_space<vmem>> -> memref<1x128xi32, #tpu.memory_space<vmem>>
    %dma_start3A_504 = tpu.memref_squeeze %dma_start3A_503 : memref<1x128xi32, #tpu.memory_space<vmem>> -> memref<128xi32, #tpu.memory_space<vmem>>
    %dma_start3A_505 = arith.constant 0 : i32
    %dma_start3A_506 = tpu.memref_slice %arg10[%dma_start3A_505] : memref<384xf32, #tpu.memory_space<vmem_shared>> -> memref<384xf32, #tpu.memory_space<vmem_shared>>
    tpu.enqueue_indirect_dma source(%dma_start3A_501 : memref<128xf32, #tpu.memory_space<vmem>>) target(%dma_start3A_506 : memref<384xf32, #tpu.memory_space<vmem_shared>>) offsets(%dma_start3A_504 : memref<128xi32, #tpu.memory_space<vmem>>) semaphore(%arg13 : memref<!tpu.dma_semaphore, #tpu.memory_space<semaphore_mem>>) {add = true}
    %dma_start3A_507 = arith.constant 18 : i32
    %dma_start3A_508 = arith.constant 0 : i32
    %dma_start3A_509 = tpu.memref_slice %arg6[%dma_start3A_507, %dma_start3A_508] : memref<32x128xi32, #tpu.memory_space<vmem>> -> memref<1x128xi32, #tpu.memory_space<vmem>>
    %dma_start3A_510 = tpu.memref_squeeze %dma_start3A_509 : memref<1x128xi32, #tpu.memory_space<vmem>> -> memref<128xi32, #tpu.memory_space<vmem>>
    %dma_start3A_511 = arith.constant 0 : i32
    %dma_start3A_512 = tpu.memref_slice %arg11[%dma_start3A_511] : memref<384xf32, #tpu.memory_space<vmem_shared>> -> memref<384xf32, #tpu.memory_space<vmem_shared>>
    tpu.enqueue_indirect_dma source(%arg8 : memref<128xf32, #tpu.memory_space<vmem>>) target(%dma_start3A_512 : memref<384xf32, #tpu.memory_space<vmem_shared>>) offsets(%dma_start3A_510 : memref<128xi32, #tpu.memory_space<vmem>>) semaphore(%arg13 : memref<!tpu.dma_semaphore, #tpu.memory_space<semaphore_mem>>) {add = true}
    %dma_start3A_513 = arith.constant 19 : i32
    %dma_start3A_514 = arith.constant 19 : i32
    %dma_start3A_515 = arith.constant 0 : i32
    %dma_start3A_516 = tpu.memref_slice %arg7[%dma_start3A_513, %dma_start3A_515] : memref<32x128xf32, #tpu.memory_space<vmem>> -> memref<1x128xf32, #tpu.memory_space<vmem>>
    %dma_start3A_517 = tpu.memref_squeeze %dma_start3A_516 : memref<1x128xf32, #tpu.memory_space<vmem>> -> memref<128xf32, #tpu.memory_space<vmem>>
    %dma_start3A_518 = arith.constant 0 : i32
    %dma_start3A_519 = tpu.memref_slice %arg6[%dma_start3A_514, %dma_start3A_518] : memref<32x128xi32, #tpu.memory_space<vmem>> -> memref<1x128xi32, #tpu.memory_space<vmem>>
    %dma_start3A_520 = tpu.memref_squeeze %dma_start3A_519 : memref<1x128xi32, #tpu.memory_space<vmem>> -> memref<128xi32, #tpu.memory_space<vmem>>
    %dma_start3A_521 = arith.constant 0 : i32
    %dma_start3A_522 = tpu.memref_slice %arg10[%dma_start3A_521] : memref<384xf32, #tpu.memory_space<vmem_shared>> -> memref<384xf32, #tpu.memory_space<vmem_shared>>
    tpu.enqueue_indirect_dma source(%dma_start3A_517 : memref<128xf32, #tpu.memory_space<vmem>>) target(%dma_start3A_522 : memref<384xf32, #tpu.memory_space<vmem_shared>>) offsets(%dma_start3A_520 : memref<128xi32, #tpu.memory_space<vmem>>) semaphore(%arg13 : memref<!tpu.dma_semaphore, #tpu.memory_space<semaphore_mem>>) {add = true}
    %dma_start3A_523 = arith.constant 19 : i32
    %dma_start3A_524 = arith.constant 0 : i32
    %dma_start3A_525 = tpu.memref_slice %arg6[%dma_start3A_523, %dma_start3A_524] : memref<32x128xi32, #tpu.memory_space<vmem>> -> memref<1x128xi32, #tpu.memory_space<vmem>>
    %dma_start3A_526 = tpu.memref_squeeze %dma_start3A_525 : memref<1x128xi32, #tpu.memory_space<vmem>> -> memref<128xi32, #tpu.memory_space<vmem>>
    %dma_start3A_527 = arith.constant 0 : i32
    %dma_start3A_528 = tpu.memref_slice %arg11[%dma_start3A_527] : memref<384xf32, #tpu.memory_space<vmem_shared>> -> memref<384xf32, #tpu.memory_space<vmem_shared>>
    tpu.enqueue_indirect_dma source(%arg8 : memref<128xf32, #tpu.memory_space<vmem>>) target(%dma_start3A_528 : memref<384xf32, #tpu.memory_space<vmem_shared>>) offsets(%dma_start3A_526 : memref<128xi32, #tpu.memory_space<vmem>>) semaphore(%arg13 : memref<!tpu.dma_semaphore, #tpu.memory_space<semaphore_mem>>) {add = true}
    %dma_start3A_529 = arith.constant 20 : i32
    %dma_start3A_530 = arith.constant 20 : i32
    %dma_start3A_531 = arith.constant 0 : i32
    %dma_start3A_532 = tpu.memref_slice %arg7[%dma_start3A_529, %dma_start3A_531] : memref<32x128xf32, #tpu.memory_space<vmem>> -> memref<1x128xf32, #tpu.memory_space<vmem>>
    %dma_start3A_533 = tpu.memref_squeeze %dma_start3A_532 : memref<1x128xf32, #tpu.memory_space<vmem>> -> memref<128xf32, #tpu.memory_space<vmem>>
    %dma_start3A_534 = arith.constant 0 : i32
    %dma_start3A_535 = tpu.memref_slice %arg6[%dma_start3A_530, %dma_start3A_534] : memref<32x128xi32, #tpu.memory_space<vmem>> -> memref<1x128xi32, #tpu.memory_space<vmem>>
    %dma_start3A_536 = tpu.memref_squeeze %dma_start3A_535 : memref<1x128xi32, #tpu.memory_space<vmem>> -> memref<128xi32, #tpu.memory_space<vmem>>
    %dma_start3A_537 = arith.constant 0 : i32
    %dma_start3A_538 = tpu.memref_slice %arg10[%dma_start3A_537] : memref<384xf32, #tpu.memory_space<vmem_shared>> -> memref<384xf32, #tpu.memory_space<vmem_shared>>
    tpu.enqueue_indirect_dma source(%dma_start3A_533 : memref<128xf32, #tpu.memory_space<vmem>>) target(%dma_start3A_538 : memref<384xf32, #tpu.memory_space<vmem_shared>>) offsets(%dma_start3A_536 : memref<128xi32, #tpu.memory_space<vmem>>) semaphore(%arg13 : memref<!tpu.dma_semaphore, #tpu.memory_space<semaphore_mem>>) {add = true}
    %dma_start3A_539 = arith.constant 20 : i32
    %dma_start3A_540 = arith.constant 0 : i32
    %dma_start3A_541 = tpu.memref_slice %arg6[%dma_start3A_539, %dma_start3A_540] : memref<32x128xi32, #tpu.memory_space<vmem>> -> memref<1x128xi32, #tpu.memory_space<vmem>>
    %dma_start3A_542 = tpu.memref_squeeze %dma_start3A_541 : memref<1x128xi32, #tpu.memory_space<vmem>> -> memref<128xi32, #tpu.memory_space<vmem>>
    %dma_start3A_543 = arith.constant 0 : i32
    %dma_start3A_544 = tpu.memref_slice %arg11[%dma_start3A_543] : memref<384xf32, #tpu.memory_space<vmem_shared>> -> memref<384xf32, #tpu.memory_space<vmem_shared>>
    tpu.enqueue_indirect_dma source(%arg8 : memref<128xf32, #tpu.memory_space<vmem>>) target(%dma_start3A_544 : memref<384xf32, #tpu.memory_space<vmem_shared>>) offsets(%dma_start3A_542 : memref<128xi32, #tpu.memory_space<vmem>>) semaphore(%arg13 : memref<!tpu.dma_semaphore, #tpu.memory_space<semaphore_mem>>) {add = true}
    %dma_start3A_545 = arith.constant 21 : i32
    %dma_start3A_546 = arith.constant 21 : i32
    %dma_start3A_547 = arith.constant 0 : i32
    %dma_start3A_548 = tpu.memref_slice %arg7[%dma_start3A_545, %dma_start3A_547] : memref<32x128xf32, #tpu.memory_space<vmem>> -> memref<1x128xf32, #tpu.memory_space<vmem>>
    %dma_start3A_549 = tpu.memref_squeeze %dma_start3A_548 : memref<1x128xf32, #tpu.memory_space<vmem>> -> memref<128xf32, #tpu.memory_space<vmem>>
    %dma_start3A_550 = arith.constant 0 : i32
    %dma_start3A_551 = tpu.memref_slice %arg6[%dma_start3A_546, %dma_start3A_550] : memref<32x128xi32, #tpu.memory_space<vmem>> -> memref<1x128xi32, #tpu.memory_space<vmem>>
    %dma_start3A_552 = tpu.memref_squeeze %dma_start3A_551 : memref<1x128xi32, #tpu.memory_space<vmem>> -> memref<128xi32, #tpu.memory_space<vmem>>
    %dma_start3A_553 = arith.constant 0 : i32
    %dma_start3A_554 = tpu.memref_slice %arg10[%dma_start3A_553] : memref<384xf32, #tpu.memory_space<vmem_shared>> -> memref<384xf32, #tpu.memory_space<vmem_shared>>
    tpu.enqueue_indirect_dma source(%dma_start3A_549 : memref<128xf32, #tpu.memory_space<vmem>>) target(%dma_start3A_554 : memref<384xf32, #tpu.memory_space<vmem_shared>>) offsets(%dma_start3A_552 : memref<128xi32, #tpu.memory_space<vmem>>) semaphore(%arg13 : memref<!tpu.dma_semaphore, #tpu.memory_space<semaphore_mem>>) {add = true}
    %dma_start3A_555 = arith.constant 21 : i32
    %dma_start3A_556 = arith.constant 0 : i32
    %dma_start3A_557 = tpu.memref_slice %arg6[%dma_start3A_555, %dma_start3A_556] : memref<32x128xi32, #tpu.memory_space<vmem>> -> memref<1x128xi32, #tpu.memory_space<vmem>>
    %dma_start3A_558 = tpu.memref_squeeze %dma_start3A_557 : memref<1x128xi32, #tpu.memory_space<vmem>> -> memref<128xi32, #tpu.memory_space<vmem>>
    %dma_start3A_559 = arith.constant 0 : i32
    %dma_start3A_560 = tpu.memref_slice %arg11[%dma_start3A_559] : memref<384xf32, #tpu.memory_space<vmem_shared>> -> memref<384xf32, #tpu.memory_space<vmem_shared>>
    tpu.enqueue_indirect_dma source(%arg8 : memref<128xf32, #tpu.memory_space<vmem>>) target(%dma_start3A_560 : memref<384xf32, #tpu.memory_space<vmem_shared>>) offsets(%dma_start3A_558 : memref<128xi32, #tpu.memory_space<vmem>>) semaphore(%arg13 : memref<!tpu.dma_semaphore, #tpu.memory_space<semaphore_mem>>) {add = true}
    %dma_start3A_561 = arith.constant 22 : i32
    %dma_start3A_562 = arith.constant 22 : i32
    %dma_start3A_563 = arith.constant 0 : i32
    %dma_start3A_564 = tpu.memref_slice %arg7[%dma_start3A_561, %dma_start3A_563] : memref<32x128xf32, #tpu.memory_space<vmem>> -> memref<1x128xf32, #tpu.memory_space<vmem>>
    %dma_start3A_565 = tpu.memref_squeeze %dma_start3A_564 : memref<1x128xf32, #tpu.memory_space<vmem>> -> memref<128xf32, #tpu.memory_space<vmem>>
    %dma_start3A_566 = arith.constant 0 : i32
    %dma_start3A_567 = tpu.memref_slice %arg6[%dma_start3A_562, %dma_start3A_566] : memref<32x128xi32, #tpu.memory_space<vmem>> -> memref<1x128xi32, #tpu.memory_space<vmem>>
    %dma_start3A_568 = tpu.memref_squeeze %dma_start3A_567 : memref<1x128xi32, #tpu.memory_space<vmem>> -> memref<128xi32, #tpu.memory_space<vmem>>
    %dma_start3A_569 = arith.constant 0 : i32
    %dma_start3A_570 = tpu.memref_slice %arg10[%dma_start3A_569] : memref<384xf32, #tpu.memory_space<vmem_shared>> -> memref<384xf32, #tpu.memory_space<vmem_shared>>
    tpu.enqueue_indirect_dma source(%dma_start3A_565 : memref<128xf32, #tpu.memory_space<vmem>>) target(%dma_start3A_570 : memref<384xf32, #tpu.memory_space<vmem_shared>>) offsets(%dma_start3A_568 : memref<128xi32, #tpu.memory_space<vmem>>) semaphore(%arg13 : memref<!tpu.dma_semaphore, #tpu.memory_space<semaphore_mem>>) {add = true}
    %dma_start3A_571 = arith.constant 22 : i32
    %dma_start3A_572 = arith.constant 0 : i32
    %dma_start3A_573 = tpu.memref_slice %arg6[%dma_start3A_571, %dma_start3A_572] : memref<32x128xi32, #tpu.memory_space<vmem>> -> memref<1x128xi32, #tpu.memory_space<vmem>>
    %dma_start3A_574 = tpu.memref_squeeze %dma_start3A_573 : memref<1x128xi32, #tpu.memory_space<vmem>> -> memref<128xi32, #tpu.memory_space<vmem>>
    %dma_start3A_575 = arith.constant 0 : i32
    %dma_start3A_576 = tpu.memref_slice %arg11[%dma_start3A_575] : memref<384xf32, #tpu.memory_space<vmem_shared>> -> memref<384xf32, #tpu.memory_space<vmem_shared>>
    tpu.enqueue_indirect_dma source(%arg8 : memref<128xf32, #tpu.memory_space<vmem>>) target(%dma_start3A_576 : memref<384xf32, #tpu.memory_space<vmem_shared>>) offsets(%dma_start3A_574 : memref<128xi32, #tpu.memory_space<vmem>>) semaphore(%arg13 : memref<!tpu.dma_semaphore, #tpu.memory_space<semaphore_mem>>) {add = true}
    %dma_start3A_577 = arith.constant 23 : i32
    %dma_start3A_578 = arith.constant 23 : i32
    %dma_start3A_579 = arith.constant 0 : i32
    %dma_start3A_580 = tpu.memref_slice %arg7[%dma_start3A_577, %dma_start3A_579] : memref<32x128xf32, #tpu.memory_space<vmem>> -> memref<1x128xf32, #tpu.memory_space<vmem>>
    %dma_start3A_581 = tpu.memref_squeeze %dma_start3A_580 : memref<1x128xf32, #tpu.memory_space<vmem>> -> memref<128xf32, #tpu.memory_space<vmem>>
    %dma_start3A_582 = arith.constant 0 : i32
    %dma_start3A_583 = tpu.memref_slice %arg6[%dma_start3A_578, %dma_start3A_582] : memref<32x128xi32, #tpu.memory_space<vmem>> -> memref<1x128xi32, #tpu.memory_space<vmem>>
    %dma_start3A_584 = tpu.memref_squeeze %dma_start3A_583 : memref<1x128xi32, #tpu.memory_space<vmem>> -> memref<128xi32, #tpu.memory_space<vmem>>
    %dma_start3A_585 = arith.constant 0 : i32
    %dma_start3A_586 = tpu.memref_slice %arg10[%dma_start3A_585] : memref<384xf32, #tpu.memory_space<vmem_shared>> -> memref<384xf32, #tpu.memory_space<vmem_shared>>
    tpu.enqueue_indirect_dma source(%dma_start3A_581 : memref<128xf32, #tpu.memory_space<vmem>>) target(%dma_start3A_586 : memref<384xf32, #tpu.memory_space<vmem_shared>>) offsets(%dma_start3A_584 : memref<128xi32, #tpu.memory_space<vmem>>) semaphore(%arg13 : memref<!tpu.dma_semaphore, #tpu.memory_space<semaphore_mem>>) {add = true}
    %dma_start3A_587 = arith.constant 23 : i32
    %dma_start3A_588 = arith.constant 0 : i32
    %dma_start3A_589 = tpu.memref_slice %arg6[%dma_start3A_587, %dma_start3A_588] : memref<32x128xi32, #tpu.memory_space<vmem>> -> memref<1x128xi32, #tpu.memory_space<vmem>>
    %dma_start3A_590 = tpu.memref_squeeze %dma_start3A_589 : memref<1x128xi32, #tpu.memory_space<vmem>> -> memref<128xi32, #tpu.memory_space<vmem>>
    %dma_start3A_591 = arith.constant 0 : i32
    %dma_start3A_592 = tpu.memref_slice %arg11[%dma_start3A_591] : memref<384xf32, #tpu.memory_space<vmem_shared>> -> memref<384xf32, #tpu.memory_space<vmem_shared>>
    tpu.enqueue_indirect_dma source(%arg8 : memref<128xf32, #tpu.memory_space<vmem>>) target(%dma_start3A_592 : memref<384xf32, #tpu.memory_space<vmem_shared>>) offsets(%dma_start3A_590 : memref<128xi32, #tpu.memory_space<vmem>>) semaphore(%arg13 : memref<!tpu.dma_semaphore, #tpu.memory_space<semaphore_mem>>) {add = true}
    %dma_start3A_593 = arith.constant 24 : i32
    %dma_start3A_594 = arith.constant 24 : i32
    %dma_start3A_595 = arith.constant 0 : i32
    %dma_start3A_596 = tpu.memref_slice %arg7[%dma_start3A_593, %dma_start3A_595] : memref<32x128xf32, #tpu.memory_space<vmem>> -> memref<1x128xf32, #tpu.memory_space<vmem>>
    %dma_start3A_597 = tpu.memref_squeeze %dma_start3A_596 : memref<1x128xf32, #tpu.memory_space<vmem>> -> memref<128xf32, #tpu.memory_space<vmem>>
    %dma_start3A_598 = arith.constant 0 : i32
    %dma_start3A_599 = tpu.memref_slice %arg6[%dma_start3A_594, %dma_start3A_598] : memref<32x128xi32, #tpu.memory_space<vmem>> -> memref<1x128xi32, #tpu.memory_space<vmem>>
    %dma_start3A_600 = tpu.memref_squeeze %dma_start3A_599 : memref<1x128xi32, #tpu.memory_space<vmem>> -> memref<128xi32, #tpu.memory_space<vmem>>
    %dma_start3A_601 = arith.constant 0 : i32
    %dma_start3A_602 = tpu.memref_slice %arg10[%dma_start3A_601] : memref<384xf32, #tpu.memory_space<vmem_shared>> -> memref<384xf32, #tpu.memory_space<vmem_shared>>
    tpu.enqueue_indirect_dma source(%dma_start3A_597 : memref<128xf32, #tpu.memory_space<vmem>>) target(%dma_start3A_602 : memref<384xf32, #tpu.memory_space<vmem_shared>>) offsets(%dma_start3A_600 : memref<128xi32, #tpu.memory_space<vmem>>) semaphore(%arg13 : memref<!tpu.dma_semaphore, #tpu.memory_space<semaphore_mem>>) {add = true}
    %dma_start3A_603 = arith.constant 24 : i32
    %dma_start3A_604 = arith.constant 0 : i32
    %dma_start3A_605 = tpu.memref_slice %arg6[%dma_start3A_603, %dma_start3A_604] : memref<32x128xi32, #tpu.memory_space<vmem>> -> memref<1x128xi32, #tpu.memory_space<vmem>>
    %dma_start3A_606 = tpu.memref_squeeze %dma_start3A_605 : memref<1x128xi32, #tpu.memory_space<vmem>> -> memref<128xi32, #tpu.memory_space<vmem>>
    %dma_start3A_607 = arith.constant 0 : i32
    %dma_start3A_608 = tpu.memref_slice %arg11[%dma_start3A_607] : memref<384xf32, #tpu.memory_space<vmem_shared>> -> memref<384xf32, #tpu.memory_space<vmem_shared>>
    tpu.enqueue_indirect_dma source(%arg8 : memref<128xf32, #tpu.memory_space<vmem>>) target(%dma_start3A_608 : memref<384xf32, #tpu.memory_space<vmem_shared>>) offsets(%dma_start3A_606 : memref<128xi32, #tpu.memory_space<vmem>>) semaphore(%arg13 : memref<!tpu.dma_semaphore, #tpu.memory_space<semaphore_mem>>) {add = true}
    %dma_start3A_609 = arith.constant 25 : i32
    %dma_start3A_610 = arith.constant 25 : i32
    %dma_start3A_611 = arith.constant 0 : i32
    %dma_start3A_612 = tpu.memref_slice %arg7[%dma_start3A_609, %dma_start3A_611] : memref<32x128xf32, #tpu.memory_space<vmem>> -> memref<1x128xf32, #tpu.memory_space<vmem>>
    %dma_start3A_613 = tpu.memref_squeeze %dma_start3A_612 : memref<1x128xf32, #tpu.memory_space<vmem>> -> memref<128xf32, #tpu.memory_space<vmem>>
    %dma_start3A_614 = arith.constant 0 : i32
    %dma_start3A_615 = tpu.memref_slice %arg6[%dma_start3A_610, %dma_start3A_614] : memref<32x128xi32, #tpu.memory_space<vmem>> -> memref<1x128xi32, #tpu.memory_space<vmem>>
    %dma_start3A_616 = tpu.memref_squeeze %dma_start3A_615 : memref<1x128xi32, #tpu.memory_space<vmem>> -> memref<128xi32, #tpu.memory_space<vmem>>
    %dma_start3A_617 = arith.constant 0 : i32
    %dma_start3A_618 = tpu.memref_slice %arg10[%dma_start3A_617] : memref<384xf32, #tpu.memory_space<vmem_shared>> -> memref<384xf32, #tpu.memory_space<vmem_shared>>
    tpu.enqueue_indirect_dma source(%dma_start3A_613 : memref<128xf32, #tpu.memory_space<vmem>>) target(%dma_start3A_618 : memref<384xf32, #tpu.memory_space<vmem_shared>>) offsets(%dma_start3A_616 : memref<128xi32, #tpu.memory_space<vmem>>) semaphore(%arg13 : memref<!tpu.dma_semaphore, #tpu.memory_space<semaphore_mem>>) {add = true}
    %dma_start3A_619 = arith.constant 25 : i32
    %dma_start3A_620 = arith.constant 0 : i32
    %dma_start3A_621 = tpu.memref_slice %arg6[%dma_start3A_619, %dma_start3A_620] : memref<32x128xi32, #tpu.memory_space<vmem>> -> memref<1x128xi32, #tpu.memory_space<vmem>>
    %dma_start3A_622 = tpu.memref_squeeze %dma_start3A_621 : memref<1x128xi32, #tpu.memory_space<vmem>> -> memref<128xi32, #tpu.memory_space<vmem>>
    %dma_start3A_623 = arith.constant 0 : i32
    %dma_start3A_624 = tpu.memref_slice %arg11[%dma_start3A_623] : memref<384xf32, #tpu.memory_space<vmem_shared>> -> memref<384xf32, #tpu.memory_space<vmem_shared>>
    tpu.enqueue_indirect_dma source(%arg8 : memref<128xf32, #tpu.memory_space<vmem>>) target(%dma_start3A_624 : memref<384xf32, #tpu.memory_space<vmem_shared>>) offsets(%dma_start3A_622 : memref<128xi32, #tpu.memory_space<vmem>>) semaphore(%arg13 : memref<!tpu.dma_semaphore, #tpu.memory_space<semaphore_mem>>) {add = true}
    %dma_start3A_625 = arith.constant 26 : i32
    %dma_start3A_626 = arith.constant 26 : i32
    %dma_start3A_627 = arith.constant 0 : i32
    %dma_start3A_628 = tpu.memref_slice %arg7[%dma_start3A_625, %dma_start3A_627] : memref<32x128xf32, #tpu.memory_space<vmem>> -> memref<1x128xf32, #tpu.memory_space<vmem>>
    %dma_start3A_629 = tpu.memref_squeeze %dma_start3A_628 : memref<1x128xf32, #tpu.memory_space<vmem>> -> memref<128xf32, #tpu.memory_space<vmem>>
    %dma_start3A_630 = arith.constant 0 : i32
    %dma_start3A_631 = tpu.memref_slice %arg6[%dma_start3A_626, %dma_start3A_630] : memref<32x128xi32, #tpu.memory_space<vmem>> -> memref<1x128xi32, #tpu.memory_space<vmem>>
    %dma_start3A_632 = tpu.memref_squeeze %dma_start3A_631 : memref<1x128xi32, #tpu.memory_space<vmem>> -> memref<128xi32, #tpu.memory_space<vmem>>
    %dma_start3A_633 = arith.constant 0 : i32
    %dma_start3A_634 = tpu.memref_slice %arg10[%dma_start3A_633] : memref<384xf32, #tpu.memory_space<vmem_shared>> -> memref<384xf32, #tpu.memory_space<vmem_shared>>
    tpu.enqueue_indirect_dma source(%dma_start3A_629 : memref<128xf32, #tpu.memory_space<vmem>>) target(%dma_start3A_634 : memref<384xf32, #tpu.memory_space<vmem_shared>>) offsets(%dma_start3A_632 : memref<128xi32, #tpu.memory_space<vmem>>) semaphore(%arg13 : memref<!tpu.dma_semaphore, #tpu.memory_space<semaphore_mem>>) {add = true}
    %dma_start3A_635 = arith.constant 26 : i32
    %dma_start3A_636 = arith.constant 0 : i32
    %dma_start3A_637 = tpu.memref_slice %arg6[%dma_start3A_635, %dma_start3A_636] : memref<32x128xi32, #tpu.memory_space<vmem>> -> memref<1x128xi32, #tpu.memory_space<vmem>>
    %dma_start3A_638 = tpu.memref_squeeze %dma_start3A_637 : memref<1x128xi32, #tpu.memory_space<vmem>> -> memref<128xi32, #tpu.memory_space<vmem>>
    %dma_start3A_639 = arith.constant 0 : i32
    %dma_start3A_640 = tpu.memref_slice %arg11[%dma_start3A_639] : memref<384xf32, #tpu.memory_space<vmem_shared>> -> memref<384xf32, #tpu.memory_space<vmem_shared>>
    tpu.enqueue_indirect_dma source(%arg8 : memref<128xf32, #tpu.memory_space<vmem>>) target(%dma_start3A_640 : memref<384xf32, #tpu.memory_space<vmem_shared>>) offsets(%dma_start3A_638 : memref<128xi32, #tpu.memory_space<vmem>>) semaphore(%arg13 : memref<!tpu.dma_semaphore, #tpu.memory_space<semaphore_mem>>) {add = true}
    %dma_start3A_641 = arith.constant 27 : i32
    %dma_start3A_642 = arith.constant 27 : i32
    %dma_start3A_643 = arith.constant 0 : i32
    %dma_start3A_644 = tpu.memref_slice %arg7[%dma_start3A_641, %dma_start3A_643] : memref<32x128xf32, #tpu.memory_space<vmem>> -> memref<1x128xf32, #tpu.memory_space<vmem>>
    %dma_start3A_645 = tpu.memref_squeeze %dma_start3A_644 : memref<1x128xf32, #tpu.memory_space<vmem>> -> memref<128xf32, #tpu.memory_space<vmem>>
    %dma_start3A_646 = arith.constant 0 : i32
    %dma_start3A_647 = tpu.memref_slice %arg6[%dma_start3A_642, %dma_start3A_646] : memref<32x128xi32, #tpu.memory_space<vmem>> -> memref<1x128xi32, #tpu.memory_space<vmem>>
    %dma_start3A_648 = tpu.memref_squeeze %dma_start3A_647 : memref<1x128xi32, #tpu.memory_space<vmem>> -> memref<128xi32, #tpu.memory_space<vmem>>
    %dma_start3A_649 = arith.constant 0 : i32
    %dma_start3A_650 = tpu.memref_slice %arg10[%dma_start3A_649] : memref<384xf32, #tpu.memory_space<vmem_shared>> -> memref<384xf32, #tpu.memory_space<vmem_shared>>
    tpu.enqueue_indirect_dma source(%dma_start3A_645 : memref<128xf32, #tpu.memory_space<vmem>>) target(%dma_start3A_650 : memref<384xf32, #tpu.memory_space<vmem_shared>>) offsets(%dma_start3A_648 : memref<128xi32, #tpu.memory_space<vmem>>) semaphore(%arg13 : memref<!tpu.dma_semaphore, #tpu.memory_space<semaphore_mem>>) {add = true}
    %dma_start3A_651 = arith.constant 27 : i32
    %dma_start3A_652 = arith.constant 0 : i32
    %dma_start3A_653 = tpu.memref_slice %arg6[%dma_start3A_651, %dma_start3A_652] : memref<32x128xi32, #tpu.memory_space<vmem>> -> memref<1x128xi32, #tpu.memory_space<vmem>>
    %dma_start3A_654 = tpu.memref_squeeze %dma_start3A_653 : memref<1x128xi32, #tpu.memory_space<vmem>> -> memref<128xi32, #tpu.memory_space<vmem>>
    %dma_start3A_655 = arith.constant 0 : i32
    %dma_start3A_656 = tpu.memref_slice %arg11[%dma_start3A_655] : memref<384xf32, #tpu.memory_space<vmem_shared>> -> memref<384xf32, #tpu.memory_space<vmem_shared>>
    tpu.enqueue_indirect_dma source(%arg8 : memref<128xf32, #tpu.memory_space<vmem>>) target(%dma_start3A_656 : memref<384xf32, #tpu.memory_space<vmem_shared>>) offsets(%dma_start3A_654 : memref<128xi32, #tpu.memory_space<vmem>>) semaphore(%arg13 : memref<!tpu.dma_semaphore, #tpu.memory_space<semaphore_mem>>) {add = true}
    %dma_start3A_657 = arith.constant 28 : i32
    %dma_start3A_658 = arith.constant 28 : i32
    %dma_start3A_659 = arith.constant 0 : i32
    %dma_start3A_660 = tpu.memref_slice %arg7[%dma_start3A_657, %dma_start3A_659] : memref<32x128xf32, #tpu.memory_space<vmem>> -> memref<1x128xf32, #tpu.memory_space<vmem>>
    %dma_start3A_661 = tpu.memref_squeeze %dma_start3A_660 : memref<1x128xf32, #tpu.memory_space<vmem>> -> memref<128xf32, #tpu.memory_space<vmem>>
    %dma_start3A_662 = arith.constant 0 : i32
    %dma_start3A_663 = tpu.memref_slice %arg6[%dma_start3A_658, %dma_start3A_662] : memref<32x128xi32, #tpu.memory_space<vmem>> -> memref<1x128xi32, #tpu.memory_space<vmem>>
    %dma_start3A_664 = tpu.memref_squeeze %dma_start3A_663 : memref<1x128xi32, #tpu.memory_space<vmem>> -> memref<128xi32, #tpu.memory_space<vmem>>
    %dma_start3A_665 = arith.constant 0 : i32
    %dma_start3A_666 = tpu.memref_slice %arg10[%dma_start3A_665] : memref<384xf32, #tpu.memory_space<vmem_shared>> -> memref<384xf32, #tpu.memory_space<vmem_shared>>
    tpu.enqueue_indirect_dma source(%dma_start3A_661 : memref<128xf32, #tpu.memory_space<vmem>>) target(%dma_start3A_666 : memref<384xf32, #tpu.memory_space<vmem_shared>>) offsets(%dma_start3A_664 : memref<128xi32, #tpu.memory_space<vmem>>) semaphore(%arg13 : memref<!tpu.dma_semaphore, #tpu.memory_space<semaphore_mem>>) {add = true}
    %dma_start3A_667 = arith.constant 28 : i32
    %dma_start3A_668 = arith.constant 0 : i32
    %dma_start3A_669 = tpu.memref_slice %arg6[%dma_start3A_667, %dma_start3A_668] : memref<32x128xi32, #tpu.memory_space<vmem>> -> memref<1x128xi32, #tpu.memory_space<vmem>>
    %dma_start3A_670 = tpu.memref_squeeze %dma_start3A_669 : memref<1x128xi32, #tpu.memory_space<vmem>> -> memref<128xi32, #tpu.memory_space<vmem>>
    %dma_start3A_671 = arith.constant 0 : i32
    %dma_start3A_672 = tpu.memref_slice %arg11[%dma_start3A_671] : memref<384xf32, #tpu.memory_space<vmem_shared>> -> memref<384xf32, #tpu.memory_space<vmem_shared>>
    tpu.enqueue_indirect_dma source(%arg8 : memref<128xf32, #tpu.memory_space<vmem>>) target(%dma_start3A_672 : memref<384xf32, #tpu.memory_space<vmem_shared>>) offsets(%dma_start3A_670 : memref<128xi32, #tpu.memory_space<vmem>>) semaphore(%arg13 : memref<!tpu.dma_semaphore, #tpu.memory_space<semaphore_mem>>) {add = true}
    %dma_start3A_673 = arith.constant 29 : i32
    %dma_start3A_674 = arith.constant 29 : i32
    %dma_start3A_675 = arith.constant 0 : i32
    %dma_start3A_676 = tpu.memref_slice %arg7[%dma_start3A_673, %dma_start3A_675] : memref<32x128xf32, #tpu.memory_space<vmem>> -> memref<1x128xf32, #tpu.memory_space<vmem>>
    %dma_start3A_677 = tpu.memref_squeeze %dma_start3A_676 : memref<1x128xf32, #tpu.memory_space<vmem>> -> memref<128xf32, #tpu.memory_space<vmem>>
    %dma_start3A_678 = arith.constant 0 : i32
    %dma_start3A_679 = tpu.memref_slice %arg6[%dma_start3A_674, %dma_start3A_678] : memref<32x128xi32, #tpu.memory_space<vmem>> -> memref<1x128xi32, #tpu.memory_space<vmem>>
    %dma_start3A_680 = tpu.memref_squeeze %dma_start3A_679 : memref<1x128xi32, #tpu.memory_space<vmem>> -> memref<128xi32, #tpu.memory_space<vmem>>
    %dma_start3A_681 = arith.constant 0 : i32
    %dma_start3A_682 = tpu.memref_slice %arg10[%dma_start3A_681] : memref<384xf32, #tpu.memory_space<vmem_shared>> -> memref<384xf32, #tpu.memory_space<vmem_shared>>
    tpu.enqueue_indirect_dma source(%dma_start3A_677 : memref<128xf32, #tpu.memory_space<vmem>>) target(%dma_start3A_682 : memref<384xf32, #tpu.memory_space<vmem_shared>>) offsets(%dma_start3A_680 : memref<128xi32, #tpu.memory_space<vmem>>) semaphore(%arg13 : memref<!tpu.dma_semaphore, #tpu.memory_space<semaphore_mem>>) {add = true}
    %dma_start3A_683 = arith.constant 29 : i32
    %dma_start3A_684 = arith.constant 0 : i32
    %dma_start3A_685 = tpu.memref_slice %arg6[%dma_start3A_683, %dma_start3A_684] : memref<32x128xi32, #tpu.memory_space<vmem>> -> memref<1x128xi32, #tpu.memory_space<vmem>>
    %dma_start3A_686 = tpu.memref_squeeze %dma_start3A_685 : memref<1x128xi32, #tpu.memory_space<vmem>> -> memref<128xi32, #tpu.memory_space<vmem>>
    %dma_start3A_687 = arith.constant 0 : i32
    %dma_start3A_688 = tpu.memref_slice %arg11[%dma_start3A_687] : memref<384xf32, #tpu.memory_space<vmem_shared>> -> memref<384xf32, #tpu.memory_space<vmem_shared>>
    tpu.enqueue_indirect_dma source(%arg8 : memref<128xf32, #tpu.memory_space<vmem>>) target(%dma_start3A_688 : memref<384xf32, #tpu.memory_space<vmem_shared>>) offsets(%dma_start3A_686 : memref<128xi32, #tpu.memory_space<vmem>>) semaphore(%arg13 : memref<!tpu.dma_semaphore, #tpu.memory_space<semaphore_mem>>) {add = true}
    %dma_start3A_689 = arith.constant 30 : i32
    %dma_start3A_690 = arith.constant 30 : i32
    %dma_start3A_691 = arith.constant 0 : i32
    %dma_start3A_692 = tpu.memref_slice %arg7[%dma_start3A_689, %dma_start3A_691] : memref<32x128xf32, #tpu.memory_space<vmem>> -> memref<1x128xf32, #tpu.memory_space<vmem>>
    %dma_start3A_693 = tpu.memref_squeeze %dma_start3A_692 : memref<1x128xf32, #tpu.memory_space<vmem>> -> memref<128xf32, #tpu.memory_space<vmem>>
    %dma_start3A_694 = arith.constant 0 : i32
    %dma_start3A_695 = tpu.memref_slice %arg6[%dma_start3A_690, %dma_start3A_694] : memref<32x128xi32, #tpu.memory_space<vmem>> -> memref<1x128xi32, #tpu.memory_space<vmem>>
    %dma_start3A_696 = tpu.memref_squeeze %dma_start3A_695 : memref<1x128xi32, #tpu.memory_space<vmem>> -> memref<128xi32, #tpu.memory_space<vmem>>
    %dma_start3A_697 = arith.constant 0 : i32
    %dma_start3A_698 = tpu.memref_slice %arg10[%dma_start3A_697] : memref<384xf32, #tpu.memory_space<vmem_shared>> -> memref<384xf32, #tpu.memory_space<vmem_shared>>
    tpu.enqueue_indirect_dma source(%dma_start3A_693 : memref<128xf32, #tpu.memory_space<vmem>>) target(%dma_start3A_698 : memref<384xf32, #tpu.memory_space<vmem_shared>>) offsets(%dma_start3A_696 : memref<128xi32, #tpu.memory_space<vmem>>) semaphore(%arg13 : memref<!tpu.dma_semaphore, #tpu.memory_space<semaphore_mem>>) {add = true}
    %dma_start3A_699 = arith.constant 30 : i32
    %dma_start3A_700 = arith.constant 0 : i32
    %dma_start3A_701 = tpu.memref_slice %arg6[%dma_start3A_699, %dma_start3A_700] : memref<32x128xi32, #tpu.memory_space<vmem>> -> memref<1x128xi32, #tpu.memory_space<vmem>>
    %dma_start3A_702 = tpu.memref_squeeze %dma_start3A_701 : memref<1x128xi32, #tpu.memory_space<vmem>> -> memref<128xi32, #tpu.memory_space<vmem>>
    %dma_start3A_703 = arith.constant 0 : i32
    %dma_start3A_704 = tpu.memref_slice %arg11[%dma_start3A_703] : memref<384xf32, #tpu.memory_space<vmem_shared>> -> memref<384xf32, #tpu.memory_space<vmem_shared>>
    tpu.enqueue_indirect_dma source(%arg8 : memref<128xf32, #tpu.memory_space<vmem>>) target(%dma_start3A_704 : memref<384xf32, #tpu.memory_space<vmem_shared>>) offsets(%dma_start3A_702 : memref<128xi32, #tpu.memory_space<vmem>>) semaphore(%arg13 : memref<!tpu.dma_semaphore, #tpu.memory_space<semaphore_mem>>) {add = true}
    %dma_start3A_705 = arith.constant 31 : i32
    %dma_start3A_706 = arith.constant 31 : i32
    %dma_start3A_707 = arith.constant 0 : i32
    %dma_start3A_708 = tpu.memref_slice %arg7[%dma_start3A_705, %dma_start3A_707] : memref<32x128xf32, #tpu.memory_space<vmem>> -> memref<1x128xf32, #tpu.memory_space<vmem>>
    %dma_start3A_709 = tpu.memref_squeeze %dma_start3A_708 : memref<1x128xf32, #tpu.memory_space<vmem>> -> memref<128xf32, #tpu.memory_space<vmem>>
    %dma_start3A_710 = arith.constant 0 : i32
    %dma_start3A_711 = tpu.memref_slice %arg6[%dma_start3A_706, %dma_start3A_710] : memref<32x128xi32, #tpu.memory_space<vmem>> -> memref<1x128xi32, #tpu.memory_space<vmem>>
    %dma_start3A_712 = tpu.memref_squeeze %dma_start3A_711 : memref<1x128xi32, #tpu.memory_space<vmem>> -> memref<128xi32, #tpu.memory_space<vmem>>
    %dma_start3A_713 = arith.constant 0 : i32
    %dma_start3A_714 = tpu.memref_slice %arg10[%dma_start3A_713] : memref<384xf32, #tpu.memory_space<vmem_shared>> -> memref<384xf32, #tpu.memory_space<vmem_shared>>
    tpu.enqueue_indirect_dma source(%dma_start3A_709 : memref<128xf32, #tpu.memory_space<vmem>>) target(%dma_start3A_714 : memref<384xf32, #tpu.memory_space<vmem_shared>>) offsets(%dma_start3A_712 : memref<128xi32, #tpu.memory_space<vmem>>) semaphore(%arg13 : memref<!tpu.dma_semaphore, #tpu.memory_space<semaphore_mem>>) {add = true}
    %dma_start3A_715 = arith.constant 31 : i32
    %dma_start3A_716 = arith.constant 0 : i32
    %dma_start3A_717 = tpu.memref_slice %arg6[%dma_start3A_715, %dma_start3A_716] : memref<32x128xi32, #tpu.memory_space<vmem>> -> memref<1x128xi32, #tpu.memory_space<vmem>>
    %dma_start3A_718 = tpu.memref_squeeze %dma_start3A_717 : memref<1x128xi32, #tpu.memory_space<vmem>> -> memref<128xi32, #tpu.memory_space<vmem>>
    %dma_start3A_719 = arith.constant 0 : i32
    %dma_start3A_720 = tpu.memref_slice %arg11[%dma_start3A_719] : memref<384xf32, #tpu.memory_space<vmem_shared>> -> memref<384xf32, #tpu.memory_space<vmem_shared>>
    tpu.enqueue_indirect_dma source(%arg8 : memref<128xf32, #tpu.memory_space<vmem>>) target(%dma_start3A_720 : memref<384xf32, #tpu.memory_space<vmem_shared>>) offsets(%dma_start3A_718 : memref<128xi32, #tpu.memory_space<vmem>>) semaphore(%arg13 : memref<!tpu.dma_semaphore, #tpu.memory_space<semaphore_mem>>) {add = true}
    %dma_wait3A_721 = arith.constant 0 : i32
    %dma_wait3A_722 = arith.constant 0 : i32
    %dma_wait3A_723 = arith.constant 0 : i32
    %dma_wait3A_724 = tpu.memref_slice %arg7[%dma_wait3A_721, %dma_wait3A_723] : memref<32x128xf32, #tpu.memory_space<vmem>> -> memref<1x128xf32, #tpu.memory_space<vmem>>
    %dma_wait3A_725 = tpu.memref_squeeze %dma_wait3A_724 : memref<1x128xf32, #tpu.memory_space<vmem>> -> memref<128xf32, #tpu.memory_space<vmem>>
    %dma_wait3A_726 = arith.constant 0 : i32
    %dma_wait3A_727 = tpu.memref_slice %arg6[%dma_wait3A_722, %dma_wait3A_726] : memref<32x128xi32, #tpu.memory_space<vmem>> -> memref<1x128xi32, #tpu.memory_space<vmem>>
    %dma_wait3A_728 = tpu.memref_squeeze %dma_wait3A_727 : memref<1x128xi32, #tpu.memory_space<vmem>> -> memref<128xi32, #tpu.memory_space<vmem>>
    %dma_wait3A_729 = arith.constant 0 : i32
    %dma_wait3A_730 = tpu.memref_slice %arg10[%dma_wait3A_729] : memref<384xf32, #tpu.memory_space<vmem_shared>> -> memref<384xf32, #tpu.memory_space<vmem_shared>>
    tpu.wait_indirect_dma semaphore(%arg13 : memref<!tpu.dma_semaphore, #tpu.memory_space<semaphore_mem>>) src(%dma_wait3A_725 : memref<128xf32, #tpu.memory_space<vmem>>) dst(%dma_wait3A_730 : memref<384xf32, #tpu.memory_space<vmem_shared>>)
    %dma_wait3A_731 = arith.constant 0 : i32
    %dma_wait3A_732 = arith.constant 0 : i32
    %dma_wait3A_733 = tpu.memref_slice %arg6[%dma_wait3A_731, %dma_wait3A_732] : memref<32x128xi32, #tpu.memory_space<vmem>> -> memref<1x128xi32, #tpu.memory_space<vmem>>
    %dma_wait3A_734 = tpu.memref_squeeze %dma_wait3A_733 : memref<1x128xi32, #tpu.memory_space<vmem>> -> memref<128xi32, #tpu.memory_space<vmem>>
    %dma_wait3A_735 = arith.constant 0 : i32
    %dma_wait3A_736 = tpu.memref_slice %arg11[%dma_wait3A_735] : memref<384xf32, #tpu.memory_space<vmem_shared>> -> memref<384xf32, #tpu.memory_space<vmem_shared>>
    tpu.wait_indirect_dma semaphore(%arg13 : memref<!tpu.dma_semaphore, #tpu.memory_space<semaphore_mem>>) src(%arg8 : memref<128xf32, #tpu.memory_space<vmem>>) dst(%dma_wait3A_736 : memref<384xf32, #tpu.memory_space<vmem_shared>>)
    %dma_wait3A_737 = arith.constant 1 : i32
    %dma_wait3A_738 = arith.constant 1 : i32
    %dma_wait3A_739 = arith.constant 0 : i32
    %dma_wait3A_740 = tpu.memref_slice %arg7[%dma_wait3A_737, %dma_wait3A_739] : memref<32x128xf32, #tpu.memory_space<vmem>> -> memref<1x128xf32, #tpu.memory_space<vmem>>
    %dma_wait3A_741 = tpu.memref_squeeze %dma_wait3A_740 : memref<1x128xf32, #tpu.memory_space<vmem>> -> memref<128xf32, #tpu.memory_space<vmem>>
    %dma_wait3A_742 = arith.constant 0 : i32
    %dma_wait3A_743 = tpu.memref_slice %arg6[%dma_wait3A_738, %dma_wait3A_742] : memref<32x128xi32, #tpu.memory_space<vmem>> -> memref<1x128xi32, #tpu.memory_space<vmem>>
    %dma_wait3A_744 = tpu.memref_squeeze %dma_wait3A_743 : memref<1x128xi32, #tpu.memory_space<vmem>> -> memref<128xi32, #tpu.memory_space<vmem>>
    %dma_wait3A_745 = arith.constant 0 : i32
    %dma_wait3A_746 = tpu.memref_slice %arg10[%dma_wait3A_745] : memref<384xf32, #tpu.memory_space<vmem_shared>> -> memref<384xf32, #tpu.memory_space<vmem_shared>>
    tpu.wait_indirect_dma semaphore(%arg13 : memref<!tpu.dma_semaphore, #tpu.memory_space<semaphore_mem>>) src(%dma_wait3A_741 : memref<128xf32, #tpu.memory_space<vmem>>) dst(%dma_wait3A_746 : memref<384xf32, #tpu.memory_space<vmem_shared>>)
    %dma_wait3A_747 = arith.constant 1 : i32
    %dma_wait3A_748 = arith.constant 0 : i32
    %dma_wait3A_749 = tpu.memref_slice %arg6[%dma_wait3A_747, %dma_wait3A_748] : memref<32x128xi32, #tpu.memory_space<vmem>> -> memref<1x128xi32, #tpu.memory_space<vmem>>
    %dma_wait3A_750 = tpu.memref_squeeze %dma_wait3A_749 : memref<1x128xi32, #tpu.memory_space<vmem>> -> memref<128xi32, #tpu.memory_space<vmem>>
    %dma_wait3A_751 = arith.constant 0 : i32
    %dma_wait3A_752 = tpu.memref_slice %arg11[%dma_wait3A_751] : memref<384xf32, #tpu.memory_space<vmem_shared>> -> memref<384xf32, #tpu.memory_space<vmem_shared>>
    tpu.wait_indirect_dma semaphore(%arg13 : memref<!tpu.dma_semaphore, #tpu.memory_space<semaphore_mem>>) src(%arg8 : memref<128xf32, #tpu.memory_space<vmem>>) dst(%dma_wait3A_752 : memref<384xf32, #tpu.memory_space<vmem_shared>>)
    %dma_wait3A_753 = arith.constant 2 : i32
    %dma_wait3A_754 = arith.constant 2 : i32
    %dma_wait3A_755 = arith.constant 0 : i32
    %dma_wait3A_756 = tpu.memref_slice %arg7[%dma_wait3A_753, %dma_wait3A_755] : memref<32x128xf32, #tpu.memory_space<vmem>> -> memref<1x128xf32, #tpu.memory_space<vmem>>
    %dma_wait3A_757 = tpu.memref_squeeze %dma_wait3A_756 : memref<1x128xf32, #tpu.memory_space<vmem>> -> memref<128xf32, #tpu.memory_space<vmem>>
    %dma_wait3A_758 = arith.constant 0 : i32
    %dma_wait3A_759 = tpu.memref_slice %arg6[%dma_wait3A_754, %dma_wait3A_758] : memref<32x128xi32, #tpu.memory_space<vmem>> -> memref<1x128xi32, #tpu.memory_space<vmem>>
    %dma_wait3A_760 = tpu.memref_squeeze %dma_wait3A_759 : memref<1x128xi32, #tpu.memory_space<vmem>> -> memref<128xi32, #tpu.memory_space<vmem>>
    %dma_wait3A_761 = arith.constant 0 : i32
    %dma_wait3A_762 = tpu.memref_slice %arg10[%dma_wait3A_761] : memref<384xf32, #tpu.memory_space<vmem_shared>> -> memref<384xf32, #tpu.memory_space<vmem_shared>>
    tpu.wait_indirect_dma semaphore(%arg13 : memref<!tpu.dma_semaphore, #tpu.memory_space<semaphore_mem>>) src(%dma_wait3A_757 : memref<128xf32, #tpu.memory_space<vmem>>) dst(%dma_wait3A_762 : memref<384xf32, #tpu.memory_space<vmem_shared>>)
    %dma_wait3A_763 = arith.constant 2 : i32
    %dma_wait3A_764 = arith.constant 0 : i32
    %dma_wait3A_765 = tpu.memref_slice %arg6[%dma_wait3A_763, %dma_wait3A_764] : memref<32x128xi32, #tpu.memory_space<vmem>> -> memref<1x128xi32, #tpu.memory_space<vmem>>
    %dma_wait3A_766 = tpu.memref_squeeze %dma_wait3A_765 : memref<1x128xi32, #tpu.memory_space<vmem>> -> memref<128xi32, #tpu.memory_space<vmem>>
    %dma_wait3A_767 = arith.constant 0 : i32
    %dma_wait3A_768 = tpu.memref_slice %arg11[%dma_wait3A_767] : memref<384xf32, #tpu.memory_space<vmem_shared>> -> memref<384xf32, #tpu.memory_space<vmem_shared>>
    tpu.wait_indirect_dma semaphore(%arg13 : memref<!tpu.dma_semaphore, #tpu.memory_space<semaphore_mem>>) src(%arg8 : memref<128xf32, #tpu.memory_space<vmem>>) dst(%dma_wait3A_768 : memref<384xf32, #tpu.memory_space<vmem_shared>>)
    %dma_wait3A_769 = arith.constant 3 : i32
    %dma_wait3A_770 = arith.constant 3 : i32
    %dma_wait3A_771 = arith.constant 0 : i32
    %dma_wait3A_772 = tpu.memref_slice %arg7[%dma_wait3A_769, %dma_wait3A_771] : memref<32x128xf32, #tpu.memory_space<vmem>> -> memref<1x128xf32, #tpu.memory_space<vmem>>
    %dma_wait3A_773 = tpu.memref_squeeze %dma_wait3A_772 : memref<1x128xf32, #tpu.memory_space<vmem>> -> memref<128xf32, #tpu.memory_space<vmem>>
    %dma_wait3A_774 = arith.constant 0 : i32
    %dma_wait3A_775 = tpu.memref_slice %arg6[%dma_wait3A_770, %dma_wait3A_774] : memref<32x128xi32, #tpu.memory_space<vmem>> -> memref<1x128xi32, #tpu.memory_space<vmem>>
    %dma_wait3A_776 = tpu.memref_squeeze %dma_wait3A_775 : memref<1x128xi32, #tpu.memory_space<vmem>> -> memref<128xi32, #tpu.memory_space<vmem>>
    %dma_wait3A_777 = arith.constant 0 : i32
    %dma_wait3A_778 = tpu.memref_slice %arg10[%dma_wait3A_777] : memref<384xf32, #tpu.memory_space<vmem_shared>> -> memref<384xf32, #tpu.memory_space<vmem_shared>>
    tpu.wait_indirect_dma semaphore(%arg13 : memref<!tpu.dma_semaphore, #tpu.memory_space<semaphore_mem>>) src(%dma_wait3A_773 : memref<128xf32, #tpu.memory_space<vmem>>) dst(%dma_wait3A_778 : memref<384xf32, #tpu.memory_space<vmem_shared>>)
    %dma_wait3A_779 = arith.constant 3 : i32
    %dma_wait3A_780 = arith.constant 0 : i32
    %dma_wait3A_781 = tpu.memref_slice %arg6[%dma_wait3A_779, %dma_wait3A_780] : memref<32x128xi32, #tpu.memory_space<vmem>> -> memref<1x128xi32, #tpu.memory_space<vmem>>
    %dma_wait3A_782 = tpu.memref_squeeze %dma_wait3A_781 : memref<1x128xi32, #tpu.memory_space<vmem>> -> memref<128xi32, #tpu.memory_space<vmem>>
    %dma_wait3A_783 = arith.constant 0 : i32
    %dma_wait3A_784 = tpu.memref_slice %arg11[%dma_wait3A_783] : memref<384xf32, #tpu.memory_space<vmem_shared>> -> memref<384xf32, #tpu.memory_space<vmem_shared>>
    tpu.wait_indirect_dma semaphore(%arg13 : memref<!tpu.dma_semaphore, #tpu.memory_space<semaphore_mem>>) src(%arg8 : memref<128xf32, #tpu.memory_space<vmem>>) dst(%dma_wait3A_784 : memref<384xf32, #tpu.memory_space<vmem_shared>>)
    %dma_wait3A_785 = arith.constant 4 : i32
    %dma_wait3A_786 = arith.constant 4 : i32
    %dma_wait3A_787 = arith.constant 0 : i32
    %dma_wait3A_788 = tpu.memref_slice %arg7[%dma_wait3A_785, %dma_wait3A_787] : memref<32x128xf32, #tpu.memory_space<vmem>> -> memref<1x128xf32, #tpu.memory_space<vmem>>
    %dma_wait3A_789 = tpu.memref_squeeze %dma_wait3A_788 : memref<1x128xf32, #tpu.memory_space<vmem>> -> memref<128xf32, #tpu.memory_space<vmem>>
    %dma_wait3A_790 = arith.constant 0 : i32
    %dma_wait3A_791 = tpu.memref_slice %arg6[%dma_wait3A_786, %dma_wait3A_790] : memref<32x128xi32, #tpu.memory_space<vmem>> -> memref<1x128xi32, #tpu.memory_space<vmem>>
    %dma_wait3A_792 = tpu.memref_squeeze %dma_wait3A_791 : memref<1x128xi32, #tpu.memory_space<vmem>> -> memref<128xi32, #tpu.memory_space<vmem>>
    %dma_wait3A_793 = arith.constant 0 : i32
    %dma_wait3A_794 = tpu.memref_slice %arg10[%dma_wait3A_793] : memref<384xf32, #tpu.memory_space<vmem_shared>> -> memref<384xf32, #tpu.memory_space<vmem_shared>>
    tpu.wait_indirect_dma semaphore(%arg13 : memref<!tpu.dma_semaphore, #tpu.memory_space<semaphore_mem>>) src(%dma_wait3A_789 : memref<128xf32, #tpu.memory_space<vmem>>) dst(%dma_wait3A_794 : memref<384xf32, #tpu.memory_space<vmem_shared>>)
    %dma_wait3A_795 = arith.constant 4 : i32
    %dma_wait3A_796 = arith.constant 0 : i32
    %dma_wait3A_797 = tpu.memref_slice %arg6[%dma_wait3A_795, %dma_wait3A_796] : memref<32x128xi32, #tpu.memory_space<vmem>> -> memref<1x128xi32, #tpu.memory_space<vmem>>
    %dma_wait3A_798 = tpu.memref_squeeze %dma_wait3A_797 : memref<1x128xi32, #tpu.memory_space<vmem>> -> memref<128xi32, #tpu.memory_space<vmem>>
    %dma_wait3A_799 = arith.constant 0 : i32
    %dma_wait3A_800 = tpu.memref_slice %arg11[%dma_wait3A_799] : memref<384xf32, #tpu.memory_space<vmem_shared>> -> memref<384xf32, #tpu.memory_space<vmem_shared>>
    tpu.wait_indirect_dma semaphore(%arg13 : memref<!tpu.dma_semaphore, #tpu.memory_space<semaphore_mem>>) src(%arg8 : memref<128xf32, #tpu.memory_space<vmem>>) dst(%dma_wait3A_800 : memref<384xf32, #tpu.memory_space<vmem_shared>>)
    %dma_wait3A_801 = arith.constant 5 : i32
    %dma_wait3A_802 = arith.constant 5 : i32
    %dma_wait3A_803 = arith.constant 0 : i32
    %dma_wait3A_804 = tpu.memref_slice %arg7[%dma_wait3A_801, %dma_wait3A_803] : memref<32x128xf32, #tpu.memory_space<vmem>> -> memref<1x128xf32, #tpu.memory_space<vmem>>
    %dma_wait3A_805 = tpu.memref_squeeze %dma_wait3A_804 : memref<1x128xf32, #tpu.memory_space<vmem>> -> memref<128xf32, #tpu.memory_space<vmem>>
    %dma_wait3A_806 = arith.constant 0 : i32
    %dma_wait3A_807 = tpu.memref_slice %arg6[%dma_wait3A_802, %dma_wait3A_806] : memref<32x128xi32, #tpu.memory_space<vmem>> -> memref<1x128xi32, #tpu.memory_space<vmem>>
    %dma_wait3A_808 = tpu.memref_squeeze %dma_wait3A_807 : memref<1x128xi32, #tpu.memory_space<vmem>> -> memref<128xi32, #tpu.memory_space<vmem>>
    %dma_wait3A_809 = arith.constant 0 : i32
    %dma_wait3A_810 = tpu.memref_slice %arg10[%dma_wait3A_809] : memref<384xf32, #tpu.memory_space<vmem_shared>> -> memref<384xf32, #tpu.memory_space<vmem_shared>>
    tpu.wait_indirect_dma semaphore(%arg13 : memref<!tpu.dma_semaphore, #tpu.memory_space<semaphore_mem>>) src(%dma_wait3A_805 : memref<128xf32, #tpu.memory_space<vmem>>) dst(%dma_wait3A_810 : memref<384xf32, #tpu.memory_space<vmem_shared>>)
    %dma_wait3A_811 = arith.constant 5 : i32
    %dma_wait3A_812 = arith.constant 0 : i32
    %dma_wait3A_813 = tpu.memref_slice %arg6[%dma_wait3A_811, %dma_wait3A_812] : memref<32x128xi32, #tpu.memory_space<vmem>> -> memref<1x128xi32, #tpu.memory_space<vmem>>
    %dma_wait3A_814 = tpu.memref_squeeze %dma_wait3A_813 : memref<1x128xi32, #tpu.memory_space<vmem>> -> memref<128xi32, #tpu.memory_space<vmem>>
    %dma_wait3A_815 = arith.constant 0 : i32
    %dma_wait3A_816 = tpu.memref_slice %arg11[%dma_wait3A_815] : memref<384xf32, #tpu.memory_space<vmem_shared>> -> memref<384xf32, #tpu.memory_space<vmem_shared>>
    tpu.wait_indirect_dma semaphore(%arg13 : memref<!tpu.dma_semaphore, #tpu.memory_space<semaphore_mem>>) src(%arg8 : memref<128xf32, #tpu.memory_space<vmem>>) dst(%dma_wait3A_816 : memref<384xf32, #tpu.memory_space<vmem_shared>>)
    %dma_wait3A_817 = arith.constant 6 : i32
    %dma_wait3A_818 = arith.constant 6 : i32
    %dma_wait3A_819 = arith.constant 0 : i32
    %dma_wait3A_820 = tpu.memref_slice %arg7[%dma_wait3A_817, %dma_wait3A_819] : memref<32x128xf32, #tpu.memory_space<vmem>> -> memref<1x128xf32, #tpu.memory_space<vmem>>
    %dma_wait3A_821 = tpu.memref_squeeze %dma_wait3A_820 : memref<1x128xf32, #tpu.memory_space<vmem>> -> memref<128xf32, #tpu.memory_space<vmem>>
    %dma_wait3A_822 = arith.constant 0 : i32
    %dma_wait3A_823 = tpu.memref_slice %arg6[%dma_wait3A_818, %dma_wait3A_822] : memref<32x128xi32, #tpu.memory_space<vmem>> -> memref<1x128xi32, #tpu.memory_space<vmem>>
    %dma_wait3A_824 = tpu.memref_squeeze %dma_wait3A_823 : memref<1x128xi32, #tpu.memory_space<vmem>> -> memref<128xi32, #tpu.memory_space<vmem>>
    %dma_wait3A_825 = arith.constant 0 : i32
    %dma_wait3A_826 = tpu.memref_slice %arg10[%dma_wait3A_825] : memref<384xf32, #tpu.memory_space<vmem_shared>> -> memref<384xf32, #tpu.memory_space<vmem_shared>>
    tpu.wait_indirect_dma semaphore(%arg13 : memref<!tpu.dma_semaphore, #tpu.memory_space<semaphore_mem>>) src(%dma_wait3A_821 : memref<128xf32, #tpu.memory_space<vmem>>) dst(%dma_wait3A_826 : memref<384xf32, #tpu.memory_space<vmem_shared>>)
    %dma_wait3A_827 = arith.constant 6 : i32
    %dma_wait3A_828 = arith.constant 0 : i32
    %dma_wait3A_829 = tpu.memref_slice %arg6[%dma_wait3A_827, %dma_wait3A_828] : memref<32x128xi32, #tpu.memory_space<vmem>> -> memref<1x128xi32, #tpu.memory_space<vmem>>
    %dma_wait3A_830 = tpu.memref_squeeze %dma_wait3A_829 : memref<1x128xi32, #tpu.memory_space<vmem>> -> memref<128xi32, #tpu.memory_space<vmem>>
    %dma_wait3A_831 = arith.constant 0 : i32
    %dma_wait3A_832 = tpu.memref_slice %arg11[%dma_wait3A_831] : memref<384xf32, #tpu.memory_space<vmem_shared>> -> memref<384xf32, #tpu.memory_space<vmem_shared>>
    tpu.wait_indirect_dma semaphore(%arg13 : memref<!tpu.dma_semaphore, #tpu.memory_space<semaphore_mem>>) src(%arg8 : memref<128xf32, #tpu.memory_space<vmem>>) dst(%dma_wait3A_832 : memref<384xf32, #tpu.memory_space<vmem_shared>>)
    %dma_wait3A_833 = arith.constant 7 : i32
    %dma_wait3A_834 = arith.constant 7 : i32
    %dma_wait3A_835 = arith.constant 0 : i32
    %dma_wait3A_836 = tpu.memref_slice %arg7[%dma_wait3A_833, %dma_wait3A_835] : memref<32x128xf32, #tpu.memory_space<vmem>> -> memref<1x128xf32, #tpu.memory_space<vmem>>
    %dma_wait3A_837 = tpu.memref_squeeze %dma_wait3A_836 : memref<1x128xf32, #tpu.memory_space<vmem>> -> memref<128xf32, #tpu.memory_space<vmem>>
    %dma_wait3A_838 = arith.constant 0 : i32
    %dma_wait3A_839 = tpu.memref_slice %arg6[%dma_wait3A_834, %dma_wait3A_838] : memref<32x128xi32, #tpu.memory_space<vmem>> -> memref<1x128xi32, #tpu.memory_space<vmem>>
    %dma_wait3A_840 = tpu.memref_squeeze %dma_wait3A_839 : memref<1x128xi32, #tpu.memory_space<vmem>> -> memref<128xi32, #tpu.memory_space<vmem>>
    %dma_wait3A_841 = arith.constant 0 : i32
    %dma_wait3A_842 = tpu.memref_slice %arg10[%dma_wait3A_841] : memref<384xf32, #tpu.memory_space<vmem_shared>> -> memref<384xf32, #tpu.memory_space<vmem_shared>>
    tpu.wait_indirect_dma semaphore(%arg13 : memref<!tpu.dma_semaphore, #tpu.memory_space<semaphore_mem>>) src(%dma_wait3A_837 : memref<128xf32, #tpu.memory_space<vmem>>) dst(%dma_wait3A_842 : memref<384xf32, #tpu.memory_space<vmem_shared>>)
    %dma_wait3A_843 = arith.constant 7 : i32
    %dma_wait3A_844 = arith.constant 0 : i32
    %dma_wait3A_845 = tpu.memref_slice %arg6[%dma_wait3A_843, %dma_wait3A_844] : memref<32x128xi32, #tpu.memory_space<vmem>> -> memref<1x128xi32, #tpu.memory_space<vmem>>
    %dma_wait3A_846 = tpu.memref_squeeze %dma_wait3A_845 : memref<1x128xi32, #tpu.memory_space<vmem>> -> memref<128xi32, #tpu.memory_space<vmem>>
    %dma_wait3A_847 = arith.constant 0 : i32
    %dma_wait3A_848 = tpu.memref_slice %arg11[%dma_wait3A_847] : memref<384xf32, #tpu.memory_space<vmem_shared>> -> memref<384xf32, #tpu.memory_space<vmem_shared>>
    tpu.wait_indirect_dma semaphore(%arg13 : memref<!tpu.dma_semaphore, #tpu.memory_space<semaphore_mem>>) src(%arg8 : memref<128xf32, #tpu.memory_space<vmem>>) dst(%dma_wait3A_848 : memref<384xf32, #tpu.memory_space<vmem_shared>>)
    %dma_wait3A_849 = arith.constant 8 : i32
    %dma_wait3A_850 = arith.constant 8 : i32
    %dma_wait3A_851 = arith.constant 0 : i32
    %dma_wait3A_852 = tpu.memref_slice %arg7[%dma_wait3A_849, %dma_wait3A_851] : memref<32x128xf32, #tpu.memory_space<vmem>> -> memref<1x128xf32, #tpu.memory_space<vmem>>
    %dma_wait3A_853 = tpu.memref_squeeze %dma_wait3A_852 : memref<1x128xf32, #tpu.memory_space<vmem>> -> memref<128xf32, #tpu.memory_space<vmem>>
    %dma_wait3A_854 = arith.constant 0 : i32
    %dma_wait3A_855 = tpu.memref_slice %arg6[%dma_wait3A_850, %dma_wait3A_854] : memref<32x128xi32, #tpu.memory_space<vmem>> -> memref<1x128xi32, #tpu.memory_space<vmem>>
    %dma_wait3A_856 = tpu.memref_squeeze %dma_wait3A_855 : memref<1x128xi32, #tpu.memory_space<vmem>> -> memref<128xi32, #tpu.memory_space<vmem>>
    %dma_wait3A_857 = arith.constant 0 : i32
    %dma_wait3A_858 = tpu.memref_slice %arg10[%dma_wait3A_857] : memref<384xf32, #tpu.memory_space<vmem_shared>> -> memref<384xf32, #tpu.memory_space<vmem_shared>>
    tpu.wait_indirect_dma semaphore(%arg13 : memref<!tpu.dma_semaphore, #tpu.memory_space<semaphore_mem>>) src(%dma_wait3A_853 : memref<128xf32, #tpu.memory_space<vmem>>) dst(%dma_wait3A_858 : memref<384xf32, #tpu.memory_space<vmem_shared>>)
    %dma_wait3A_859 = arith.constant 8 : i32
    %dma_wait3A_860 = arith.constant 0 : i32
    %dma_wait3A_861 = tpu.memref_slice %arg6[%dma_wait3A_859, %dma_wait3A_860] : memref<32x128xi32, #tpu.memory_space<vmem>> -> memref<1x128xi32, #tpu.memory_space<vmem>>
    %dma_wait3A_862 = tpu.memref_squeeze %dma_wait3A_861 : memref<1x128xi32, #tpu.memory_space<vmem>> -> memref<128xi32, #tpu.memory_space<vmem>>
    %dma_wait3A_863 = arith.constant 0 : i32
    %dma_wait3A_864 = tpu.memref_slice %arg11[%dma_wait3A_863] : memref<384xf32, #tpu.memory_space<vmem_shared>> -> memref<384xf32, #tpu.memory_space<vmem_shared>>
    tpu.wait_indirect_dma semaphore(%arg13 : memref<!tpu.dma_semaphore, #tpu.memory_space<semaphore_mem>>) src(%arg8 : memref<128xf32, #tpu.memory_space<vmem>>) dst(%dma_wait3A_864 : memref<384xf32, #tpu.memory_space<vmem_shared>>)
    %dma_wait3A_865 = arith.constant 9 : i32
    %dma_wait3A_866 = arith.constant 9 : i32
    %dma_wait3A_867 = arith.constant 0 : i32
    %dma_wait3A_868 = tpu.memref_slice %arg7[%dma_wait3A_865, %dma_wait3A_867] : memref<32x128xf32, #tpu.memory_space<vmem>> -> memref<1x128xf32, #tpu.memory_space<vmem>>
    %dma_wait3A_869 = tpu.memref_squeeze %dma_wait3A_868 : memref<1x128xf32, #tpu.memory_space<vmem>> -> memref<128xf32, #tpu.memory_space<vmem>>
    %dma_wait3A_870 = arith.constant 0 : i32
    %dma_wait3A_871 = tpu.memref_slice %arg6[%dma_wait3A_866, %dma_wait3A_870] : memref<32x128xi32, #tpu.memory_space<vmem>> -> memref<1x128xi32, #tpu.memory_space<vmem>>
    %dma_wait3A_872 = tpu.memref_squeeze %dma_wait3A_871 : memref<1x128xi32, #tpu.memory_space<vmem>> -> memref<128xi32, #tpu.memory_space<vmem>>
    %dma_wait3A_873 = arith.constant 0 : i32
    %dma_wait3A_874 = tpu.memref_slice %arg10[%dma_wait3A_873] : memref<384xf32, #tpu.memory_space<vmem_shared>> -> memref<384xf32, #tpu.memory_space<vmem_shared>>
    tpu.wait_indirect_dma semaphore(%arg13 : memref<!tpu.dma_semaphore, #tpu.memory_space<semaphore_mem>>) src(%dma_wait3A_869 : memref<128xf32, #tpu.memory_space<vmem>>) dst(%dma_wait3A_874 : memref<384xf32, #tpu.memory_space<vmem_shared>>)
    %dma_wait3A_875 = arith.constant 9 : i32
    %dma_wait3A_876 = arith.constant 0 : i32
    %dma_wait3A_877 = tpu.memref_slice %arg6[%dma_wait3A_875, %dma_wait3A_876] : memref<32x128xi32, #tpu.memory_space<vmem>> -> memref<1x128xi32, #tpu.memory_space<vmem>>
    %dma_wait3A_878 = tpu.memref_squeeze %dma_wait3A_877 : memref<1x128xi32, #tpu.memory_space<vmem>> -> memref<128xi32, #tpu.memory_space<vmem>>
    %dma_wait3A_879 = arith.constant 0 : i32
    %dma_wait3A_880 = tpu.memref_slice %arg11[%dma_wait3A_879] : memref<384xf32, #tpu.memory_space<vmem_shared>> -> memref<384xf32, #tpu.memory_space<vmem_shared>>
    tpu.wait_indirect_dma semaphore(%arg13 : memref<!tpu.dma_semaphore, #tpu.memory_space<semaphore_mem>>) src(%arg8 : memref<128xf32, #tpu.memory_space<vmem>>) dst(%dma_wait3A_880 : memref<384xf32, #tpu.memory_space<vmem_shared>>)
    %dma_wait3A_881 = arith.constant 10 : i32
    %dma_wait3A_882 = arith.constant 10 : i32
    %dma_wait3A_883 = arith.constant 0 : i32
    %dma_wait3A_884 = tpu.memref_slice %arg7[%dma_wait3A_881, %dma_wait3A_883] : memref<32x128xf32, #tpu.memory_space<vmem>> -> memref<1x128xf32, #tpu.memory_space<vmem>>
    %dma_wait3A_885 = tpu.memref_squeeze %dma_wait3A_884 : memref<1x128xf32, #tpu.memory_space<vmem>> -> memref<128xf32, #tpu.memory_space<vmem>>
    %dma_wait3A_886 = arith.constant 0 : i32
    %dma_wait3A_887 = tpu.memref_slice %arg6[%dma_wait3A_882, %dma_wait3A_886] : memref<32x128xi32, #tpu.memory_space<vmem>> -> memref<1x128xi32, #tpu.memory_space<vmem>>
    %dma_wait3A_888 = tpu.memref_squeeze %dma_wait3A_887 : memref<1x128xi32, #tpu.memory_space<vmem>> -> memref<128xi32, #tpu.memory_space<vmem>>
    %dma_wait3A_889 = arith.constant 0 : i32
    %dma_wait3A_890 = tpu.memref_slice %arg10[%dma_wait3A_889] : memref<384xf32, #tpu.memory_space<vmem_shared>> -> memref<384xf32, #tpu.memory_space<vmem_shared>>
    tpu.wait_indirect_dma semaphore(%arg13 : memref<!tpu.dma_semaphore, #tpu.memory_space<semaphore_mem>>) src(%dma_wait3A_885 : memref<128xf32, #tpu.memory_space<vmem>>) dst(%dma_wait3A_890 : memref<384xf32, #tpu.memory_space<vmem_shared>>)
    %dma_wait3A_891 = arith.constant 10 : i32
    %dma_wait3A_892 = arith.constant 0 : i32
    %dma_wait3A_893 = tpu.memref_slice %arg6[%dma_wait3A_891, %dma_wait3A_892] : memref<32x128xi32, #tpu.memory_space<vmem>> -> memref<1x128xi32, #tpu.memory_space<vmem>>
    %dma_wait3A_894 = tpu.memref_squeeze %dma_wait3A_893 : memref<1x128xi32, #tpu.memory_space<vmem>> -> memref<128xi32, #tpu.memory_space<vmem>>
    %dma_wait3A_895 = arith.constant 0 : i32
    %dma_wait3A_896 = tpu.memref_slice %arg11[%dma_wait3A_895] : memref<384xf32, #tpu.memory_space<vmem_shared>> -> memref<384xf32, #tpu.memory_space<vmem_shared>>
    tpu.wait_indirect_dma semaphore(%arg13 : memref<!tpu.dma_semaphore, #tpu.memory_space<semaphore_mem>>) src(%arg8 : memref<128xf32, #tpu.memory_space<vmem>>) dst(%dma_wait3A_896 : memref<384xf32, #tpu.memory_space<vmem_shared>>)
    %dma_wait3A_897 = arith.constant 11 : i32
    %dma_wait3A_898 = arith.constant 11 : i32
    %dma_wait3A_899 = arith.constant 0 : i32
    %dma_wait3A_900 = tpu.memref_slice %arg7[%dma_wait3A_897, %dma_wait3A_899] : memref<32x128xf32, #tpu.memory_space<vmem>> -> memref<1x128xf32, #tpu.memory_space<vmem>>
    %dma_wait3A_901 = tpu.memref_squeeze %dma_wait3A_900 : memref<1x128xf32, #tpu.memory_space<vmem>> -> memref<128xf32, #tpu.memory_space<vmem>>
    %dma_wait3A_902 = arith.constant 0 : i32
    %dma_wait3A_903 = tpu.memref_slice %arg6[%dma_wait3A_898, %dma_wait3A_902] : memref<32x128xi32, #tpu.memory_space<vmem>> -> memref<1x128xi32, #tpu.memory_space<vmem>>
    %dma_wait3A_904 = tpu.memref_squeeze %dma_wait3A_903 : memref<1x128xi32, #tpu.memory_space<vmem>> -> memref<128xi32, #tpu.memory_space<vmem>>
    %dma_wait3A_905 = arith.constant 0 : i32
    %dma_wait3A_906 = tpu.memref_slice %arg10[%dma_wait3A_905] : memref<384xf32, #tpu.memory_space<vmem_shared>> -> memref<384xf32, #tpu.memory_space<vmem_shared>>
    tpu.wait_indirect_dma semaphore(%arg13 : memref<!tpu.dma_semaphore, #tpu.memory_space<semaphore_mem>>) src(%dma_wait3A_901 : memref<128xf32, #tpu.memory_space<vmem>>) dst(%dma_wait3A_906 : memref<384xf32, #tpu.memory_space<vmem_shared>>)
    %dma_wait3A_907 = arith.constant 11 : i32
    %dma_wait3A_908 = arith.constant 0 : i32
    %dma_wait3A_909 = tpu.memref_slice %arg6[%dma_wait3A_907, %dma_wait3A_908] : memref<32x128xi32, #tpu.memory_space<vmem>> -> memref<1x128xi32, #tpu.memory_space<vmem>>
    %dma_wait3A_910 = tpu.memref_squeeze %dma_wait3A_909 : memref<1x128xi32, #tpu.memory_space<vmem>> -> memref<128xi32, #tpu.memory_space<vmem>>
    %dma_wait3A_911 = arith.constant 0 : i32
    %dma_wait3A_912 = tpu.memref_slice %arg11[%dma_wait3A_911] : memref<384xf32, #tpu.memory_space<vmem_shared>> -> memref<384xf32, #tpu.memory_space<vmem_shared>>
    tpu.wait_indirect_dma semaphore(%arg13 : memref<!tpu.dma_semaphore, #tpu.memory_space<semaphore_mem>>) src(%arg8 : memref<128xf32, #tpu.memory_space<vmem>>) dst(%dma_wait3A_912 : memref<384xf32, #tpu.memory_space<vmem_shared>>)
    %dma_wait3A_913 = arith.constant 12 : i32
    %dma_wait3A_914 = arith.constant 12 : i32
    %dma_wait3A_915 = arith.constant 0 : i32
    %dma_wait3A_916 = tpu.memref_slice %arg7[%dma_wait3A_913, %dma_wait3A_915] : memref<32x128xf32, #tpu.memory_space<vmem>> -> memref<1x128xf32, #tpu.memory_space<vmem>>
    %dma_wait3A_917 = tpu.memref_squeeze %dma_wait3A_916 : memref<1x128xf32, #tpu.memory_space<vmem>> -> memref<128xf32, #tpu.memory_space<vmem>>
    %dma_wait3A_918 = arith.constant 0 : i32
    %dma_wait3A_919 = tpu.memref_slice %arg6[%dma_wait3A_914, %dma_wait3A_918] : memref<32x128xi32, #tpu.memory_space<vmem>> -> memref<1x128xi32, #tpu.memory_space<vmem>>
    %dma_wait3A_920 = tpu.memref_squeeze %dma_wait3A_919 : memref<1x128xi32, #tpu.memory_space<vmem>> -> memref<128xi32, #tpu.memory_space<vmem>>
    %dma_wait3A_921 = arith.constant 0 : i32
    %dma_wait3A_922 = tpu.memref_slice %arg10[%dma_wait3A_921] : memref<384xf32, #tpu.memory_space<vmem_shared>> -> memref<384xf32, #tpu.memory_space<vmem_shared>>
    tpu.wait_indirect_dma semaphore(%arg13 : memref<!tpu.dma_semaphore, #tpu.memory_space<semaphore_mem>>) src(%dma_wait3A_917 : memref<128xf32, #tpu.memory_space<vmem>>) dst(%dma_wait3A_922 : memref<384xf32, #tpu.memory_space<vmem_shared>>)
    %dma_wait3A_923 = arith.constant 12 : i32
    %dma_wait3A_924 = arith.constant 0 : i32
    %dma_wait3A_925 = tpu.memref_slice %arg6[%dma_wait3A_923, %dma_wait3A_924] : memref<32x128xi32, #tpu.memory_space<vmem>> -> memref<1x128xi32, #tpu.memory_space<vmem>>
    %dma_wait3A_926 = tpu.memref_squeeze %dma_wait3A_925 : memref<1x128xi32, #tpu.memory_space<vmem>> -> memref<128xi32, #tpu.memory_space<vmem>>
    %dma_wait3A_927 = arith.constant 0 : i32
    %dma_wait3A_928 = tpu.memref_slice %arg11[%dma_wait3A_927] : memref<384xf32, #tpu.memory_space<vmem_shared>> -> memref<384xf32, #tpu.memory_space<vmem_shared>>
    tpu.wait_indirect_dma semaphore(%arg13 : memref<!tpu.dma_semaphore, #tpu.memory_space<semaphore_mem>>) src(%arg8 : memref<128xf32, #tpu.memory_space<vmem>>) dst(%dma_wait3A_928 : memref<384xf32, #tpu.memory_space<vmem_shared>>)
    %dma_wait3A_929 = arith.constant 13 : i32
    %dma_wait3A_930 = arith.constant 13 : i32
    %dma_wait3A_931 = arith.constant 0 : i32
    %dma_wait3A_932 = tpu.memref_slice %arg7[%dma_wait3A_929, %dma_wait3A_931] : memref<32x128xf32, #tpu.memory_space<vmem>> -> memref<1x128xf32, #tpu.memory_space<vmem>>
    %dma_wait3A_933 = tpu.memref_squeeze %dma_wait3A_932 : memref<1x128xf32, #tpu.memory_space<vmem>> -> memref<128xf32, #tpu.memory_space<vmem>>
    %dma_wait3A_934 = arith.constant 0 : i32
    %dma_wait3A_935 = tpu.memref_slice %arg6[%dma_wait3A_930, %dma_wait3A_934] : memref<32x128xi32, #tpu.memory_space<vmem>> -> memref<1x128xi32, #tpu.memory_space<vmem>>
    %dma_wait3A_936 = tpu.memref_squeeze %dma_wait3A_935 : memref<1x128xi32, #tpu.memory_space<vmem>> -> memref<128xi32, #tpu.memory_space<vmem>>
    %dma_wait3A_937 = arith.constant 0 : i32
    %dma_wait3A_938 = tpu.memref_slice %arg10[%dma_wait3A_937] : memref<384xf32, #tpu.memory_space<vmem_shared>> -> memref<384xf32, #tpu.memory_space<vmem_shared>>
    tpu.wait_indirect_dma semaphore(%arg13 : memref<!tpu.dma_semaphore, #tpu.memory_space<semaphore_mem>>) src(%dma_wait3A_933 : memref<128xf32, #tpu.memory_space<vmem>>) dst(%dma_wait3A_938 : memref<384xf32, #tpu.memory_space<vmem_shared>>)
    %dma_wait3A_939 = arith.constant 13 : i32
    %dma_wait3A_940 = arith.constant 0 : i32
    %dma_wait3A_941 = tpu.memref_slice %arg6[%dma_wait3A_939, %dma_wait3A_940] : memref<32x128xi32, #tpu.memory_space<vmem>> -> memref<1x128xi32, #tpu.memory_space<vmem>>
    %dma_wait3A_942 = tpu.memref_squeeze %dma_wait3A_941 : memref<1x128xi32, #tpu.memory_space<vmem>> -> memref<128xi32, #tpu.memory_space<vmem>>
    %dma_wait3A_943 = arith.constant 0 : i32
    %dma_wait3A_944 = tpu.memref_slice %arg11[%dma_wait3A_943] : memref<384xf32, #tpu.memory_space<vmem_shared>> -> memref<384xf32, #tpu.memory_space<vmem_shared>>
    tpu.wait_indirect_dma semaphore(%arg13 : memref<!tpu.dma_semaphore, #tpu.memory_space<semaphore_mem>>) src(%arg8 : memref<128xf32, #tpu.memory_space<vmem>>) dst(%dma_wait3A_944 : memref<384xf32, #tpu.memory_space<vmem_shared>>)
    %dma_wait3A_945 = arith.constant 14 : i32
    %dma_wait3A_946 = arith.constant 14 : i32
    %dma_wait3A_947 = arith.constant 0 : i32
    %dma_wait3A_948 = tpu.memref_slice %arg7[%dma_wait3A_945, %dma_wait3A_947] : memref<32x128xf32, #tpu.memory_space<vmem>> -> memref<1x128xf32, #tpu.memory_space<vmem>>
    %dma_wait3A_949 = tpu.memref_squeeze %dma_wait3A_948 : memref<1x128xf32, #tpu.memory_space<vmem>> -> memref<128xf32, #tpu.memory_space<vmem>>
    %dma_wait3A_950 = arith.constant 0 : i32
    %dma_wait3A_951 = tpu.memref_slice %arg6[%dma_wait3A_946, %dma_wait3A_950] : memref<32x128xi32, #tpu.memory_space<vmem>> -> memref<1x128xi32, #tpu.memory_space<vmem>>
    %dma_wait3A_952 = tpu.memref_squeeze %dma_wait3A_951 : memref<1x128xi32, #tpu.memory_space<vmem>> -> memref<128xi32, #tpu.memory_space<vmem>>
    %dma_wait3A_953 = arith.constant 0 : i32
    %dma_wait3A_954 = tpu.memref_slice %arg10[%dma_wait3A_953] : memref<384xf32, #tpu.memory_space<vmem_shared>> -> memref<384xf32, #tpu.memory_space<vmem_shared>>
    tpu.wait_indirect_dma semaphore(%arg13 : memref<!tpu.dma_semaphore, #tpu.memory_space<semaphore_mem>>) src(%dma_wait3A_949 : memref<128xf32, #tpu.memory_space<vmem>>) dst(%dma_wait3A_954 : memref<384xf32, #tpu.memory_space<vmem_shared>>)
    %dma_wait3A_955 = arith.constant 14 : i32
    %dma_wait3A_956 = arith.constant 0 : i32
    %dma_wait3A_957 = tpu.memref_slice %arg6[%dma_wait3A_955, %dma_wait3A_956] : memref<32x128xi32, #tpu.memory_space<vmem>> -> memref<1x128xi32, #tpu.memory_space<vmem>>
    %dma_wait3A_958 = tpu.memref_squeeze %dma_wait3A_957 : memref<1x128xi32, #tpu.memory_space<vmem>> -> memref<128xi32, #tpu.memory_space<vmem>>
    %dma_wait3A_959 = arith.constant 0 : i32
    %dma_wait3A_960 = tpu.memref_slice %arg11[%dma_wait3A_959] : memref<384xf32, #tpu.memory_space<vmem_shared>> -> memref<384xf32, #tpu.memory_space<vmem_shared>>
    tpu.wait_indirect_dma semaphore(%arg13 : memref<!tpu.dma_semaphore, #tpu.memory_space<semaphore_mem>>) src(%arg8 : memref<128xf32, #tpu.memory_space<vmem>>) dst(%dma_wait3A_960 : memref<384xf32, #tpu.memory_space<vmem_shared>>)
    %dma_wait3A_961 = arith.constant 15 : i32
    %dma_wait3A_962 = arith.constant 15 : i32
    %dma_wait3A_963 = arith.constant 0 : i32
    %dma_wait3A_964 = tpu.memref_slice %arg7[%dma_wait3A_961, %dma_wait3A_963] : memref<32x128xf32, #tpu.memory_space<vmem>> -> memref<1x128xf32, #tpu.memory_space<vmem>>
    %dma_wait3A_965 = tpu.memref_squeeze %dma_wait3A_964 : memref<1x128xf32, #tpu.memory_space<vmem>> -> memref<128xf32, #tpu.memory_space<vmem>>
    %dma_wait3A_966 = arith.constant 0 : i32
    %dma_wait3A_967 = tpu.memref_slice %arg6[%dma_wait3A_962, %dma_wait3A_966] : memref<32x128xi32, #tpu.memory_space<vmem>> -> memref<1x128xi32, #tpu.memory_space<vmem>>
    %dma_wait3A_968 = tpu.memref_squeeze %dma_wait3A_967 : memref<1x128xi32, #tpu.memory_space<vmem>> -> memref<128xi32, #tpu.memory_space<vmem>>
    %dma_wait3A_969 = arith.constant 0 : i32
    %dma_wait3A_970 = tpu.memref_slice %arg10[%dma_wait3A_969] : memref<384xf32, #tpu.memory_space<vmem_shared>> -> memref<384xf32, #tpu.memory_space<vmem_shared>>
    tpu.wait_indirect_dma semaphore(%arg13 : memref<!tpu.dma_semaphore, #tpu.memory_space<semaphore_mem>>) src(%dma_wait3A_965 : memref<128xf32, #tpu.memory_space<vmem>>) dst(%dma_wait3A_970 : memref<384xf32, #tpu.memory_space<vmem_shared>>)
    %dma_wait3A_971 = arith.constant 15 : i32
    %dma_wait3A_972 = arith.constant 0 : i32
    %dma_wait3A_973 = tpu.memref_slice %arg6[%dma_wait3A_971, %dma_wait3A_972] : memref<32x128xi32, #tpu.memory_space<vmem>> -> memref<1x128xi32, #tpu.memory_space<vmem>>
    %dma_wait3A_974 = tpu.memref_squeeze %dma_wait3A_973 : memref<1x128xi32, #tpu.memory_space<vmem>> -> memref<128xi32, #tpu.memory_space<vmem>>
    %dma_wait3A_975 = arith.constant 0 : i32
    %dma_wait3A_976 = tpu.memref_slice %arg11[%dma_wait3A_975] : memref<384xf32, #tpu.memory_space<vmem_shared>> -> memref<384xf32, #tpu.memory_space<vmem_shared>>
    tpu.wait_indirect_dma semaphore(%arg13 : memref<!tpu.dma_semaphore, #tpu.memory_space<semaphore_mem>>) src(%arg8 : memref<128xf32, #tpu.memory_space<vmem>>) dst(%dma_wait3A_976 : memref<384xf32, #tpu.memory_space<vmem_shared>>)
    %dma_wait3A_977 = arith.constant 16 : i32
    %dma_wait3A_978 = arith.constant 16 : i32
    %dma_wait3A_979 = arith.constant 0 : i32
    %dma_wait3A_980 = tpu.memref_slice %arg7[%dma_wait3A_977, %dma_wait3A_979] : memref<32x128xf32, #tpu.memory_space<vmem>> -> memref<1x128xf32, #tpu.memory_space<vmem>>
    %dma_wait3A_981 = tpu.memref_squeeze %dma_wait3A_980 : memref<1x128xf32, #tpu.memory_space<vmem>> -> memref<128xf32, #tpu.memory_space<vmem>>
    %dma_wait3A_982 = arith.constant 0 : i32
    %dma_wait3A_983 = tpu.memref_slice %arg6[%dma_wait3A_978, %dma_wait3A_982] : memref<32x128xi32, #tpu.memory_space<vmem>> -> memref<1x128xi32, #tpu.memory_space<vmem>>
    %dma_wait3A_984 = tpu.memref_squeeze %dma_wait3A_983 : memref<1x128xi32, #tpu.memory_space<vmem>> -> memref<128xi32, #tpu.memory_space<vmem>>
    %dma_wait3A_985 = arith.constant 0 : i32
    %dma_wait3A_986 = tpu.memref_slice %arg10[%dma_wait3A_985] : memref<384xf32, #tpu.memory_space<vmem_shared>> -> memref<384xf32, #tpu.memory_space<vmem_shared>>
    tpu.wait_indirect_dma semaphore(%arg13 : memref<!tpu.dma_semaphore, #tpu.memory_space<semaphore_mem>>) src(%dma_wait3A_981 : memref<128xf32, #tpu.memory_space<vmem>>) dst(%dma_wait3A_986 : memref<384xf32, #tpu.memory_space<vmem_shared>>)
    %dma_wait3A_987 = arith.constant 16 : i32
    %dma_wait3A_988 = arith.constant 0 : i32
    %dma_wait3A_989 = tpu.memref_slice %arg6[%dma_wait3A_987, %dma_wait3A_988] : memref<32x128xi32, #tpu.memory_space<vmem>> -> memref<1x128xi32, #tpu.memory_space<vmem>>
    %dma_wait3A_990 = tpu.memref_squeeze %dma_wait3A_989 : memref<1x128xi32, #tpu.memory_space<vmem>> -> memref<128xi32, #tpu.memory_space<vmem>>
    %dma_wait3A_991 = arith.constant 0 : i32
    %dma_wait3A_992 = tpu.memref_slice %arg11[%dma_wait3A_991] : memref<384xf32, #tpu.memory_space<vmem_shared>> -> memref<384xf32, #tpu.memory_space<vmem_shared>>
    tpu.wait_indirect_dma semaphore(%arg13 : memref<!tpu.dma_semaphore, #tpu.memory_space<semaphore_mem>>) src(%arg8 : memref<128xf32, #tpu.memory_space<vmem>>) dst(%dma_wait3A_992 : memref<384xf32, #tpu.memory_space<vmem_shared>>)
    %dma_wait3A_993 = arith.constant 17 : i32
    %dma_wait3A_994 = arith.constant 17 : i32
    %dma_wait3A_995 = arith.constant 0 : i32
    %dma_wait3A_996 = tpu.memref_slice %arg7[%dma_wait3A_993, %dma_wait3A_995] : memref<32x128xf32, #tpu.memory_space<vmem>> -> memref<1x128xf32, #tpu.memory_space<vmem>>
    %dma_wait3A_997 = tpu.memref_squeeze %dma_wait3A_996 : memref<1x128xf32, #tpu.memory_space<vmem>> -> memref<128xf32, #tpu.memory_space<vmem>>
    %dma_wait3A_998 = arith.constant 0 : i32
    %dma_wait3A_999 = tpu.memref_slice %arg6[%dma_wait3A_994, %dma_wait3A_998] : memref<32x128xi32, #tpu.memory_space<vmem>> -> memref<1x128xi32, #tpu.memory_space<vmem>>
    %dma_wait3A_1000 = tpu.memref_squeeze %dma_wait3A_999 : memref<1x128xi32, #tpu.memory_space<vmem>> -> memref<128xi32, #tpu.memory_space<vmem>>
    %dma_wait3A_1001 = arith.constant 0 : i32
    %dma_wait3A_1002 = tpu.memref_slice %arg10[%dma_wait3A_1001] : memref<384xf32, #tpu.memory_space<vmem_shared>> -> memref<384xf32, #tpu.memory_space<vmem_shared>>
    tpu.wait_indirect_dma semaphore(%arg13 : memref<!tpu.dma_semaphore, #tpu.memory_space<semaphore_mem>>) src(%dma_wait3A_997 : memref<128xf32, #tpu.memory_space<vmem>>) dst(%dma_wait3A_1002 : memref<384xf32, #tpu.memory_space<vmem_shared>>)
    %dma_wait3A_1003 = arith.constant 17 : i32
    %dma_wait3A_1004 = arith.constant 0 : i32
    %dma_wait3A_1005 = tpu.memref_slice %arg6[%dma_wait3A_1003, %dma_wait3A_1004] : memref<32x128xi32, #tpu.memory_space<vmem>> -> memref<1x128xi32, #tpu.memory_space<vmem>>
    %dma_wait3A_1006 = tpu.memref_squeeze %dma_wait3A_1005 : memref<1x128xi32, #tpu.memory_space<vmem>> -> memref<128xi32, #tpu.memory_space<vmem>>
    %dma_wait3A_1007 = arith.constant 0 : i32
    %dma_wait3A_1008 = tpu.memref_slice %arg11[%dma_wait3A_1007] : memref<384xf32, #tpu.memory_space<vmem_shared>> -> memref<384xf32, #tpu.memory_space<vmem_shared>>
    tpu.wait_indirect_dma semaphore(%arg13 : memref<!tpu.dma_semaphore, #tpu.memory_space<semaphore_mem>>) src(%arg8 : memref<128xf32, #tpu.memory_space<vmem>>) dst(%dma_wait3A_1008 : memref<384xf32, #tpu.memory_space<vmem_shared>>)
    %dma_wait3A_1009 = arith.constant 18 : i32
    %dma_wait3A_1010 = arith.constant 18 : i32
    %dma_wait3A_1011 = arith.constant 0 : i32
    %dma_wait3A_1012 = tpu.memref_slice %arg7[%dma_wait3A_1009, %dma_wait3A_1011] : memref<32x128xf32, #tpu.memory_space<vmem>> -> memref<1x128xf32, #tpu.memory_space<vmem>>
    %dma_wait3A_1013 = tpu.memref_squeeze %dma_wait3A_1012 : memref<1x128xf32, #tpu.memory_space<vmem>> -> memref<128xf32, #tpu.memory_space<vmem>>
    %dma_wait3A_1014 = arith.constant 0 : i32
    %dma_wait3A_1015 = tpu.memref_slice %arg6[%dma_wait3A_1010, %dma_wait3A_1014] : memref<32x128xi32, #tpu.memory_space<vmem>> -> memref<1x128xi32, #tpu.memory_space<vmem>>
    %dma_wait3A_1016 = tpu.memref_squeeze %dma_wait3A_1015 : memref<1x128xi32, #tpu.memory_space<vmem>> -> memref<128xi32, #tpu.memory_space<vmem>>
    %dma_wait3A_1017 = arith.constant 0 : i32
    %dma_wait3A_1018 = tpu.memref_slice %arg10[%dma_wait3A_1017] : memref<384xf32, #tpu.memory_space<vmem_shared>> -> memref<384xf32, #tpu.memory_space<vmem_shared>>
    tpu.wait_indirect_dma semaphore(%arg13 : memref<!tpu.dma_semaphore, #tpu.memory_space<semaphore_mem>>) src(%dma_wait3A_1013 : memref<128xf32, #tpu.memory_space<vmem>>) dst(%dma_wait3A_1018 : memref<384xf32, #tpu.memory_space<vmem_shared>>)
    %dma_wait3A_1019 = arith.constant 18 : i32
    %dma_wait3A_1020 = arith.constant 0 : i32
    %dma_wait3A_1021 = tpu.memref_slice %arg6[%dma_wait3A_1019, %dma_wait3A_1020] : memref<32x128xi32, #tpu.memory_space<vmem>> -> memref<1x128xi32, #tpu.memory_space<vmem>>
    %dma_wait3A_1022 = tpu.memref_squeeze %dma_wait3A_1021 : memref<1x128xi32, #tpu.memory_space<vmem>> -> memref<128xi32, #tpu.memory_space<vmem>>
    %dma_wait3A_1023 = arith.constant 0 : i32
    %dma_wait3A_1024 = tpu.memref_slice %arg11[%dma_wait3A_1023] : memref<384xf32, #tpu.memory_space<vmem_shared>> -> memref<384xf32, #tpu.memory_space<vmem_shared>>
    tpu.wait_indirect_dma semaphore(%arg13 : memref<!tpu.dma_semaphore, #tpu.memory_space<semaphore_mem>>) src(%arg8 : memref<128xf32, #tpu.memory_space<vmem>>) dst(%dma_wait3A_1024 : memref<384xf32, #tpu.memory_space<vmem_shared>>)
    %dma_wait3A_1025 = arith.constant 19 : i32
    %dma_wait3A_1026 = arith.constant 19 : i32
    %dma_wait3A_1027 = arith.constant 0 : i32
    %dma_wait3A_1028 = tpu.memref_slice %arg7[%dma_wait3A_1025, %dma_wait3A_1027] : memref<32x128xf32, #tpu.memory_space<vmem>> -> memref<1x128xf32, #tpu.memory_space<vmem>>
    %dma_wait3A_1029 = tpu.memref_squeeze %dma_wait3A_1028 : memref<1x128xf32, #tpu.memory_space<vmem>> -> memref<128xf32, #tpu.memory_space<vmem>>
    %dma_wait3A_1030 = arith.constant 0 : i32
    %dma_wait3A_1031 = tpu.memref_slice %arg6[%dma_wait3A_1026, %dma_wait3A_1030] : memref<32x128xi32, #tpu.memory_space<vmem>> -> memref<1x128xi32, #tpu.memory_space<vmem>>
    %dma_wait3A_1032 = tpu.memref_squeeze %dma_wait3A_1031 : memref<1x128xi32, #tpu.memory_space<vmem>> -> memref<128xi32, #tpu.memory_space<vmem>>
    %dma_wait3A_1033 = arith.constant 0 : i32
    %dma_wait3A_1034 = tpu.memref_slice %arg10[%dma_wait3A_1033] : memref<384xf32, #tpu.memory_space<vmem_shared>> -> memref<384xf32, #tpu.memory_space<vmem_shared>>
    tpu.wait_indirect_dma semaphore(%arg13 : memref<!tpu.dma_semaphore, #tpu.memory_space<semaphore_mem>>) src(%dma_wait3A_1029 : memref<128xf32, #tpu.memory_space<vmem>>) dst(%dma_wait3A_1034 : memref<384xf32, #tpu.memory_space<vmem_shared>>)
    %dma_wait3A_1035 = arith.constant 19 : i32
    %dma_wait3A_1036 = arith.constant 0 : i32
    %dma_wait3A_1037 = tpu.memref_slice %arg6[%dma_wait3A_1035, %dma_wait3A_1036] : memref<32x128xi32, #tpu.memory_space<vmem>> -> memref<1x128xi32, #tpu.memory_space<vmem>>
    %dma_wait3A_1038 = tpu.memref_squeeze %dma_wait3A_1037 : memref<1x128xi32, #tpu.memory_space<vmem>> -> memref<128xi32, #tpu.memory_space<vmem>>
    %dma_wait3A_1039 = arith.constant 0 : i32
    %dma_wait3A_1040 = tpu.memref_slice %arg11[%dma_wait3A_1039] : memref<384xf32, #tpu.memory_space<vmem_shared>> -> memref<384xf32, #tpu.memory_space<vmem_shared>>
    tpu.wait_indirect_dma semaphore(%arg13 : memref<!tpu.dma_semaphore, #tpu.memory_space<semaphore_mem>>) src(%arg8 : memref<128xf32, #tpu.memory_space<vmem>>) dst(%dma_wait3A_1040 : memref<384xf32, #tpu.memory_space<vmem_shared>>)
    %dma_wait3A_1041 = arith.constant 20 : i32
    %dma_wait3A_1042 = arith.constant 20 : i32
    %dma_wait3A_1043 = arith.constant 0 : i32
    %dma_wait3A_1044 = tpu.memref_slice %arg7[%dma_wait3A_1041, %dma_wait3A_1043] : memref<32x128xf32, #tpu.memory_space<vmem>> -> memref<1x128xf32, #tpu.memory_space<vmem>>
    %dma_wait3A_1045 = tpu.memref_squeeze %dma_wait3A_1044 : memref<1x128xf32, #tpu.memory_space<vmem>> -> memref<128xf32, #tpu.memory_space<vmem>>
    %dma_wait3A_1046 = arith.constant 0 : i32
    %dma_wait3A_1047 = tpu.memref_slice %arg6[%dma_wait3A_1042, %dma_wait3A_1046] : memref<32x128xi32, #tpu.memory_space<vmem>> -> memref<1x128xi32, #tpu.memory_space<vmem>>
    %dma_wait3A_1048 = tpu.memref_squeeze %dma_wait3A_1047 : memref<1x128xi32, #tpu.memory_space<vmem>> -> memref<128xi32, #tpu.memory_space<vmem>>
    %dma_wait3A_1049 = arith.constant 0 : i32
    %dma_wait3A_1050 = tpu.memref_slice %arg10[%dma_wait3A_1049] : memref<384xf32, #tpu.memory_space<vmem_shared>> -> memref<384xf32, #tpu.memory_space<vmem_shared>>
    tpu.wait_indirect_dma semaphore(%arg13 : memref<!tpu.dma_semaphore, #tpu.memory_space<semaphore_mem>>) src(%dma_wait3A_1045 : memref<128xf32, #tpu.memory_space<vmem>>) dst(%dma_wait3A_1050 : memref<384xf32, #tpu.memory_space<vmem_shared>>)
    %dma_wait3A_1051 = arith.constant 20 : i32
    %dma_wait3A_1052 = arith.constant 0 : i32
    %dma_wait3A_1053 = tpu.memref_slice %arg6[%dma_wait3A_1051, %dma_wait3A_1052] : memref<32x128xi32, #tpu.memory_space<vmem>> -> memref<1x128xi32, #tpu.memory_space<vmem>>
    %dma_wait3A_1054 = tpu.memref_squeeze %dma_wait3A_1053 : memref<1x128xi32, #tpu.memory_space<vmem>> -> memref<128xi32, #tpu.memory_space<vmem>>
    %dma_wait3A_1055 = arith.constant 0 : i32
    %dma_wait3A_1056 = tpu.memref_slice %arg11[%dma_wait3A_1055] : memref<384xf32, #tpu.memory_space<vmem_shared>> -> memref<384xf32, #tpu.memory_space<vmem_shared>>
    tpu.wait_indirect_dma semaphore(%arg13 : memref<!tpu.dma_semaphore, #tpu.memory_space<semaphore_mem>>) src(%arg8 : memref<128xf32, #tpu.memory_space<vmem>>) dst(%dma_wait3A_1056 : memref<384xf32, #tpu.memory_space<vmem_shared>>)
    %dma_wait3A_1057 = arith.constant 21 : i32
    %dma_wait3A_1058 = arith.constant 21 : i32
    %dma_wait3A_1059 = arith.constant 0 : i32
    %dma_wait3A_1060 = tpu.memref_slice %arg7[%dma_wait3A_1057, %dma_wait3A_1059] : memref<32x128xf32, #tpu.memory_space<vmem>> -> memref<1x128xf32, #tpu.memory_space<vmem>>
    %dma_wait3A_1061 = tpu.memref_squeeze %dma_wait3A_1060 : memref<1x128xf32, #tpu.memory_space<vmem>> -> memref<128xf32, #tpu.memory_space<vmem>>
    %dma_wait3A_1062 = arith.constant 0 : i32
    %dma_wait3A_1063 = tpu.memref_slice %arg6[%dma_wait3A_1058, %dma_wait3A_1062] : memref<32x128xi32, #tpu.memory_space<vmem>> -> memref<1x128xi32, #tpu.memory_space<vmem>>
    %dma_wait3A_1064 = tpu.memref_squeeze %dma_wait3A_1063 : memref<1x128xi32, #tpu.memory_space<vmem>> -> memref<128xi32, #tpu.memory_space<vmem>>
    %dma_wait3A_1065 = arith.constant 0 : i32
    %dma_wait3A_1066 = tpu.memref_slice %arg10[%dma_wait3A_1065] : memref<384xf32, #tpu.memory_space<vmem_shared>> -> memref<384xf32, #tpu.memory_space<vmem_shared>>
    tpu.wait_indirect_dma semaphore(%arg13 : memref<!tpu.dma_semaphore, #tpu.memory_space<semaphore_mem>>) src(%dma_wait3A_1061 : memref<128xf32, #tpu.memory_space<vmem>>) dst(%dma_wait3A_1066 : memref<384xf32, #tpu.memory_space<vmem_shared>>)
    %dma_wait3A_1067 = arith.constant 21 : i32
    %dma_wait3A_1068 = arith.constant 0 : i32
    %dma_wait3A_1069 = tpu.memref_slice %arg6[%dma_wait3A_1067, %dma_wait3A_1068] : memref<32x128xi32, #tpu.memory_space<vmem>> -> memref<1x128xi32, #tpu.memory_space<vmem>>
    %dma_wait3A_1070 = tpu.memref_squeeze %dma_wait3A_1069 : memref<1x128xi32, #tpu.memory_space<vmem>> -> memref<128xi32, #tpu.memory_space<vmem>>
    %dma_wait3A_1071 = arith.constant 0 : i32
    %dma_wait3A_1072 = tpu.memref_slice %arg11[%dma_wait3A_1071] : memref<384xf32, #tpu.memory_space<vmem_shared>> -> memref<384xf32, #tpu.memory_space<vmem_shared>>
    tpu.wait_indirect_dma semaphore(%arg13 : memref<!tpu.dma_semaphore, #tpu.memory_space<semaphore_mem>>) src(%arg8 : memref<128xf32, #tpu.memory_space<vmem>>) dst(%dma_wait3A_1072 : memref<384xf32, #tpu.memory_space<vmem_shared>>)
    %dma_wait3A_1073 = arith.constant 22 : i32
    %dma_wait3A_1074 = arith.constant 22 : i32
    %dma_wait3A_1075 = arith.constant 0 : i32
    %dma_wait3A_1076 = tpu.memref_slice %arg7[%dma_wait3A_1073, %dma_wait3A_1075] : memref<32x128xf32, #tpu.memory_space<vmem>> -> memref<1x128xf32, #tpu.memory_space<vmem>>
    %dma_wait3A_1077 = tpu.memref_squeeze %dma_wait3A_1076 : memref<1x128xf32, #tpu.memory_space<vmem>> -> memref<128xf32, #tpu.memory_space<vmem>>
    %dma_wait3A_1078 = arith.constant 0 : i32
    %dma_wait3A_1079 = tpu.memref_slice %arg6[%dma_wait3A_1074, %dma_wait3A_1078] : memref<32x128xi32, #tpu.memory_space<vmem>> -> memref<1x128xi32, #tpu.memory_space<vmem>>
    %dma_wait3A_1080 = tpu.memref_squeeze %dma_wait3A_1079 : memref<1x128xi32, #tpu.memory_space<vmem>> -> memref<128xi32, #tpu.memory_space<vmem>>
    %dma_wait3A_1081 = arith.constant 0 : i32
    %dma_wait3A_1082 = tpu.memref_slice %arg10[%dma_wait3A_1081] : memref<384xf32, #tpu.memory_space<vmem_shared>> -> memref<384xf32, #tpu.memory_space<vmem_shared>>
    tpu.wait_indirect_dma semaphore(%arg13 : memref<!tpu.dma_semaphore, #tpu.memory_space<semaphore_mem>>) src(%dma_wait3A_1077 : memref<128xf32, #tpu.memory_space<vmem>>) dst(%dma_wait3A_1082 : memref<384xf32, #tpu.memory_space<vmem_shared>>)
    %dma_wait3A_1083 = arith.constant 22 : i32
    %dma_wait3A_1084 = arith.constant 0 : i32
    %dma_wait3A_1085 = tpu.memref_slice %arg6[%dma_wait3A_1083, %dma_wait3A_1084] : memref<32x128xi32, #tpu.memory_space<vmem>> -> memref<1x128xi32, #tpu.memory_space<vmem>>
    %dma_wait3A_1086 = tpu.memref_squeeze %dma_wait3A_1085 : memref<1x128xi32, #tpu.memory_space<vmem>> -> memref<128xi32, #tpu.memory_space<vmem>>
    %dma_wait3A_1087 = arith.constant 0 : i32
    %dma_wait3A_1088 = tpu.memref_slice %arg11[%dma_wait3A_1087] : memref<384xf32, #tpu.memory_space<vmem_shared>> -> memref<384xf32, #tpu.memory_space<vmem_shared>>
    tpu.wait_indirect_dma semaphore(%arg13 : memref<!tpu.dma_semaphore, #tpu.memory_space<semaphore_mem>>) src(%arg8 : memref<128xf32, #tpu.memory_space<vmem>>) dst(%dma_wait3A_1088 : memref<384xf32, #tpu.memory_space<vmem_shared>>)
    %dma_wait3A_1089 = arith.constant 23 : i32
    %dma_wait3A_1090 = arith.constant 23 : i32
    %dma_wait3A_1091 = arith.constant 0 : i32
    %dma_wait3A_1092 = tpu.memref_slice %arg7[%dma_wait3A_1089, %dma_wait3A_1091] : memref<32x128xf32, #tpu.memory_space<vmem>> -> memref<1x128xf32, #tpu.memory_space<vmem>>
    %dma_wait3A_1093 = tpu.memref_squeeze %dma_wait3A_1092 : memref<1x128xf32, #tpu.memory_space<vmem>> -> memref<128xf32, #tpu.memory_space<vmem>>
    %dma_wait3A_1094 = arith.constant 0 : i32
    %dma_wait3A_1095 = tpu.memref_slice %arg6[%dma_wait3A_1090, %dma_wait3A_1094] : memref<32x128xi32, #tpu.memory_space<vmem>> -> memref<1x128xi32, #tpu.memory_space<vmem>>
    %dma_wait3A_1096 = tpu.memref_squeeze %dma_wait3A_1095 : memref<1x128xi32, #tpu.memory_space<vmem>> -> memref<128xi32, #tpu.memory_space<vmem>>
    %dma_wait3A_1097 = arith.constant 0 : i32
    %dma_wait3A_1098 = tpu.memref_slice %arg10[%dma_wait3A_1097] : memref<384xf32, #tpu.memory_space<vmem_shared>> -> memref<384xf32, #tpu.memory_space<vmem_shared>>
    tpu.wait_indirect_dma semaphore(%arg13 : memref<!tpu.dma_semaphore, #tpu.memory_space<semaphore_mem>>) src(%dma_wait3A_1093 : memref<128xf32, #tpu.memory_space<vmem>>) dst(%dma_wait3A_1098 : memref<384xf32, #tpu.memory_space<vmem_shared>>)
    %dma_wait3A_1099 = arith.constant 23 : i32
    %dma_wait3A_1100 = arith.constant 0 : i32
    %dma_wait3A_1101 = tpu.memref_slice %arg6[%dma_wait3A_1099, %dma_wait3A_1100] : memref<32x128xi32, #tpu.memory_space<vmem>> -> memref<1x128xi32, #tpu.memory_space<vmem>>
    %dma_wait3A_1102 = tpu.memref_squeeze %dma_wait3A_1101 : memref<1x128xi32, #tpu.memory_space<vmem>> -> memref<128xi32, #tpu.memory_space<vmem>>
    %dma_wait3A_1103 = arith.constant 0 : i32
    %dma_wait3A_1104 = tpu.memref_slice %arg11[%dma_wait3A_1103] : memref<384xf32, #tpu.memory_space<vmem_shared>> -> memref<384xf32, #tpu.memory_space<vmem_shared>>
    tpu.wait_indirect_dma semaphore(%arg13 : memref<!tpu.dma_semaphore, #tpu.memory_space<semaphore_mem>>) src(%arg8 : memref<128xf32, #tpu.memory_space<vmem>>) dst(%dma_wait3A_1104 : memref<384xf32, #tpu.memory_space<vmem_shared>>)
    %dma_wait3A_1105 = arith.constant 24 : i32
    %dma_wait3A_1106 = arith.constant 24 : i32
    %dma_wait3A_1107 = arith.constant 0 : i32
    %dma_wait3A_1108 = tpu.memref_slice %arg7[%dma_wait3A_1105, %dma_wait3A_1107] : memref<32x128xf32, #tpu.memory_space<vmem>> -> memref<1x128xf32, #tpu.memory_space<vmem>>
    %dma_wait3A_1109 = tpu.memref_squeeze %dma_wait3A_1108 : memref<1x128xf32, #tpu.memory_space<vmem>> -> memref<128xf32, #tpu.memory_space<vmem>>
    %dma_wait3A_1110 = arith.constant 0 : i32
    %dma_wait3A_1111 = tpu.memref_slice %arg6[%dma_wait3A_1106, %dma_wait3A_1110] : memref<32x128xi32, #tpu.memory_space<vmem>> -> memref<1x128xi32, #tpu.memory_space<vmem>>
    %dma_wait3A_1112 = tpu.memref_squeeze %dma_wait3A_1111 : memref<1x128xi32, #tpu.memory_space<vmem>> -> memref<128xi32, #tpu.memory_space<vmem>>
    %dma_wait3A_1113 = arith.constant 0 : i32
    %dma_wait3A_1114 = tpu.memref_slice %arg10[%dma_wait3A_1113] : memref<384xf32, #tpu.memory_space<vmem_shared>> -> memref<384xf32, #tpu.memory_space<vmem_shared>>
    tpu.wait_indirect_dma semaphore(%arg13 : memref<!tpu.dma_semaphore, #tpu.memory_space<semaphore_mem>>) src(%dma_wait3A_1109 : memref<128xf32, #tpu.memory_space<vmem>>) dst(%dma_wait3A_1114 : memref<384xf32, #tpu.memory_space<vmem_shared>>)
    %dma_wait3A_1115 = arith.constant 24 : i32
    %dma_wait3A_1116 = arith.constant 0 : i32
    %dma_wait3A_1117 = tpu.memref_slice %arg6[%dma_wait3A_1115, %dma_wait3A_1116] : memref<32x128xi32, #tpu.memory_space<vmem>> -> memref<1x128xi32, #tpu.memory_space<vmem>>
    %dma_wait3A_1118 = tpu.memref_squeeze %dma_wait3A_1117 : memref<1x128xi32, #tpu.memory_space<vmem>> -> memref<128xi32, #tpu.memory_space<vmem>>
    %dma_wait3A_1119 = arith.constant 0 : i32
    %dma_wait3A_1120 = tpu.memref_slice %arg11[%dma_wait3A_1119] : memref<384xf32, #tpu.memory_space<vmem_shared>> -> memref<384xf32, #tpu.memory_space<vmem_shared>>
    tpu.wait_indirect_dma semaphore(%arg13 : memref<!tpu.dma_semaphore, #tpu.memory_space<semaphore_mem>>) src(%arg8 : memref<128xf32, #tpu.memory_space<vmem>>) dst(%dma_wait3A_1120 : memref<384xf32, #tpu.memory_space<vmem_shared>>)
    %dma_wait3A_1121 = arith.constant 25 : i32
    %dma_wait3A_1122 = arith.constant 25 : i32
    %dma_wait3A_1123 = arith.constant 0 : i32
    %dma_wait3A_1124 = tpu.memref_slice %arg7[%dma_wait3A_1121, %dma_wait3A_1123] : memref<32x128xf32, #tpu.memory_space<vmem>> -> memref<1x128xf32, #tpu.memory_space<vmem>>
    %dma_wait3A_1125 = tpu.memref_squeeze %dma_wait3A_1124 : memref<1x128xf32, #tpu.memory_space<vmem>> -> memref<128xf32, #tpu.memory_space<vmem>>
    %dma_wait3A_1126 = arith.constant 0 : i32
    %dma_wait3A_1127 = tpu.memref_slice %arg6[%dma_wait3A_1122, %dma_wait3A_1126] : memref<32x128xi32, #tpu.memory_space<vmem>> -> memref<1x128xi32, #tpu.memory_space<vmem>>
    %dma_wait3A_1128 = tpu.memref_squeeze %dma_wait3A_1127 : memref<1x128xi32, #tpu.memory_space<vmem>> -> memref<128xi32, #tpu.memory_space<vmem>>
    %dma_wait3A_1129 = arith.constant 0 : i32
    %dma_wait3A_1130 = tpu.memref_slice %arg10[%dma_wait3A_1129] : memref<384xf32, #tpu.memory_space<vmem_shared>> -> memref<384xf32, #tpu.memory_space<vmem_shared>>
    tpu.wait_indirect_dma semaphore(%arg13 : memref<!tpu.dma_semaphore, #tpu.memory_space<semaphore_mem>>) src(%dma_wait3A_1125 : memref<128xf32, #tpu.memory_space<vmem>>) dst(%dma_wait3A_1130 : memref<384xf32, #tpu.memory_space<vmem_shared>>)
    %dma_wait3A_1131 = arith.constant 25 : i32
    %dma_wait3A_1132 = arith.constant 0 : i32
    %dma_wait3A_1133 = tpu.memref_slice %arg6[%dma_wait3A_1131, %dma_wait3A_1132] : memref<32x128xi32, #tpu.memory_space<vmem>> -> memref<1x128xi32, #tpu.memory_space<vmem>>
    %dma_wait3A_1134 = tpu.memref_squeeze %dma_wait3A_1133 : memref<1x128xi32, #tpu.memory_space<vmem>> -> memref<128xi32, #tpu.memory_space<vmem>>
    %dma_wait3A_1135 = arith.constant 0 : i32
    %dma_wait3A_1136 = tpu.memref_slice %arg11[%dma_wait3A_1135] : memref<384xf32, #tpu.memory_space<vmem_shared>> -> memref<384xf32, #tpu.memory_space<vmem_shared>>
    tpu.wait_indirect_dma semaphore(%arg13 : memref<!tpu.dma_semaphore, #tpu.memory_space<semaphore_mem>>) src(%arg8 : memref<128xf32, #tpu.memory_space<vmem>>) dst(%dma_wait3A_1136 : memref<384xf32, #tpu.memory_space<vmem_shared>>)
    %dma_wait3A_1137 = arith.constant 26 : i32
    %dma_wait3A_1138 = arith.constant 26 : i32
    %dma_wait3A_1139 = arith.constant 0 : i32
    %dma_wait3A_1140 = tpu.memref_slice %arg7[%dma_wait3A_1137, %dma_wait3A_1139] : memref<32x128xf32, #tpu.memory_space<vmem>> -> memref<1x128xf32, #tpu.memory_space<vmem>>
    %dma_wait3A_1141 = tpu.memref_squeeze %dma_wait3A_1140 : memref<1x128xf32, #tpu.memory_space<vmem>> -> memref<128xf32, #tpu.memory_space<vmem>>
    %dma_wait3A_1142 = arith.constant 0 : i32
    %dma_wait3A_1143 = tpu.memref_slice %arg6[%dma_wait3A_1138, %dma_wait3A_1142] : memref<32x128xi32, #tpu.memory_space<vmem>> -> memref<1x128xi32, #tpu.memory_space<vmem>>
    %dma_wait3A_1144 = tpu.memref_squeeze %dma_wait3A_1143 : memref<1x128xi32, #tpu.memory_space<vmem>> -> memref<128xi32, #tpu.memory_space<vmem>>
    %dma_wait3A_1145 = arith.constant 0 : i32
    %dma_wait3A_1146 = tpu.memref_slice %arg10[%dma_wait3A_1145] : memref<384xf32, #tpu.memory_space<vmem_shared>> -> memref<384xf32, #tpu.memory_space<vmem_shared>>
    tpu.wait_indirect_dma semaphore(%arg13 : memref<!tpu.dma_semaphore, #tpu.memory_space<semaphore_mem>>) src(%dma_wait3A_1141 : memref<128xf32, #tpu.memory_space<vmem>>) dst(%dma_wait3A_1146 : memref<384xf32, #tpu.memory_space<vmem_shared>>)
    %dma_wait3A_1147 = arith.constant 26 : i32
    %dma_wait3A_1148 = arith.constant 0 : i32
    %dma_wait3A_1149 = tpu.memref_slice %arg6[%dma_wait3A_1147, %dma_wait3A_1148] : memref<32x128xi32, #tpu.memory_space<vmem>> -> memref<1x128xi32, #tpu.memory_space<vmem>>
    %dma_wait3A_1150 = tpu.memref_squeeze %dma_wait3A_1149 : memref<1x128xi32, #tpu.memory_space<vmem>> -> memref<128xi32, #tpu.memory_space<vmem>>
    %dma_wait3A_1151 = arith.constant 0 : i32
    %dma_wait3A_1152 = tpu.memref_slice %arg11[%dma_wait3A_1151] : memref<384xf32, #tpu.memory_space<vmem_shared>> -> memref<384xf32, #tpu.memory_space<vmem_shared>>
    tpu.wait_indirect_dma semaphore(%arg13 : memref<!tpu.dma_semaphore, #tpu.memory_space<semaphore_mem>>) src(%arg8 : memref<128xf32, #tpu.memory_space<vmem>>) dst(%dma_wait3A_1152 : memref<384xf32, #tpu.memory_space<vmem_shared>>)
    %dma_wait3A_1153 = arith.constant 27 : i32
    %dma_wait3A_1154 = arith.constant 27 : i32
    %dma_wait3A_1155 = arith.constant 0 : i32
    %dma_wait3A_1156 = tpu.memref_slice %arg7[%dma_wait3A_1153, %dma_wait3A_1155] : memref<32x128xf32, #tpu.memory_space<vmem>> -> memref<1x128xf32, #tpu.memory_space<vmem>>
    %dma_wait3A_1157 = tpu.memref_squeeze %dma_wait3A_1156 : memref<1x128xf32, #tpu.memory_space<vmem>> -> memref<128xf32, #tpu.memory_space<vmem>>
    %dma_wait3A_1158 = arith.constant 0 : i32
    %dma_wait3A_1159 = tpu.memref_slice %arg6[%dma_wait3A_1154, %dma_wait3A_1158] : memref<32x128xi32, #tpu.memory_space<vmem>> -> memref<1x128xi32, #tpu.memory_space<vmem>>
    %dma_wait3A_1160 = tpu.memref_squeeze %dma_wait3A_1159 : memref<1x128xi32, #tpu.memory_space<vmem>> -> memref<128xi32, #tpu.memory_space<vmem>>
    %dma_wait3A_1161 = arith.constant 0 : i32
    %dma_wait3A_1162 = tpu.memref_slice %arg10[%dma_wait3A_1161] : memref<384xf32, #tpu.memory_space<vmem_shared>> -> memref<384xf32, #tpu.memory_space<vmem_shared>>
    tpu.wait_indirect_dma semaphore(%arg13 : memref<!tpu.dma_semaphore, #tpu.memory_space<semaphore_mem>>) src(%dma_wait3A_1157 : memref<128xf32, #tpu.memory_space<vmem>>) dst(%dma_wait3A_1162 : memref<384xf32, #tpu.memory_space<vmem_shared>>)
    %dma_wait3A_1163 = arith.constant 27 : i32
    %dma_wait3A_1164 = arith.constant 0 : i32
    %dma_wait3A_1165 = tpu.memref_slice %arg6[%dma_wait3A_1163, %dma_wait3A_1164] : memref<32x128xi32, #tpu.memory_space<vmem>> -> memref<1x128xi32, #tpu.memory_space<vmem>>
    %dma_wait3A_1166 = tpu.memref_squeeze %dma_wait3A_1165 : memref<1x128xi32, #tpu.memory_space<vmem>> -> memref<128xi32, #tpu.memory_space<vmem>>
    %dma_wait3A_1167 = arith.constant 0 : i32
    %dma_wait3A_1168 = tpu.memref_slice %arg11[%dma_wait3A_1167] : memref<384xf32, #tpu.memory_space<vmem_shared>> -> memref<384xf32, #tpu.memory_space<vmem_shared>>
    tpu.wait_indirect_dma semaphore(%arg13 : memref<!tpu.dma_semaphore, #tpu.memory_space<semaphore_mem>>) src(%arg8 : memref<128xf32, #tpu.memory_space<vmem>>) dst(%dma_wait3A_1168 : memref<384xf32, #tpu.memory_space<vmem_shared>>)
    %dma_wait3A_1169 = arith.constant 28 : i32
    %dma_wait3A_1170 = arith.constant 28 : i32
    %dma_wait3A_1171 = arith.constant 0 : i32
    %dma_wait3A_1172 = tpu.memref_slice %arg7[%dma_wait3A_1169, %dma_wait3A_1171] : memref<32x128xf32, #tpu.memory_space<vmem>> -> memref<1x128xf32, #tpu.memory_space<vmem>>
    %dma_wait3A_1173 = tpu.memref_squeeze %dma_wait3A_1172 : memref<1x128xf32, #tpu.memory_space<vmem>> -> memref<128xf32, #tpu.memory_space<vmem>>
    %dma_wait3A_1174 = arith.constant 0 : i32
    %dma_wait3A_1175 = tpu.memref_slice %arg6[%dma_wait3A_1170, %dma_wait3A_1174] : memref<32x128xi32, #tpu.memory_space<vmem>> -> memref<1x128xi32, #tpu.memory_space<vmem>>
    %dma_wait3A_1176 = tpu.memref_squeeze %dma_wait3A_1175 : memref<1x128xi32, #tpu.memory_space<vmem>> -> memref<128xi32, #tpu.memory_space<vmem>>
    %dma_wait3A_1177 = arith.constant 0 : i32
    %dma_wait3A_1178 = tpu.memref_slice %arg10[%dma_wait3A_1177] : memref<384xf32, #tpu.memory_space<vmem_shared>> -> memref<384xf32, #tpu.memory_space<vmem_shared>>
    tpu.wait_indirect_dma semaphore(%arg13 : memref<!tpu.dma_semaphore, #tpu.memory_space<semaphore_mem>>) src(%dma_wait3A_1173 : memref<128xf32, #tpu.memory_space<vmem>>) dst(%dma_wait3A_1178 : memref<384xf32, #tpu.memory_space<vmem_shared>>)
    %dma_wait3A_1179 = arith.constant 28 : i32
    %dma_wait3A_1180 = arith.constant 0 : i32
    %dma_wait3A_1181 = tpu.memref_slice %arg6[%dma_wait3A_1179, %dma_wait3A_1180] : memref<32x128xi32, #tpu.memory_space<vmem>> -> memref<1x128xi32, #tpu.memory_space<vmem>>
    %dma_wait3A_1182 = tpu.memref_squeeze %dma_wait3A_1181 : memref<1x128xi32, #tpu.memory_space<vmem>> -> memref<128xi32, #tpu.memory_space<vmem>>
    %dma_wait3A_1183 = arith.constant 0 : i32
    %dma_wait3A_1184 = tpu.memref_slice %arg11[%dma_wait3A_1183] : memref<384xf32, #tpu.memory_space<vmem_shared>> -> memref<384xf32, #tpu.memory_space<vmem_shared>>
    tpu.wait_indirect_dma semaphore(%arg13 : memref<!tpu.dma_semaphore, #tpu.memory_space<semaphore_mem>>) src(%arg8 : memref<128xf32, #tpu.memory_space<vmem>>) dst(%dma_wait3A_1184 : memref<384xf32, #tpu.memory_space<vmem_shared>>)
    %dma_wait3A_1185 = arith.constant 29 : i32
    %dma_wait3A_1186 = arith.constant 29 : i32
    %dma_wait3A_1187 = arith.constant 0 : i32
    %dma_wait3A_1188 = tpu.memref_slice %arg7[%dma_wait3A_1185, %dma_wait3A_1187] : memref<32x128xf32, #tpu.memory_space<vmem>> -> memref<1x128xf32, #tpu.memory_space<vmem>>
    %dma_wait3A_1189 = tpu.memref_squeeze %dma_wait3A_1188 : memref<1x128xf32, #tpu.memory_space<vmem>> -> memref<128xf32, #tpu.memory_space<vmem>>
    %dma_wait3A_1190 = arith.constant 0 : i32
    %dma_wait3A_1191 = tpu.memref_slice %arg6[%dma_wait3A_1186, %dma_wait3A_1190] : memref<32x128xi32, #tpu.memory_space<vmem>> -> memref<1x128xi32, #tpu.memory_space<vmem>>
    %dma_wait3A_1192 = tpu.memref_squeeze %dma_wait3A_1191 : memref<1x128xi32, #tpu.memory_space<vmem>> -> memref<128xi32, #tpu.memory_space<vmem>>
    %dma_wait3A_1193 = arith.constant 0 : i32
    %dma_wait3A_1194 = tpu.memref_slice %arg10[%dma_wait3A_1193] : memref<384xf32, #tpu.memory_space<vmem_shared>> -> memref<384xf32, #tpu.memory_space<vmem_shared>>
    tpu.wait_indirect_dma semaphore(%arg13 : memref<!tpu.dma_semaphore, #tpu.memory_space<semaphore_mem>>) src(%dma_wait3A_1189 : memref<128xf32, #tpu.memory_space<vmem>>) dst(%dma_wait3A_1194 : memref<384xf32, #tpu.memory_space<vmem_shared>>)
    %dma_wait3A_1195 = arith.constant 29 : i32
    %dma_wait3A_1196 = arith.constant 0 : i32
    %dma_wait3A_1197 = tpu.memref_slice %arg6[%dma_wait3A_1195, %dma_wait3A_1196] : memref<32x128xi32, #tpu.memory_space<vmem>> -> memref<1x128xi32, #tpu.memory_space<vmem>>
    %dma_wait3A_1198 = tpu.memref_squeeze %dma_wait3A_1197 : memref<1x128xi32, #tpu.memory_space<vmem>> -> memref<128xi32, #tpu.memory_space<vmem>>
    %dma_wait3A_1199 = arith.constant 0 : i32
    %dma_wait3A_1200 = tpu.memref_slice %arg11[%dma_wait3A_1199] : memref<384xf32, #tpu.memory_space<vmem_shared>> -> memref<384xf32, #tpu.memory_space<vmem_shared>>
    tpu.wait_indirect_dma semaphore(%arg13 : memref<!tpu.dma_semaphore, #tpu.memory_space<semaphore_mem>>) src(%arg8 : memref<128xf32, #tpu.memory_space<vmem>>) dst(%dma_wait3A_1200 : memref<384xf32, #tpu.memory_space<vmem_shared>>)
    %dma_wait3A_1201 = arith.constant 30 : i32
    %dma_wait3A_1202 = arith.constant 30 : i32
    %dma_wait3A_1203 = arith.constant 0 : i32
    %dma_wait3A_1204 = tpu.memref_slice %arg7[%dma_wait3A_1201, %dma_wait3A_1203] : memref<32x128xf32, #tpu.memory_space<vmem>> -> memref<1x128xf32, #tpu.memory_space<vmem>>
    %dma_wait3A_1205 = tpu.memref_squeeze %dma_wait3A_1204 : memref<1x128xf32, #tpu.memory_space<vmem>> -> memref<128xf32, #tpu.memory_space<vmem>>
    %dma_wait3A_1206 = arith.constant 0 : i32
    %dma_wait3A_1207 = tpu.memref_slice %arg6[%dma_wait3A_1202, %dma_wait3A_1206] : memref<32x128xi32, #tpu.memory_space<vmem>> -> memref<1x128xi32, #tpu.memory_space<vmem>>
    %dma_wait3A_1208 = tpu.memref_squeeze %dma_wait3A_1207 : memref<1x128xi32, #tpu.memory_space<vmem>> -> memref<128xi32, #tpu.memory_space<vmem>>
    %dma_wait3A_1209 = arith.constant 0 : i32
    %dma_wait3A_1210 = tpu.memref_slice %arg10[%dma_wait3A_1209] : memref<384xf32, #tpu.memory_space<vmem_shared>> -> memref<384xf32, #tpu.memory_space<vmem_shared>>
    tpu.wait_indirect_dma semaphore(%arg13 : memref<!tpu.dma_semaphore, #tpu.memory_space<semaphore_mem>>) src(%dma_wait3A_1205 : memref<128xf32, #tpu.memory_space<vmem>>) dst(%dma_wait3A_1210 : memref<384xf32, #tpu.memory_space<vmem_shared>>)
    %dma_wait3A_1211 = arith.constant 30 : i32
    %dma_wait3A_1212 = arith.constant 0 : i32
    %dma_wait3A_1213 = tpu.memref_slice %arg6[%dma_wait3A_1211, %dma_wait3A_1212] : memref<32x128xi32, #tpu.memory_space<vmem>> -> memref<1x128xi32, #tpu.memory_space<vmem>>
    %dma_wait3A_1214 = tpu.memref_squeeze %dma_wait3A_1213 : memref<1x128xi32, #tpu.memory_space<vmem>> -> memref<128xi32, #tpu.memory_space<vmem>>
    %dma_wait3A_1215 = arith.constant 0 : i32
    %dma_wait3A_1216 = tpu.memref_slice %arg11[%dma_wait3A_1215] : memref<384xf32, #tpu.memory_space<vmem_shared>> -> memref<384xf32, #tpu.memory_space<vmem_shared>>
    tpu.wait_indirect_dma semaphore(%arg13 : memref<!tpu.dma_semaphore, #tpu.memory_space<semaphore_mem>>) src(%arg8 : memref<128xf32, #tpu.memory_space<vmem>>) dst(%dma_wait3A_1216 : memref<384xf32, #tpu.memory_space<vmem_shared>>)
    %dma_wait3A_1217 = arith.constant 31 : i32
    %dma_wait3A_1218 = arith.constant 31 : i32
    %dma_wait3A_1219 = arith.constant 0 : i32
    %dma_wait3A_1220 = tpu.memref_slice %arg7[%dma_wait3A_1217, %dma_wait3A_1219] : memref<32x128xf32, #tpu.memory_space<vmem>> -> memref<1x128xf32, #tpu.memory_space<vmem>>
    %dma_wait3A_1221 = tpu.memref_squeeze %dma_wait3A_1220 : memref<1x128xf32, #tpu.memory_space<vmem>> -> memref<128xf32, #tpu.memory_space<vmem>>
    %dma_wait3A_1222 = arith.constant 0 : i32
    %dma_wait3A_1223 = tpu.memref_slice %arg6[%dma_wait3A_1218, %dma_wait3A_1222] : memref<32x128xi32, #tpu.memory_space<vmem>> -> memref<1x128xi32, #tpu.memory_space<vmem>>
    %dma_wait3A_1224 = tpu.memref_squeeze %dma_wait3A_1223 : memref<1x128xi32, #tpu.memory_space<vmem>> -> memref<128xi32, #tpu.memory_space<vmem>>
    %dma_wait3A_1225 = arith.constant 0 : i32
    %dma_wait3A_1226 = tpu.memref_slice %arg10[%dma_wait3A_1225] : memref<384xf32, #tpu.memory_space<vmem_shared>> -> memref<384xf32, #tpu.memory_space<vmem_shared>>
    tpu.wait_indirect_dma semaphore(%arg13 : memref<!tpu.dma_semaphore, #tpu.memory_space<semaphore_mem>>) src(%dma_wait3A_1221 : memref<128xf32, #tpu.memory_space<vmem>>) dst(%dma_wait3A_1226 : memref<384xf32, #tpu.memory_space<vmem_shared>>)
    %dma_wait3A_1227 = arith.constant 31 : i32
    %dma_wait3A_1228 = arith.constant 0 : i32
    %dma_wait3A_1229 = tpu.memref_slice %arg6[%dma_wait3A_1227, %dma_wait3A_1228] : memref<32x128xi32, #tpu.memory_space<vmem>> -> memref<1x128xi32, #tpu.memory_space<vmem>>
    %dma_wait3A_1230 = tpu.memref_squeeze %dma_wait3A_1229 : memref<1x128xi32, #tpu.memory_space<vmem>> -> memref<128xi32, #tpu.memory_space<vmem>>
    %dma_wait3A_1231 = arith.constant 0 : i32
    %dma_wait3A_1232 = tpu.memref_slice %arg11[%dma_wait3A_1231] : memref<384xf32, #tpu.memory_space<vmem_shared>> -> memref<384xf32, #tpu.memory_space<vmem_shared>>
    tpu.wait_indirect_dma semaphore(%arg13 : memref<!tpu.dma_semaphore, #tpu.memory_space<semaphore_mem>>) src(%arg8 : memref<128xf32, #tpu.memory_space<vmem>>) dst(%dma_wait3A_1232 : memref<384xf32, #tpu.memory_space<vmem_shared>>)
    %barrier3A_1233 = arith.constant 0 : index
    tpu.barrier barrier_id(%barrier3A_1233)
    %eq3A_1234 = arith.constant 0 : i32
    %eq3A_1235 = arith.cmpi eq, %arg1, %eq3A_1234 : i32
    %convert_element_type3A_1236 = arith.extui %eq3A_1235 : i1 to i32
    %cond3A_1237 = arith.constant 0 : i32
    %cond3A_1238 = arith.cmpi ne, %convert_element_type3A_1236, %cond3A_1237 : i32
    scf.if %cond3A_1238 {
      %mul3A_1239 = arith.constant 384 : i32
      %mul3A_1240 = arith.muli %arg0, %mul3A_1239 : i32
      "tpu.region"() ({
        %run_scoped3A = tpu.sem_alloc : memref<!tpu.dma_semaphore, #tpu.memory_space<semaphore_mem>>
        %dma_start3A_1243 = tpu.memref_slice %arg4[%mul3A_1240] : memref<768xf32, #tpu.memory_space<hbm>> -> memref<384xf32, #tpu.memory_space<hbm>>
        tpu.enqueue_dma source(%arg10 : memref<384xf32, #tpu.memory_space<vmem_shared>>) target(%dma_start3A_1243 : memref<384xf32, #tpu.memory_space<hbm>>) target_semaphore(%run_scoped3A : memref<!tpu.dma_semaphore, #tpu.memory_space<semaphore_mem>>)
        %dma_wait3A_1244 = tpu.memref_slice %arg4[%mul3A_1240] : memref<768xf32, #tpu.memory_space<hbm>> -> memref<384xf32, #tpu.memory_space<hbm>>
        tpu.wait_dma2 semaphore(%run_scoped3A : memref<!tpu.dma_semaphore, #tpu.memory_space<semaphore_mem>>) src(%arg10 : memref<384xf32, #tpu.memory_space<vmem_shared>>) dst(%dma_wait3A_1244 : memref<384xf32, #tpu.memory_space<hbm>>)
        tpu.yield
      }) : () -> ()
      %mul3A_1241 = arith.constant 384 : i32
      %mul3A_1242 = arith.muli %arg0, %mul3A_1241 : i32
      "tpu.region"() ({
        %run_scoped3A = tpu.sem_alloc : memref<!tpu.dma_semaphore, #tpu.memory_space<semaphore_mem>>
        %dma_start3A_1243 = tpu.memref_slice %arg5[%mul3A_1242] : memref<768xf32, #tpu.memory_space<hbm>> -> memref<384xf32, #tpu.memory_space<hbm>>
        tpu.enqueue_dma source(%arg11 : memref<384xf32, #tpu.memory_space<vmem_shared>>) target(%dma_start3A_1243 : memref<384xf32, #tpu.memory_space<hbm>>) target_semaphore(%run_scoped3A : memref<!tpu.dma_semaphore, #tpu.memory_space<semaphore_mem>>)
        %dma_wait3A_1244 = tpu.memref_slice %arg5[%mul3A_1242] : memref<768xf32, #tpu.memory_space<hbm>> -> memref<384xf32, #tpu.memory_space<hbm>>
        tpu.wait_dma2 semaphore(%run_scoped3A : memref<!tpu.dma_semaphore, #tpu.memory_space<semaphore_mem>>) src(%arg11 : memref<384xf32, #tpu.memory_space<vmem_shared>>) dst(%dma_wait3A_1244 : memref<384xf32, #tpu.memory_space<hbm>>)
        tpu.yield
      }) : () -> ()
    } else {
    }
    return
  }
}

module attributes {stable_mosaic.version = 14 : i64} {
  func.func @_tc_body(%arg0: i32, %arg1: memref<4096x224xf32, #tpu.memory_space<vmem>>, %arg2: memref<128x64xf32, #tpu.memory_space<vmem>>, %arg3: memref<1x64xf32, #tpu.memory_space<vmem>>, %arg4: memref<64x4xf32, #tpu.memory_space<vmem>>, %arg5: memref<1x4xf32, #tpu.memory_space<vmem>>, %arg6: memref<96x4xf32, #tpu.memory_space<vmem>>, %arg7: memref<4x4096xf32, #tpu.memory_space<vmem>>) attributes {dimension_semantics = [#tpu.dimension_semantics<arbitrary>], iteration_bounds = array<i64: 25>, scalar_prefetch = 0 : i64, scratch_operands = 0 : i64, tpu.core_type = #tpu.core_type<tc>, window_params = [{transform_indices = @transform_0, window_bounds = array<i64: 4096, 224>}, {pipeline_mode = #tpu.pipeline_mode<synchronous>, transform_indices = @transform_1, window_bounds = array<i64: 128, 64>}, {pipeline_mode = #tpu.pipeline_mode<synchronous>, transform_indices = @transform_2, window_bounds = array<i64: 1, 64>}, {pipeline_mode = #tpu.pipeline_mode<synchronous>, transform_indices = @transform_3, window_bounds = array<i64: 64, 4>}, {pipeline_mode = #tpu.pipeline_mode<synchronous>, transform_indices = @transform_4, window_bounds = array<i64: 1, 4>}, {pipeline_mode = #tpu.pipeline_mode<synchronous>, transform_indices = @transform_5, window_bounds = array<i64: 96, 4>}, {transform_indices = @transform_6, window_bounds = array<i64: 4, 4096>}]} {
    %get3A = arith.constant 0 : index
    %get3A_0 = arith.constant 0 : index
    %get3A_1 = vector.load %arg1[%get3A, %get3A_0] : memref<4096x224xf32, #tpu.memory_space<vmem>>, vector<4096x224xf32>
    %slice3A = vector.extract_strided_slice %get3A_1 {offsets = [0, 0], sizes = [4096, 128], strides = [1, 1]} : vector<4096x224xf32> to vector<4096x128xf32>
    %get3A_2 = arith.constant 0 : index
    %get3A_3 = arith.constant 0 : index
    %get3A_4 = vector.load %arg2[%get3A_2, %get3A_3] : memref<128x64xf32, #tpu.memory_space<vmem>>, vector<128x64xf32>
    %dot_general3A = arith.constant dense<0.000000e+00> : vector<4096x64xf32>
    %dot_general3A_5 = tpu.matmul %slice3A, %get3A_4, %dot_general3A {dimension_numbers = #tpu.dot_dimension_numbers<[1], [0], [0], [1], [0, 0, 1, 1], [], []>, transpose_lhs_hint = false} : vector<4096x128xf32>, vector<128x64xf32>, vector<4096x64xf32> -> vector<4096x64xf32>
    %get3A_6 = arith.constant 0 : index
    %get3A_7 = arith.constant 0 : index
    %get3A_8 = vector.load %arg3[%get3A_6, %get3A_7] : memref<1x64xf32, #tpu.memory_space<vmem>>, vector<1x64xf32>
    %add3A = vector.broadcast %get3A_8 : vector<1x64xf32> to vector<4096x64xf32>
    %add3A_9 = arith.addf %dot_general3A_5, %add3A : vector<4096x64xf32>
    %logistic3A = arith.negf %add3A_9 : vector<4096x64xf32>
    %logistic3A_10 = math.exp %logistic3A : vector<4096x64xf32>
    %logistic3A_11 = arith.constant 1.000000e+00 : f32
    %logistic3A_12 = vector.broadcast %logistic3A_11 : f32 to vector<4096x64xf32>
    %logistic3A_13 = arith.addf %logistic3A_12, %logistic3A_10 : vector<4096x64xf32>
    %logistic3A_14 = arith.divf %logistic3A_12, %logistic3A_13 : vector<4096x64xf32>
    %mul3A = arith.mulf %add3A_9, %logistic3A_14 : vector<4096x64xf32>
    %get3A_15 = arith.constant 0 : index
    %get3A_16 = arith.constant 0 : index
    %get3A_17 = vector.load %arg4[%get3A_15, %get3A_16] : memref<64x4xf32, #tpu.memory_space<vmem>>, vector<64x4xf32>
    %dot_general3A_18 = arith.constant dense<0.000000e+00> : vector<4096x4xf32>
    %dot_general3A_19 = tpu.matmul %mul3A, %get3A_17, %dot_general3A_18 {dimension_numbers = #tpu.dot_dimension_numbers<[1], [0], [0], [1], [0, 0, 1, 1], [], []>, transpose_lhs_hint = false} : vector<4096x64xf32>, vector<64x4xf32>, vector<4096x4xf32> -> vector<4096x4xf32>
    %slice3A_20 = vector.extract_strided_slice %get3A_1 {offsets = [0, 128], sizes = [4096, 96], strides = [1, 1]} : vector<4096x224xf32> to vector<4096x96xf32>
    %get3A_21 = arith.constant 0 : index
    %get3A_22 = arith.constant 0 : index
    %get3A_23 = vector.load %arg6[%get3A_21, %get3A_22] : memref<96x4xf32, #tpu.memory_space<vmem>>, vector<96x4xf32>
    %dot_general3A_24 = arith.constant dense<0.000000e+00> : vector<4096x4xf32>
    %dot_general3A_25 = tpu.matmul %slice3A_20, %get3A_23, %dot_general3A_24 {dimension_numbers = #tpu.dot_dimension_numbers<[1], [0], [0], [1], [0, 0, 1, 1], [], []>, transpose_lhs_hint = false} : vector<4096x96xf32>, vector<96x4xf32>, vector<4096x4xf32> -> vector<4096x4xf32>
    %add3A_26 = arith.addf %dot_general3A_19, %dot_general3A_25 : vector<4096x4xf32>
    %get3A_27 = arith.constant 0 : index
    %get3A_28 = arith.constant 0 : index
    %get3A_29 = vector.load %arg5[%get3A_27, %get3A_28] : memref<1x4xf32, #tpu.memory_space<vmem>>, vector<1x4xf32>
    %add3A_30 = vector.broadcast %get3A_29 : vector<1x4xf32> to vector<4096x4xf32>
    %add3A_31 = arith.addf %add3A_26, %add3A_30 : vector<4096x4xf32>
    %transpose3A = tpu.transpose %add3A_31, [1, 0] : vector<4096x4xf32> -> vector<4x4096xf32>
    %swap3A = arith.constant 0 : index
    %swap3A_32 = arith.constant 0 : index
    %swap3A_33 = vector.load %arg7[%swap3A, %swap3A_32] : memref<4x4096xf32, #tpu.memory_space<vmem>>, vector<4x4096xf32>
    tpu.vector_store %arg7[%swap3A, %swap3A_32], %transpose3A {strides = array<i32>} : memref<4x4096xf32, #tpu.memory_space<vmem>>, vector<4x4096xf32>,
    return
  }
  func.func @transform_0(%arg0: i32) -> (i32, i32) {
    %c0_i32 = arith.constant 0 : i32
    %c0_i32_0 = arith.constant 0 : i32
    return %arg0, %c0_i32 : i32, i32
  }
  func.func @transform_1(%arg0: i32) -> (i32, i32) {
    %c0_i32 = arith.constant 0 : i32
    %c0_i32_0 = arith.constant 0 : i32
    %c0_i32_1 = arith.constant 0 : i32
    return %c0_i32, %c0_i32_0 : i32, i32
  }
  func.func @transform_2(%arg0: i32) -> (i32, i32) {
    %c0_i32 = arith.constant 0 : i32
    %c0_i32_0 = arith.constant 0 : i32
    %c0_i32_1 = arith.constant 0 : i32
    return %c0_i32, %c0_i32_0 : i32, i32
  }
  func.func @transform_3(%arg0: i32) -> (i32, i32) {
    %c0_i32 = arith.constant 0 : i32
    %c0_i32_0 = arith.constant 0 : i32
    %c0_i32_1 = arith.constant 0 : i32
    return %c0_i32, %c0_i32_0 : i32, i32
  }
  func.func @transform_4(%arg0: i32) -> (i32, i32) {
    %c0_i32 = arith.constant 0 : i32
    %c0_i32_0 = arith.constant 0 : i32
    %c0_i32_1 = arith.constant 0 : i32
    return %c0_i32, %c0_i32_0 : i32, i32
  }
  func.func @transform_5(%arg0: i32) -> (i32, i32) {
    %c0_i32 = arith.constant 0 : i32
    %c0_i32_0 = arith.constant 0 : i32
    %c0_i32_1 = arith.constant 0 : i32
    return %c0_i32, %c0_i32_0 : i32, i32
  }
  func.func @transform_6(%arg0: i32) -> (i32, i32) {
    %c0_i32 = arith.constant 0 : i32
    %c0_i32_0 = arith.constant 0 : i32
    return %c0_i32, %arg0 : i32, i32
  }
}

</mosaic_0001>

<sc_bundles>
// kernel: kernel.4.cloned.1.call-start
scs
__scs_entry_jumppad:
0x0: {  	(pc) =	sbr.rel $0x88, $3  }
0x1: {  	(tag) =	ssettag $0x0;
	lr =	simm.s32 $0x1  }
0x2: {  	[smem:$0x3F9A] =	sst lr;
	_ =	strace $0xD0000000  }
0x3: {  	_ = 	snop  }
0x4: {  	_ = 	snop  }
0x5: {  	_ = 	snop  }
0x6: {  	_ = 	snop  }
0x7: {  	_ = 	snop  }
__scs_overlays_trampoline_lowered:
0x8: {  	[smem:$0x3FA9] =	sst s0  }
0x9: {  	[smem:$0x3FAA] =	sst s1  }
0xa: {  	[smem:$0x3FAB] =	sst s2  }
0xb: {  	[smem:$0x3FAC] =	sst s3  }
0xc: {  	[smem:$0x3FAD] =	sst s4  }
0xd: {  	[smem:$0x3FAE] =	sst s5  }
0xe: {  	[smem:$0x3FAF] =	sst s6  }
0xf: {  	[smem:$0x3FB0] =	sst s7  }
0x10: {  	[smem:$0x3FB1] =	sst s8  }
0x11: {  	[smem:$0x3FB2] =	sst s9;
	s0 =	simm.s32 @!p0 $0x0  }
0x12: {  	s1 =	sld [smem:$0x3F98];
	s0 =	simm.s32 @p0 $0x1  }
0x13: {  	[smem:$0x3FB3] =	sst s0;
	s0 =	simm.s32 @!p1 $0x0  }
0x14: {  	s2 =	sld [smem:$0x3F97];
	s0 =	simm.s32 @p1 $0x1  }
0x15: {  	[smem:$0x3FB4] =	sst s0;
	s0 =	simm.s32 @!p2 $0x0  }
0x16: {  	s3 =	sld [smem:$0x3FDB];
	s0 =	simm.s32 @p2 $0x1  }
0x17: {  	s4 =	simm.s32 $0x1BF5;
	[smem:$0x3FB6] =	sst s0  }
0x18: {  	s0 =	sld [smem:$0x3F99];
	_ =	swait.ge [sflag:s4], $0x0  }
0x19: {  	s7 =	sld [smem:$0x3F9A]  }
0x1a: {  	s8 =	sadd.s32 $0xFFFFE003, lr  }
0x1b: {  	s9 =	sadd.s32 $0xFFFFFEF7, lr;
	s5 =	simm.s32 $0xFFFFFFFF;
	p2 =	slt.u32 s8, $0xFFFFF086  }
0x1c: {  	p1 =	slt.u32 s9, $0xF7A;
	s5 =	simm.s32 @!p2 $0x0  }
0x1d: {  	s5 =	simm.s32 @p1 $0x1;
	p0 =	seq.s32 s7, s2  }
0x1e: {  	s7 =	smul.u32 @!p0 $0xF7A, s2;
	p2 =	seq.s32 @!p0 s5, $0x0  }
0x1f: {  	s9 =	smul.u32 $0xF7A, s1;
	s8 =	simm.s32 @!p0 $0x1BF5;
	p2 =	por !p2, p0  }
0x20: {  	[sflag:s8] =	ssyncset.s32 @!p0 $0xFFFFF086;
	s6 =	sadd.s32 @!p0 s3, s7;
	s7 =	simm.s32 @!p0 $0x108  }
0x21: {  	s3 =	sadd.s32 s3, s9;
	s6 =	sadd.s32 @!p0 $0x88, s6;
	s7 =	simm.s32 @p2 $0x1082  }
0x22: {  	[simem:s7], [sflag:s8] =	dma.local @!p0 [hbm:s6], $0xF7A  }
0x23: {  	s9 =	sor.u32 $0xD0000000, s2;
	s6 =	simm.s32 $0x108;
	_ =	swait.ge @!p0 [sflag:s8], $0x0  }
0x24: {  	s3 =	sadd.s32 $0x88, s3;
	s6 =	simm.s32 @!p1 $0x1082;
	[sflag:s4] =	ssyncset.s32 $0xFFFFF086  }
0x25: {  	[simem:s6], [sflag:s4] =	dma.local [hbm:s3], $0xF7A  }
0x26: {  	[smem:$0x3F9A] =	sst s1;
	(tag) =	ssettag s2;
	_ =	strace s9  }
0x27: {  	s1 =	sld [smem:$0x3FAA]  }
0x28: {  	s2 =	sld [smem:$0x3FAB]  }
0x29: {  	s4 =	sld [smem:$0x3FAD]  }
0x2a: {  	p0 =	seq.s32 s5, $0x0;
	s5 =	sld [smem:$0x3FAE]  }
0x2b: {  	s6 =	sld [smem:$0x3FAF]  }
0x2c: {  	s7 =	sld [smem:$0x3FB0]  }
0x2d: {  	s3 =	simm.s32 $0x108;
	s8 =	sld [smem:$0x3FB1]  }
0x2e: {  	s3 =	simm.s32 @!p0 $0x1082;
	s9 =	sld [smem:$0x3FB2]  }
0x2f: {  	lr =	sadd.s32 s0, s3;
	s0 =	sld [smem:$0x3FA9]  }
0x30: {  	s3 =	sld [smem:$0x3FAC]  }
0x31: {  	[smem:$0x3FB5] =	sst s10  }
0x32: {  	s10 =	sld [smem:$0x3FB3];
	_ =	sdelay $0x3  }
0x33: {  	p0 =	seq.s32 s10, $0x1;
	s10 =	sld [smem:$0x3FB5];
	_ =	sdelay $0x3  }
0x34: {  	[smem:$0x3FB5] =	sst s10  }
0x35: {  	s10 =	sld [smem:$0x3FB4];
	_ =	sdelay $0x3  }
0x36: {  	p1 =	seq.s32 s10, $0x1;
	s10 =	sld [smem:$0x3FB5];
	_ =	sdelay $0x3  }
0x37: {  	[smem:$0x3FB5] =	sst s10  }
0x38: {  	s10 =	sld [smem:$0x3FB6]  }
0x39: {  	_ = 	snop;
	(pc) =	sbr.ind lr, $3  }
0x3a: {  	_ = 	snop  }
0x3b: {  	_ = 	snop  }
0x3c: {  	p2 =	seq.s32 s10, $0x1;
	s10 =	sld [smem:$0x3FB5]  }
0x3d: {  	_ =	shalt  }
0x3e: {  	_ =	shalt  }
0x3f: {  	_ =	shalt  }
0x40: {  	_ =	shalt  }
0x41: {  	_ =	shalt  }
0x42: {  	_ =	shalt  }
0x43: {  	_ =	shalt  }
0x44: {  	_ =	shalt  }
0x45: {  	_ =	shalt  }
0x46: {  	_ =	shalt  }
0x47: {  	_ =	shalt  }
0x48: {  	_ =	shalt  }
0x49: {  	_ =	shalt  }
0x4a: {  	_ =	shalt  }
0x4b: {  	_ =	shalt  }
0x4c: {  	_ =	shalt  }
0x4d: {  	_ =	shalt  }
0x4e: {  	_ =	shalt  }
0x4f: {  	_ =	shalt  }
0x50: {  	_ =	shalt  }
0x51: {  	_ =	shalt  }
0x52: {  	_ =	shalt  }
0x53: {  	_ =	shalt  }
0x54: {  	_ =	shalt  }
0x55: {  	_ =	shalt  }
0x56: {  	_ =	shalt  }
0x57: {  	_ =	shalt  }
0x58: {  	_ =	shalt  }
0x59: {  	_ =	shalt  }
0x5a: {  	_ =	shalt  }
0x5b: {  	_ =	shalt  }
0x5c: {  	_ =	shalt  }
0x5d: {  	_ =	shalt  }
0x5e: {  	_ =	shalt  }
0x5f: {  	_ =	shalt  }
0x60: {  	_ =	shalt  }
0x61: {  	_ =	shalt  }
0x62: {  	_ =	shalt  }
0x63: {  	_ =	shalt  }
0x64: {  	_ =	shalt  }
0x65: {  	_ =	shalt  }
0x66: {  	_ =	shalt  }
0x67: {  	_ =	shalt  }
0x68: {  	_ =	shalt  }
0x69: {  	_ =	shalt  }
0x6a: {  	_ =	shalt  }
0x6b: {  	_ =	shalt  }
0x6c: {  	_ =	shalt  }
0x6d: {  	_ =	shalt  }
0x6e: {  	_ =	shalt  }
0x6f: {  	_ =	shalt  }
0x70: {  	_ =	shalt  }
0x71: {  	_ =	shalt  }
0x72: {  	_ =	shalt  }
0x73: {  	_ =	shalt  }
0x74: {  	_ =	shalt  }
0x75: {  	_ =	shalt  }
0x76: {  	_ =	shalt  }
0x77: {  	_ =	shalt  }
0x78: {  	_ =	shalt  }
0x79: {  	_ =	shalt  }
0x7a: {  	_ =	shalt  }
0x7b: {  	_ =	shalt  }
0x7c: {  	_ =	shalt  }
0x7d: {  	_ =	shalt  }
0x7e: {  	_ =	shalt  }
0x7f: {  	_ =	shalt  }
0x80: {  	_ =	shalt  }
0x81: {  	_ =	shalt  }
0x82: {  	_ =	shalt  }
0x83: {  	_ =	shalt  }
0x84: {  	_ =	shalt  }
0x85: {  	_ =	shalt  }
0x86: {  	_ =	shalt  }
0x87: {  	_ =	shalt  }
.Lfunc_end0:
.L_simem_size_0:
called_computation_lowered:
.L_overlay_start_0:
0x88: {  	s2 =	sld [smem:$0x3FD9]  }
0x89: {  	s3 =	sld [smem:$0x3FFE];
	_ =	sdelay $0x1  }
0x8a: {  	s1 =	srdreg.scid  }
0x8b: {  	s0 =	sand.u32 $0x1, s1  }
0x8c: {  	s16 =	sshll.u32 s0, $0xA;
	s2 =	sadd.s32 s3, s2  }
0x8d: {  	s2 =	sadd.s32 s2, s16  }
0x8e: {  	[smem:$0x3FC1] =	sst s2  }
0x8f: {  	_ = 	snop  }
0x90: {  	(tm) =	ssettm $0x1  }
0x91: {  	s17 =	sld [smem:$0x3FFB];
	_ =	sdelay $0x3  }
0x92: {  	_ =	strace s17  }
0x93: {  	s2 =	sld [smem:$0x3FFC];
	_ =	sdelay $0x3  }
0x94: {  	_ =	strace s2  }
0x95: {  	s2 =	sld [smem:$0x3FFD];
	_ =	sdelay $0x3  }
0x96: {  	_ =	strace s2  }
0x97: {  	_ =	strace $0x8FFFFFFF  }
0x98: {  	s18 =	sld [smem:$0x3FDB];
	_ =	sdelay $0x1  }
0x99: {  	s19 =	simm.s32 $_scs_section_size  }
0x9a: {  	s4 =	simm.s32 $_size__tile_overlayer_lowered;
	s5 =	simm.s32 $_tile_overlayer_lowered  }
0x9b: {  	s22 =	simm.s32 $0x1BFF;
	s21 =	sshll.u32 s5, $0x1;
	s2 =	sadd.s32 s19, s18  }
0x9c: {  	s6 =	simm.s32 $0x0;
	s20 =	sshll.u32 s4, $0x1;
	s4 =	sadd.s32 s21, s2  }
0x9d: {  	[timem:s6], [sflag:s22] =	dma.local [hbm:s4], s20  }
0x9e: {  	_ =	swait.ge [sflag:s22], s20  }
0x9f: {  	s3 =	ssub.s32 $0x0, s20;
	[sflag:s22] =	ssyncset.done $0x0  }
0xa0: {  	[sflag:s22] =	ssyncadd.s32 s3;
	_ =	sdelay $0x1  }
0xa1: {  	s23 =	simm.s32 $0x1B8B  }
0xa2: {  	_ =	swait.ge [sflag:s23], $0x1  }
0xa3: {  	[sflag:s23] =	ssyncset.done $0x0  }
0xa4: {  	s25 =	simm.s32 $0x1B8E;
	s24 =	sld [smem:$0x3FFE];
	[sflag:s23] =	ssyncadd.s32 $0xFFFFFFFF  }
0xa5: {  	s26 =	simm.s32 $execute0_lowered;
	[smem:$0x3FD2] =	sst s25  }
0xa6: {  	s4 =	sshll.u32 s26, $0x1;
	_ =	strace $0x80000046;
	[dreg:$0x1] =	wrdreg $0xFFFFFFFF  }
0xa7: {  	s28 =	simm.s32 $_size_execute0_lowered;
	s2 =	sadd.s32 s2, s4;
	[dreg:$0x0] =	wrdreg $0x0  }
0xa8: {  	s4 =	sshll.u32 s28, $0x1;
	[dreg:$0x2] =	wrdreg s2  }
0xa9: {  	[dreg:$0x3] =	wrdreg s4  }
0xaa: {  	[dreg:$0x4] =	wrdreg $0xC0  }
0xab: {  	_ =	task [dreg:s6], $0x5FFFF  }
0xac: {  	[dreg:$0x1] =	wrdreg $0xFFFFFFFF  }
0xad: {  	[dreg:$0x0] =	wrdreg $0x60  }
0xae: {  	[dreg:$0x2] =	wrdreg s24  }
0xaf: {  	[dreg:$0x3] =	wrdreg $0x22000  }
0xb0: {  	[dreg:$0x4] =	wrdreg $0x22180  }
0xb1: {  	[dreg:$0x5] =	wrdreg $0x9  }
0xb2: {  	_ =	task.clear_ibuf [dreg:s6], $0x6FFFF;
	_ =	strace $0x90000046  }
0xb3: {  	s29 =	simm.s32 $0x9;
	_ =	strace $0x80000048  }
0xb4: {  	_ =	swait.ge [sflag:s29], $0x1  }
0xb5: {  	[sflag:s29] =	ssyncadd.s32 $0xFFFFFFFF  }
0xb6: {  	_ =	strace $0x90000048  }
0xb7: {  	_ =	sfence  }
0xb8: {  	s30 =	sld [smem:$0x0];
	_ =	sdelay $0x2  }
0xb9: {  	s31 =	sshll.u32 s1, $0xD;
	s1 =	sshrl.u32 s1, $0x2  }
0xba: {  	s3 =	sand.u32 $0x4000, s31;
	s1 =	sadd.s32 s1, s30  }
0xbb: {  	s0 =	sor.u32 s3, s0;
	s1 =	sshll.u32 s1, $0x11  }
0xbc: {  	s0 =	sor.u32 s1, s0  }
0xbd: {  	s0 =	sadd.s32 $0x8F2B, s0  }
0xbe: {  	[sflag:s0] =	ssyncadd.remote.s32 $0x1  }
0xbf: {  	_ =	sfence.sel $0xFFFF  }
0xc0: {  	[dreg:$0x0] =	wrdreg $0xFFFFFFFF;
	(pc) =	sbr.abs _section_cstart, $3  }
0xc1: {  	[dreg:$0x1] =	wrdreg $0xFFFFFFFF  }
0xc2: {  	_ =	task.clear_ibuf [dreg:s6], $0x2FFFF;
	_ =	strace $0x9FFFFFFF  }
0xc3: {  	(tm) =	ssettm $0x7FFFFFFF  }
tec
execute0_lowered:
.L_overlay_start_1:
0x0: {  	(tag) =	ssettag $0x1  }
0x1: {  	s1 =	rddreg [dreg:$0x0]  }
0x2: {  	s2 =	srdreg.scid;
	s0 =	rddreg [dreg:$0x1]  }
0x3: {  	s3 =	simm.s32 $0x0;
	s4 =	sand.u32 $0x1, s2;
	s2 =	rddreg [dreg:$0x2]  }
0x4: {  	s16 =	simm.s32 $0x1080;
	[smem:$0x7FF] =	sst s3  }
0x5: {  	s17 =	simm.s32 $0x1100;
	_ =	strace $0x80000047;
	[dreg:$0x8] =	wrdreg s16  }
0x6: {  	s18 =	simm.s32 $0x1180;
	[dreg:$0x9] =	wrdreg s17  }
0x7: {  	s19 =	simm.s32 $0x1200;
	[dreg:$0xa] =	wrdreg s18  }
0x8: {  	s20 =	simm.s32 $0x1280;
	[dreg:$0xb] =	wrdreg s19  }
0x9: {  	s5 =	stileid.u32;
	s21 =	simm.s32 $0x1300;
	[dreg:$0xc] =	wrdreg s20  }
0xa: {  	s22 =	simm.s32 $0x1380;
	s23 =	simm.s32 $0x1400;
	[dreg:$0xd] =	wrdreg s21  }
0xb: {  	s24 =	simm.s32 $0x1480;
	s26 =	simm.s32 $0x1500;
	[dreg:$0xe] =	wrdreg s22  }
0xc: {  	s9 =	simm.s32 $0x1700;
	s10 =	simm.s32 $0x1780;
	[dreg:$0xf] =	wrdreg s23  }
0xd: {  	s11 =	simm.s32 $0x1800;
	s12 =	simm.s32 $0x1880;
	[dreg:$0x10] =	wrdreg s24  }
0xe: {  	s13 =	simm.s32 $0x1900;
	s28 =	simm.s32 $0xA00;
	[dreg:$0x11] =	wrdreg s26  }
0xf: {  	s29 =	simm.s32 $0xA80;
	s30 =	simm.s32 $0xB00;
	[dreg:$0x15] =	wrdreg s9  }
0x10: {  	s31 =	simm.s32 $0xB80;
	s7 =	sshll.u32 s5, $0x9;
	[dreg:$0x16] =	wrdreg s10  }
0x11: {  	p0 =	sne.s32 s5, $0x0;
	s5 =	simm.s32 $0xC80;
	[dreg:$0x17] =	wrdreg s11  }
0x12: {  	s6 =	sshll.u32 s4, $0xD;
	s14 =	smul.u32 $0x30, s4;
	[dreg:$0x18] =	wrdreg s12  }
0x13: {  	s4 =	ssub.s32 $0x2, s4;
	[dreg:$0x19] =	wrdreg s13;
	s16 =	simm.s32 $0x1A80  }
0x14: {  	s17 =	simm.s32 $0x1B00;
	s18 =	simm.s32 $0x1B80;
	s19 =	simm.s32 $0x1C00  }
0x15: {  	s20 =	simm.s32 $0x1C80;
	s21 =	simm.s32 $0x1D00;
	[dreg:$0x1c] =	wrdreg s16  }
0x16: {  	s22 =	simm.s32 $0x1D80;
	s23 =	simm.s32 $0x1E00;
	[dreg:$0x1d] =	wrdreg s17  }
0x17: {  	s24 =	simm.s32 $0x1E80;
	s26 =	simm.s32 $0x1F80;
	[dreg:$0x1e] =	wrdreg s18  }
0x18: {  	s9 =	simm.s32 $0xD00;
	s10 =	simm.s32 $0xD80;
	[dreg:$0x1f] =	wrdreg s19  }
0x19: {  	s11 =	simm.s32 $0xE00;
	s12 =	simm.s32 $0xE80;
	[smem:$0x7F7] =	sst s20  }
0x1a: {  	s13 =	simm.s32 $0xF00;
	s6 =	sor.u32 s7, s6;
	[smem:$0x7F8] =	sst s21  }
0x1b: {  	s25 =	sshrl.u32 s4, $0x1;
	s7 =	simm.s32 $0x1600;
	[smem:$0x7F9] =	sst s22  }
0x1c: {  	s20 =	simm.s32 $0x680;
	[smem:$0x7FA] =	sst s23;
	s21 =	simm.s32 $0x700  }
0x1d: {  	[smem:$0x7FB] =	sst s24;
	s22 =	simm.s32 $0x780;
	s23 =	simm.s32 $0x800  }
0x1e: {  	s24 =	simm.s32 $0x880;
	[smem:$0x7FD] =	sst s26;
	s6 =	sadd.s32 s6, s1  }
0x1f: {  	s1 =	sadd.s32 s14, s1;
	[dreg:$0x13] =	wrdreg s7;
	s14 =	simm.s32 $0x1980  }
0x20: {  	s4 =	ssub.s32 s4, s25;
	s25 =	simm.s32 $0x1F00;
	[dreg:$0x1a] =	wrdreg s14  }
0x21: {  	s26 =	simm.s32 $0x980;
	s8 =	sadd.s32 $0x4400, s6;
	[smem:$0x7FC] =	sst s25  }
0x22: {  	s7 =	simm.s32 $0x80;
	s6 =	sadd.s32 $0x400, s6;
	[dreg:$0x4] =	wrdreg s8  }
0x23: {  	s15 =	sadd.s32 $0x8400, s1;
	s1 =	sadd.s32 $0x8600, s1;
	[dreg:$0x5] =	wrdreg s6  }
0x24: {  	s4 =	smax.u32 s4, $0x1;
	s25 =	simm.s32 $0x900;
	[dreg:$0x6] =	wrdreg s15  }
0x25: {  	s14 =	simm.s32 $0xF80;
	[dreg:$0x7] =	wrdreg s1;
	s6 =	simm.s32 $0x1580  }
0x26: {  	s8 =	simm.s32 $0x1680;
	s15 =	simm.s32 $0x1A00;
	[dreg:$0x12] =	wrdreg s6  }
0x27: {  	s1 =	simm.s32 $0xC00;
	[dreg:$0x14] =	wrdreg s8;
	s6 =	simm.s32 $0x1  }
0x28: {  	v0 =	vimm.f32 $1.000000000e+00;
	v1 =	vimm.f32 $0.0e+00;
	s8 =	simm.s32 $0x2000;
	[dreg:$0x1b] =	wrdreg s15;
	s15 =	simm.s32 $0x2  }
.LBB2_1:
0x29: {  	s16 =	rddreg [dreg:$0x4]  }
0x2a: {  	[tilespmem:s3], [sflag:$0x1] =	stream.linear.gather [hbm4b:s16+s3], $0x1000, $0x38;
	[tilespmem:$0x2230] =	vst v63  }
0x2b: {  	s17 =	rddreg [dreg:$0x5];
	s18 =	simm.s32 $0x1000  }
0x2c: {  	[tilespmem:s18], [sflag:$0x1] =	stream.linear.gather [hbm4b:s17+s3], $0x1000, $0x38;
	[tilespmem:$0x2230] =	vst v63  }
0x2d: {  	[tilespmem:$0x2000] =	vst v0  }
0x2e: {  	[tilespmem:$0x2010] =	vst v0  }
0x2f: {  	[tilespmem:$0x2020] =	vst v0  }
0x30: {  	[tilespmem:$0x2030] =	vst v0  }
0x31: {  	[tilespmem:$0x2040] =	vst v0  }
0x32: {  	[tilespmem:$0x2050] =	vst v0  }
0x33: {  	[tilespmem:$0x2060] =	vst v0  }
0x34: {  	[tilespmem:$0x2070] =	vst v0  }
0x35: {  	[tilespmem:$0x2080] =	vst v1  }
0x36: {  	[tilespmem:$0x2090] =	vst v1  }
0x37: {  	[tilespmem:$0x20A0] =	vst v1  }
0x38: {  	[tilespmem:$0x20B0] =	vst v1  }
0x39: {  	[tilespmem:$0x20C0] =	vst v1  }
0x3a: {  	[tilespmem:$0x20D0] =	vst v1  }
0x3b: {  	[tilespmem:$0x20E0] =	vst v1  }
0x3c: {  	[tilespmem:$0x20F0] =	vst v1  }
0x3d: {  	[tilespmem:$0x2100] =	vst v1  }
0x3e: {  	[tilespmem:$0x2110] =	vst v1  }
0x3f: {  	[tilespmem:$0x2120] =	vst v1  }
0x40: {  	[tilespmem:$0x2130] =	vst v1  }
0x41: {  	[tilespmem:$0x2140] =	vst v1  }
0x42: {  	[tilespmem:$0x2150] =	vst v1  }
0x43: {  	[tilespmem:$0x2160] =	vst v1  }
0x44: {  	[tilespmem:$0x2170] =	vst v1  }
0x45: {  	[tilespmem:$0x2180] =	vst v1  }
0x46: {  	[tilespmem:$0x2190] =	vst v1  }
0x47: {  	[tilespmem:$0x21A0] =	vst v1  }
0x48: {  	[tilespmem:$0x21B0] =	vst v1  }
0x49: {  	[tilespmem:$0x21C0] =	vst v1  }
0x4a: {  	[tilespmem:$0x21D0] =	vst v1  }
0x4b: {  	[tilespmem:$0x21E0] =	vst v1  }
0x4c: {  	s16 =	simm.s32 @!p0 $0x3;
	s17 =	simm.s32 @!p0 $0x2080;
	[tilespmem:$0x21F0] =	vst v1  }
0x4d: {  	[spmem:s0] =	stream.linear.scatter @!p0 [tilespmem:s17], [sflag:$0x3], $0x180, $0x38;
	[tilespmem:$0x2230] =	vst v63  }
0x4e: {  	_ =	swait.ge @!p0 [sflag:s16], $0x180  }
0x4f: {  	[sflag:s16] =	ssyncset.done @!p0 $0x0  }
0x50: {  	[sflag:s16] =	ssyncadd.s32 @!p0 $0xFFFFFE80  }
0x51: {  	[spmem:s2] =	stream.linear.scatter @!p0 [tilespmem:s17], [sflag:$0x3], $0x180, $0x38;
	[tilespmem:$0x2230] =	vst v63  }
0x52: {  	_ =	swait.ge @!p0 [sflag:s16], $0x180  }
0x53: {  	[sflag:s16] =	ssyncset.done @!p0 $0x0  }
0x54: {  	[sflag:s16] =	ssyncadd.s32 @!p0 $0xFFFFFE80  }
0x55: {  	_ =	swait.ge [sflag:s6], $0x1000  }
0x56: {  	[sflag:s6] =	ssyncset.done $0x0  }
0x57: {  	[sflag:s6] =	ssyncadd.s32 $0xFFFFF000  }
0x58: {  	_ =	swait.ge [sflag:s6], $0x1000  }
0x59: {  	[sflag:s6] =	ssyncset.done $0x0  }
0x5a: {  	[sflag:s6] =	ssyncadd.s32 $0xFFFFF000  }
0x5b: {  	[bflag:$0x0] =	sbarrier.arrive $0xFFFF  }
0x5c: {  	[spmem:s0] =	stream.indirect.scatter.add.f32 [tilespmem:s18], [sflag:$0x2], $0x1, s3, s7, $0xb8;
	[tilespmem:$0x2230] =	vst v63  }
0x5d: {  	_ = 	snop  }
0x5e: {  	[spmem:s2] =	stream.indirect.scatter.add.f32 [tilespmem:s8], [sflag:$0x2], $0x1, s3, s7, $0xb8;
	[tilespmem:$0x2230] =	vst v63  }
0x5f: {  	s18 =	rddreg [dreg:$0x8]  }
0x60: {  	[spmem:s0] =	stream.indirect.scatter.add.f32 [tilespmem:s18], [sflag:$0x2], $0x1, s7, s7, $0xb8;
	[tilespmem:$0x2230] =	vst v63  }
0x61: {  	_ = 	snop  }
0x62: {  	[spmem:s2] =	stream.indirect.scatter.add.f32 [tilespmem:s8], [sflag:$0x2], $0x1, s7, s7, $0xb8;
	[tilespmem:$0x2230] =	vst v63  }
0x63: {  	s19 =	rddreg [dreg:$0x9];
	s18 =	simm.s32 $0x100  }
0x64: {  	[spmem:s0] =	stream.indirect.scatter.add.f32 [tilespmem:s19], [sflag:$0x2], $0x1, s18, s7, $0xb8;
	[tilespmem:$0x2230] =	vst v63  }
0x65: {  	_ = 	snop  }
0x66: {  	[spmem:s2] =	stream.indirect.scatter.add.f32 [tilespmem:s8], [sflag:$0x2], $0x1, s18, s7, $0xb8;
	[tilespmem:$0x2230] =	vst v63  }
0x67: {  	s19 =	rddreg [dreg:$0xa];
	s18 =	simm.s32 $0x180  }
0x68: {  	[spmem:s0] =	stream.indirect.scatter.add.f32 [tilespmem:s19], [sflag:$0x2], $0x1, s18, s7, $0xb8;
	[tilespmem:$0x2230] =	vst v63  }
0x69: {  	_ = 	snop  }
0x6a: {  	[spmem:s2] =	stream.indirect.scatter.add.f32 [tilespmem:s8], [sflag:$0x2], $0x1, s18, s7, $0xb8;
	[tilespmem:$0x2230] =	vst v63  }
0x6b: {  	s19 =	rddreg [dreg:$0xb];
	s18 =	simm.s32 $0x200  }
0x6c: {  	[spmem:s0] =	stream.indirect.scatter.add.f32 [tilespmem:s19], [sflag:$0x2], $0x1, s18, s7, $0xb8;
	[tilespmem:$0x2230] =	vst v63  }
0x6d: {  	_ = 	snop  }
0x6e: {  	[spmem:s2] =	stream.indirect.scatter.add.f32 [tilespmem:s8], [sflag:$0x2], $0x1, s18, s7, $0xb8;
	[tilespmem:$0x2230] =	vst v63  }
0x6f: {  	s19 =	rddreg [dreg:$0xc];
	s18 =	simm.s32 $0x280  }
0x70: {  	[spmem:s0] =	stream.indirect.scatter.add.f32 [tilespmem:s19], [sflag:$0x2], $0x1, s18, s7, $0xb8;
	[tilespmem:$0x2230] =	vst v63  }
0x71: {  	_ = 	snop  }
0x72: {  	[spmem:s2] =	stream.indirect.scatter.add.f32 [tilespmem:s8], [sflag:$0x2], $0x1, s18, s7, $0xb8;
	[tilespmem:$0x2230] =	vst v63  }
0x73: {  	s19 =	rddreg [dreg:$0xd];
	s18 =	simm.s32 $0x300  }
0x74: {  	[spmem:s0] =	stream.indirect.scatter.add.f32 [tilespmem:s19], [sflag:$0x2], $0x1, s18, s7, $0xb8;
	[tilespmem:$0x2230] =	vst v63  }
0x75: {  	_ = 	snop  }
0x76: {  	[spmem:s2] =	stream.indirect.scatter.add.f32 [tilespmem:s8], [sflag:$0x2], $0x1, s18, s7, $0xb8;
	[tilespmem:$0x2230] =	vst v63  }
0x77: {  	s19 =	rddreg [dreg:$0xe];
	s18 =	simm.s32 $0x380  }
0x78: {  	[spmem:s0] =	stream.indirect.scatter.add.f32 [tilespmem:s19], [sflag:$0x2], $0x1, s18, s7, $0xb8;
	[tilespmem:$0x2230] =	vst v63  }
0x79: {  	_ = 	snop  }
0x7a: {  	[spmem:s2] =	stream.indirect.scatter.add.f32 [tilespmem:s8], [sflag:$0x2], $0x1, s18, s7, $0xb8;
	[tilespmem:$0x2230] =	vst v63  }
0x7b: {  	s19 =	rddreg [dreg:$0xf];
	s18 =	simm.s32 $0x400  }
0x7c: {  	[spmem:s0] =	stream.indirect.scatter.add.f32 [tilespmem:s19], [sflag:$0x2], $0x1, s18, s7, $0xb8;
	[tilespmem:$0x2230] =	vst v63  }
0x7d: {  	_ = 	snop  }
0x7e: {  	[spmem:s2] =	stream.indirect.scatter.add.f32 [tilespmem:s8], [sflag:$0x2], $0x1, s18, s7, $0xb8;
	[tilespmem:$0x2230] =	vst v63  }
0x7f: {  	s19 =	rddreg [dreg:$0x10];
	s18 =	simm.s32 $0x480  }
0x80: {  	[spmem:s0] =	stream.indirect.scatter.add.f32 [tilespmem:s19], [sflag:$0x2], $0x1, s18, s7, $0xb8;
	[tilespmem:$0x2230] =	vst v63  }
0x81: {  	_ = 	snop  }
0x82: {  	[spmem:s2] =	stream.indirect.scatter.add.f32 [tilespmem:s8], [sflag:$0x2], $0x1, s18, s7, $0xb8;
	[tilespmem:$0x2230] =	vst v63  }
0x83: {  	s19 =	rddreg [dreg:$0x11];
	s18 =	simm.s32 $0x500  }
0x84: {  	[spmem:s0] =	stream.indirect.scatter.add.f32 [tilespmem:s19], [sflag:$0x2], $0x1, s18, s7, $0xb8;
	[tilespmem:$0x2230] =	vst v63  }
0x85: {  	_ = 	snop  }
0x86: {  	[spmem:s2] =	stream.indirect.scatter.add.f32 [tilespmem:s8], [sflag:$0x2], $0x1, s18, s7, $0xb8;
	[tilespmem:$0x2230] =	vst v63  }
0x87: {  	s19 =	rddreg [dreg:$0x12];
	s18 =	simm.s32 $0x580  }
0x88: {  	[spmem:s0] =	stream.indirect.scatter.add.f32 [tilespmem:s19], [sflag:$0x2], $0x1, s18, s7, $0xb8;
	[tilespmem:$0x2230] =	vst v63  }
0x89: {  	_ = 	snop  }
0x8a: {  	[spmem:s2] =	stream.indirect.scatter.add.f32 [tilespmem:s8], [sflag:$0x2], $0x1, s18, s7, $0xb8;
	[tilespmem:$0x2230] =	vst v63  }
0x8b: {  	s19 =	rddreg [dreg:$0x13];
	s18 =	simm.s32 $0x600  }
0x8c: {  	[spmem:s0] =	stream.indirect.scatter.add.f32 [tilespmem:s19], [sflag:$0x2], $0x1, s18, s7, $0xb8;
	[tilespmem:$0x2230] =	vst v63  }
0x8d: {  	_ = 	snop  }
0x8e: {  	[spmem:s2] =	stream.indirect.scatter.add.f32 [tilespmem:s8], [sflag:$0x2], $0x1, s18, s7, $0xb8;
	[tilespmem:$0x2230] =	vst v63  }
0x8f: {  	s19 =	rddreg [dreg:$0x14]  }
0x90: {  	[spmem:s0] =	stream.indirect.scatter.add.f32 [tilespmem:s19], [sflag:$0x2], $0x1, s20, s7, $0xb8;
	[tilespmem:$0x2230] =	vst v63  }
0x91: {  	_ = 	snop  }
0x92: {  	[spmem:s2] =	stream.indirect.scatter.add.f32 [tilespmem:s8], [sflag:$0x2], $0x1, s20, s7, $0xb8;
	[tilespmem:$0x2230] =	vst v63  }
0x93: {  	s18 =	rddreg [dreg:$0x15]  }
0x94: {  	[spmem:s0] =	stream.indirect.scatter.add.f32 [tilespmem:s18], [sflag:$0x2], $0x1, s21, s7, $0xb8;
	[tilespmem:$0x2230] =	vst v63  }
0x95: {  	_ = 	snop  }
0x96: {  	[spmem:s2] =	stream.indirect.scatter.add.f32 [tilespmem:s8], [sflag:$0x2], $0x1, s21, s7, $0xb8;
	[tilespmem:$0x2230] =	vst v63  }
0x97: {  	s19 =	rddreg [dreg:$0x16]  }
0x98: {  	[spmem:s0] =	stream.indirect.scatter.add.f32 [tilespmem:s19], [sflag:$0x2], $0x1, s22, s7, $0xb8;
	[tilespmem:$0x2230] =	vst v63  }
0x99: {  	_ = 	snop  }
0x9a: {  	[spmem:s2] =	stream.indirect.scatter.add.f32 [tilespmem:s8], [sflag:$0x2], $0x1, s22, s7, $0xb8;
	[tilespmem:$0x2230] =	vst v63  }
0x9b: {  	s18 =	rddreg [dreg:$0x17]  }
0x9c: {  	[spmem:s0] =	stream.indirect.scatter.add.f32 [tilespmem:s18], [sflag:$0x2], $0x1, s23, s7, $0xb8;
	[tilespmem:$0x2230] =	vst v63  }
0x9d: {  	_ = 	snop  }
0x9e: {  	[spmem:s2] =	stream.indirect.scatter.add.f32 [tilespmem:s8], [sflag:$0x2], $0x1, s23, s7, $0xb8;
	[tilespmem:$0x2230] =	vst v63  }
0x9f: {  	s19 =	rddreg [dreg:$0x18]  }
0xa0: {  	[spmem:s0] =	stream.indirect.scatter.add.f32 [tilespmem:s19], [sflag:$0x2], $0x1, s24, s7, $0xb8;
	[tilespmem:$0x2230] =	vst v63  }
0xa1: {  	_ = 	snop  }
0xa2: {  	[spmem:s2] =	stream.indirect.scatter.add.f32 [tilespmem:s8], [sflag:$0x2], $0x1, s24, s7, $0xb8;
	[tilespmem:$0x2230] =	vst v63  }
0xa3: {  	s18 =	rddreg [dreg:$0x19]  }
0xa4: {  	[spmem:s0] =	stream.indirect.scatter.add.f32 [tilespmem:s18], [sflag:$0x2], $0x1, s25, s7, $0xb8;
	[tilespmem:$0x2230] =	vst v63  }
0xa5: {  	_ = 	snop  }
0xa6: {  	[spmem:s2] =	stream.indirect.scatter.add.f32 [tilespmem:s8], [sflag:$0x2], $0x1, s25, s7, $0xb8;
	[tilespmem:$0x2230] =	vst v63  }
0xa7: {  	s19 =	rddreg [dreg:$0x1a]  }
0xa8: {  	[spmem:s0] =	stream.indirect.scatter.add.f32 [tilespmem:s19], [sflag:$0x2], $0x1, s26, s7, $0xb8;
	[tilespmem:$0x2230] =	vst v63  }
0xa9: {  	_ = 	snop  }
0xaa: {  	[spmem:s2] =	stream.indirect.scatter.add.f32 [tilespmem:s8], [sflag:$0x2], $0x1, s26, s7, $0xb8;
	[tilespmem:$0x2230] =	vst v63  }
0xab: {  	s18 =	rddreg [dreg:$0x1b]  }
0xac: {  	[spmem:s0] =	stream.indirect.scatter.add.f32 [tilespmem:s18], [sflag:$0x2], $0x1, s28, s7, $0xb8;
	[tilespmem:$0x2230] =	vst v63  }
0xad: {  	_ = 	snop  }
0xae: {  	[spmem:s2] =	stream.indirect.scatter.add.f32 [tilespmem:s8], [sflag:$0x2], $0x1, s28, s7, $0xb8;
	[tilespmem:$0x2230] =	vst v63  }
0xaf: {  	s19 =	rddreg [dreg:$0x1c]  }
0xb0: {  	[spmem:s0] =	stream.indirect.scatter.add.f32 [tilespmem:s19], [sflag:$0x2], $0x1, s29, s7, $0xb8;
	[tilespmem:$0x2230] =	vst v63  }
0xb1: {  	_ = 	snop  }
0xb2: {  	[spmem:s2] =	stream.indirect.scatter.add.f32 [tilespmem:s8], [sflag:$0x2], $0x1, s29, s7, $0xb8;
	[tilespmem:$0x2230] =	vst v63  }
0xb3: {  	s18 =	rddreg [dreg:$0x1d]  }
0xb4: {  	[spmem:s0] =	stream.indirect.scatter.add.f32 [tilespmem:s18], [sflag:$0x2], $0x1, s30, s7, $0xb8;
	[tilespmem:$0x2230] =	vst v63  }
0xb5: {  	_ = 	snop  }
0xb6: {  	[spmem:s2] =	stream.indirect.scatter.add.f32 [tilespmem:s8], [sflag:$0x2], $0x1, s30, s7, $0xb8;
	[tilespmem:$0x2230] =	vst v63  }
0xb7: {  	s19 =	rddreg [dreg:$0x1e]  }
0xb8: {  	[spmem:s0] =	stream.indirect.scatter.add.f32 [tilespmem:s19], [sflag:$0x2], $0x1, s31, s7, $0xb8;
	[tilespmem:$0x2230] =	vst v63  }
0xb9: {  	_ = 	snop  }
0xba: {  	[spmem:s2] =	stream.indirect.scatter.add.f32 [tilespmem:s8], [sflag:$0x2], $0x1, s31, s7, $0xb8;
	[tilespmem:$0x2230] =	vst v63  }
0xbb: {  	s18 =	rddreg [dreg:$0x1f]  }
0xbc: {  	[spmem:s0] =	stream.indirect.scatter.add.f32 [tilespmem:s18], [sflag:$0x2], $0x1, s1, s7, $0xb8;
	[tilespmem:$0x2230] =	vst v63  }
0xbd: {  	s19 =	sld [smem:$0x7F7]  }
0xbe: {  	[spmem:s2] =	stream.indirect.scatter.add.f32 [tilespmem:s8], [sflag:$0x2], $0x1, s1, s7, $0xb8;
	[tilespmem:$0x2230] =	vst v63  }
0xbf: {  	_ = 	snop  }
0xc0: {  	[spmem:s0] =	stream.indirect.scatter.add.f32 [tilespmem:s19], [sflag:$0x2], $0x1, s5, s7, $0xb8;
	[tilespmem:$0x2230] =	vst v63  }
0xc1: {  	s18 =	sld [smem:$0x7F8]  }
0xc2: {  	[spmem:s2] =	stream.indirect.scatter.add.f32 [tilespmem:s8], [sflag:$0x2], $0x1, s5, s7, $0xb8;
	[tilespmem:$0x2230] =	vst v63  }
0xc3: {  	_ = 	snop  }
0xc4: {  	[spmem:s0] =	stream.indirect.scatter.add.f32 [tilespmem:s18], [sflag:$0x2], $0x1, s9, s7, $0xb8;
	[tilespmem:$0x2230] =	vst v63  }
0xc5: {  	s19 =	sld [smem:$0x7F9]  }
0xc6: {  	[spmem:s2] =	stream.indirect.scatter.add.f32 [tilespmem:s8], [sflag:$0x2], $0x1, s9, s7, $0xb8;
	[tilespmem:$0x2230] =	vst v63  }
0xc7: {  	_ = 	snop  }
0xc8: {  	[spmem:s0] =	stream.indirect.scatter.add.f32 [tilespmem:s19], [sflag:$0x2], $0x1, s10, s7, $0xb8;
	[tilespmem:$0x2230] =	vst v63  }
0xc9: {  	s18 =	sld [smem:$0x7FA]  }
0xca: {  	[spmem:s2] =	stream.indirect.scatter.add.f32 [tilespmem:s8], [sflag:$0x2], $0x1, s10, s7, $0xb8;
	[tilespmem:$0x2230] =	vst v63  }
0xcb: {  	_ = 	snop  }
0xcc: {  	[spmem:s0] =	stream.indirect.scatter.add.f32 [tilespmem:s18], [sflag:$0x2], $0x1, s11, s7, $0xb8;
	[tilespmem:$0x2230] =	vst v63  }
0xcd: {  	s19 =	sld [smem:$0x7FB]  }
0xce: {  	[spmem:s2] =	stream.indirect.scatter.add.f32 [tilespmem:s8], [sflag:$0x2], $0x1, s11, s7, $0xb8;
	[tilespmem:$0x2230] =	vst v63  }
0xcf: {  	_ = 	snop  }
0xd0: {  	[spmem:s0] =	stream.indirect.scatter.add.f32 [tilespmem:s19], [sflag:$0x2], $0x1, s12, s7, $0xb8;
	[tilespmem:$0x2230] =	vst v63  }
0xd1: {  	s18 =	sld [smem:$0x7FC]  }
0xd2: {  	[spmem:s2] =	stream.indirect.scatter.add.f32 [tilespmem:s8], [sflag:$0x2], $0x1, s12, s7, $0xb8;
	[tilespmem:$0x2230] =	vst v63  }
0xd3: {  	_ = 	snop  }
0xd4: {  	[spmem:s0] =	stream.indirect.scatter.add.f32 [tilespmem:s18], [sflag:$0x2], $0x1, s13, s7, $0xb8;
	[tilespmem:$0x2230] =	vst v63  }
0xd5: {  	s19 =	sld [smem:$0x7FD]  }
0xd6: {  	[spmem:s2] =	stream.indirect.scatter.add.f32 [tilespmem:s8], [sflag:$0x2], $0x1, s13, s7, $0xb8;
	[tilespmem:$0x2230] =	vst v63  }
0xd7: {  	_ = 	snop  }
0xd8: {  	[spmem:s0] =	stream.indirect.scatter.add.f32 [tilespmem:s19], [sflag:$0x2], $0x1, s14, s7, $0xb8;
	[tilespmem:$0x2230] =	vst v63  }
0xd9: {  	_ = 	snop  }
0xda: {  	[spmem:s2] =	stream.indirect.scatter.add.f32 [tilespmem:s8], [sflag:$0x2], $0x1, s14, s7, $0xb8;
	[tilespmem:$0x2230] =	vst v63  }
0xdb: {  	_ =	swait.ge [sflag:s15], $0x80  }
0xdc: {  	[sflag:s15] =	ssyncset.done $0x0  }
0xdd: {  	[sflag:s15] =	ssyncadd.s32 $0xFFFFFF80  }
0xde: {  	_ =	swait.ge [sflag:s15], $0x80  }
0xdf: {  	[sflag:s15] =	ssyncset.done $0x0  }
0xe0: {  	[sflag:s15] =	ssyncadd.s32 $0xFFFFFF80  }
0xe1: {  	_ =	swait.ge [sflag:s15], $0x80  }
0xe2: {  	[sflag:s15] =	ssyncset.done $0x0  }
0xe3: {  	[sflag:s15] =	ssyncadd.s32 $0xFFFFFF80  }
0xe4: {  	_ =	swait.ge [sflag:s15], $0x80  }
0xe5: {  	[sflag:s15] =	ssyncset.done $0x0  }
0xe6: {  	[sflag:s15] =	ssyncadd.s32 $0xFFFFFF80  }
0xe7: {  	_ =	swait.ge [sflag:s15], $0x80  }
0xe8: {  	[sflag:s15] =	ssyncset.done $0x0  }
0xe9: {  	[sflag:s15] =	ssyncadd.s32 $0xFFFFFF80  }
0xea: {  	_ =	swait.ge [sflag:s15], $0x80  }
0xeb: {  	[sflag:s15] =	ssyncset.done $0x0  }
0xec: {  	[sflag:s15] =	ssyncadd.s32 $0xFFFFFF80  }
0xed: {  	_ =	swait.ge [sflag:s15], $0x80  }
0xee: {  	[sflag:s15] =	ssyncset.done $0x0  }
0xef: {  	[sflag:s15] =	ssyncadd.s32 $0xFFFFFF80  }
0xf0: {  	_ =	swait.ge [sflag:s15], $0x80  }
0xf1: {  	[sflag:s15] =	ssyncset.done $0x0  }
0xf2: {  	[sflag:s15] =	ssyncadd.s32 $0xFFFFFF80  }
0xf3: {  	_ =	swait.ge [sflag:s15], $0x80  }
0xf4: {  	[sflag:s15] =	ssyncset.done $0x0  }
0xf5: {  	[sflag:s15] =	ssyncadd.s32 $0xFFFFFF80  }
0xf6: {  	_ =	swait.ge [sflag:s15], $0x80  }
0xf7: {  	[sflag:s15] =	ssyncset.done $0x0  }
0xf8: {  	[sflag:s15] =	ssyncadd.s32 $0xFFFFFF80  }
0xf9: {  	_ =	swait.ge [sflag:s15], $0x80  }
0xfa: {  	[sflag:s15] =	ssyncset.done $0x0  }
0xfb: {  	[sflag:s15] =	ssyncadd.s32 $0xFFFFFF80  }
0xfc: {  	_ =	swait.ge [sflag:s15], $0x80  }
0xfd: {  	[sflag:s15] =	ssyncset.done $0x0  }
0xfe: {  	[sflag:s15] =	ssyncadd.s32 $0xFFFFFF80  }
0xff: {  	_ =	swait.ge [sflag:s15], $0x80  }
0x100: {  	[sflag:s15] =	ssyncset.done $0x0  }
0x101: {  	[sflag:s15] =	ssyncadd.s32 $0xFFFFFF80  }
0x102: {  	_ =	swait.ge [sflag:s15], $0x80  }
0x103: {  	[sflag:s15] =	ssyncset.done $0x0  }
0x104: {  	[sflag:s15] =	ssyncadd.s32 $0xFFFFFF80  }
0x105: {  	_ =	swait.ge [sflag:s15], $0x80  }
0x106: {  	[sflag:s15] =	ssyncset.done $0x0  }
0x107: {  	[sflag:s15] =	ssyncadd.s32 $0xFFFFFF80  }
0x108: {  	_ =	swait.ge [sflag:s15], $0x80  }
0x109: {  	[sflag:s15] =	ssyncset.done $0x0  }
0x10a: {  	[sflag:s15] =	ssyncadd.s32 $0xFFFFFF80  }
0x10b: {  	_ =	swait.ge [sflag:s15], $0x80  }
0x10c: {  	[sflag:s15] =	ssyncset.done $0x0  }
0x10d: {  	[sflag:s15] =	ssyncadd.s32 $0xFFFFFF80  }
0x10e: {  	_ =	swait.ge [sflag:s15], $0x80  }
0x10f: {  	[sflag:s15] =	ssyncset.done $0x0  }
0x110: {  	[sflag:s15] =	ssyncadd.s32 $0xFFFFFF80  }
0x111: {  	_ =	swait.ge [sflag:s15], $0x80  }
0x112: {  	[sflag:s15] =	ssyncset.done $0x0  }
0x113: {  	[sflag:s15] =	ssyncadd.s32 $0xFFFFFF80  }
0x114: {  	_ =	swait.ge [sflag:s15], $0x80  }
0x115: {  	[sflag:s15] =	ssyncset.done $0x0  }
0x116: {  	[sflag:s15] =	ssyncadd.s32 $0xFFFFFF80  }
0x117: {  	_ =	swait.ge [sflag:s15], $0x80  }
0x118: {  	[sflag:s15] =	ssyncset.done $0x0  }
0x119: {  	[sflag:s15] =	ssyncadd.s32 $0xFFFFFF80  }
0x11a: {  	_ =	swait.ge [sflag:s15], $0x80  }
0x11b: {  	[sflag:s15] =	ssyncset.done $0x0  }
0x11c: {  	[sflag:s15] =	ssyncadd.s32 $0xFFFFFF80  }
0x11d: {  	_ =	swait.ge [sflag:s15], $0x80  }
0x11e: {  	[sflag:s15] =	ssyncset.done $0x0  }
0x11f: {  	[sflag:s15] =	ssyncadd.s32 $0xFFFFFF80  }
0x120: {  	_ =	swait.ge [sflag:s15], $0x80  }
0x121: {  	[sflag:s15] =	ssyncset.done $0x0  }
0x122: {  	[sflag:s15] =	ssyncadd.s32 $0xFFFFFF80  }
0x123: {  	_ =	swait.ge [sflag:s15], $0x80  }
0x124: {  	[sflag:s15] =	ssyncset.done $0x0  }
0x125: {  	[sflag:s15] =	ssyncadd.s32 $0xFFFFFF80  }
0x126: {  	_ =	swait.ge [sflag:s15], $0x80  }
0x127: {  	[sflag:s15] =	ssyncset.done $0x0  }
0x128: {  	[sflag:s15] =	ssyncadd.s32 $0xFFFFFF80  }
0x129: {  	_ =	swait.ge [sflag:s15], $0x80  }
0x12a: {  	[sflag:s15] =	ssyncset.done $0x0  }
0x12b: {  	[sflag:s15] =	ssyncadd.s32 $0xFFFFFF80  }
0x12c: {  	_ =	swait.ge [sflag:s15], $0x80  }
0x12d: {  	[sflag:s15] =	ssyncset.done $0x0  }
0x12e: {  	[sflag:s15] =	ssyncadd.s32 $0xFFFFFF80  }
0x12f: {  	_ =	swait.ge [sflag:s15], $0x80  }
0x130: {  	[sflag:s15] =	ssyncset.done $0x0  }
0x131: {  	[sflag:s15] =	ssyncadd.s32 $0xFFFFFF80  }
0x132: {  	_ =	swait.ge [sflag:s15], $0x80  }
0x133: {  	[sflag:s15] =	ssyncset.done $0x0  }
0x134: {  	[sflag:s15] =	ssyncadd.s32 $0xFFFFFF80  }
0x135: {  	_ =	swait.ge [sflag:s15], $0x80  }
0x136: {  	[sflag:s15] =	ssyncset.done $0x0  }
0x137: {  	[sflag:s15] =	ssyncadd.s32 $0xFFFFFF80  }
0x138: {  	_ =	swait.ge [sflag:s15], $0x80  }
0x139: {  	[sflag:s15] =	ssyncset.done $0x0  }
0x13a: {  	[sflag:s15] =	ssyncadd.s32 $0xFFFFFF80  }
0x13b: {  	_ =	swait.ge [sflag:s15], $0x80  }
0x13c: {  	[sflag:s15] =	ssyncset.done $0x0  }
0x13d: {  	[sflag:s15] =	ssyncadd.s32 $0xFFFFFF80  }
0x13e: {  	_ =	swait.ge [sflag:s15], $0x80  }
0x13f: {  	[sflag:s15] =	ssyncset.done $0x0  }
0x140: {  	[sflag:s15] =	ssyncadd.s32 $0xFFFFFF80  }
0x141: {  	_ =	swait.ge [sflag:s15], $0x80  }
0x142: {  	[sflag:s15] =	ssyncset.done $0x0  }
0x143: {  	[sflag:s15] =	ssyncadd.s32 $0xFFFFFF80  }
0x144: {  	_ =	swait.ge [sflag:s15], $0x80  }
0x145: {  	[sflag:s15] =	ssyncset.done $0x0  }
0x146: {  	[sflag:s15] =	ssyncadd.s32 $0xFFFFFF80  }
0x147: {  	_ =	swait.ge [sflag:s15], $0x80  }
0x148: {  	[sflag:s15] =	ssyncset.done $0x0  }
0x149: {  	[sflag:s15] =	ssyncadd.s32 $0xFFFFFF80  }
0x14a: {  	_ =	swait.ge [sflag:s15], $0x80  }
0x14b: {  	[sflag:s15] =	ssyncset.done $0x0  }
0x14c: {  	[sflag:s15] =	ssyncadd.s32 $0xFFFFFF80  }
0x14d: {  	_ =	swait.ge [sflag:s15], $0x80  }
0x14e: {  	[sflag:s15] =	ssyncset.done $0x0  }
0x14f: {  	[sflag:s15] =	ssyncadd.s32 $0xFFFFFF80  }
0x150: {  	_ =	swait.ge [sflag:s15], $0x80  }
0x151: {  	[sflag:s15] =	ssyncset.done $0x0  }
0x152: {  	[sflag:s15] =	ssyncadd.s32 $0xFFFFFF80  }
0x153: {  	_ =	swait.ge [sflag:s15], $0x80  }
0x154: {  	[sflag:s15] =	ssyncset.done $0x0  }
0x155: {  	[sflag:s15] =	ssyncadd.s32 $0xFFFFFF80  }
0x156: {  	_ =	swait.ge [sflag:s15], $0x80  }
0x157: {  	[sflag:s15] =	ssyncset.done $0x0  }
0x158: {  	[sflag:s15] =	ssyncadd.s32 $0xFFFFFF80  }
0x159: {  	_ =	swait.ge [sflag:s15], $0x80  }
0x15a: {  	[sflag:s15] =	ssyncset.done $0x0  }
0x15b: {  	[sflag:s15] =	ssyncadd.s32 $0xFFFFFF80  }
0x15c: {  	_ =	swait.ge [sflag:s15], $0x80  }
0x15d: {  	[sflag:s15] =	ssyncset.done $0x0  }
0x15e: {  	[sflag:s15] =	ssyncadd.s32 $0xFFFFFF80  }
0x15f: {  	_ =	swait.ge [sflag:s15], $0x80  }
0x160: {  	[sflag:s15] =	ssyncset.done $0x0  }
0x161: {  	[sflag:s15] =	ssyncadd.s32 $0xFFFFFF80  }
0x162: {  	_ =	swait.ge [sflag:s15], $0x80  }
0x163: {  	[sflag:s15] =	ssyncset.done $0x0  }
0x164: {  	[sflag:s15] =	ssyncadd.s32 $0xFFFFFF80  }
0x165: {  	_ =	swait.ge [sflag:s15], $0x80  }
0x166: {  	[sflag:s15] =	ssyncset.done $0x0  }
0x167: {  	[sflag:s15] =	ssyncadd.s32 $0xFFFFFF80  }
0x168: {  	_ =	swait.ge [sflag:s15], $0x80  }
0x169: {  	[sflag:s15] =	ssyncset.done $0x0  }
0x16a: {  	[sflag:s15] =	ssyncadd.s32 $0xFFFFFF80  }
0x16b: {  	_ =	swait.ge [sflag:s15], $0x80  }
0x16c: {  	[sflag:s15] =	ssyncset.done $0x0  }
0x16d: {  	[sflag:s15] =	ssyncadd.s32 $0xFFFFFF80  }
0x16e: {  	_ =	swait.ge [sflag:s15], $0x80  }
0x16f: {  	[sflag:s15] =	ssyncset.done $0x0  }
0x170: {  	[sflag:s15] =	ssyncadd.s32 $0xFFFFFF80  }
0x171: {  	_ =	swait.ge [sflag:s15], $0x80  }
0x172: {  	[sflag:s15] =	ssyncset.done $0x0  }
0x173: {  	[sflag:s15] =	ssyncadd.s32 $0xFFFFFF80  }
0x174: {  	_ =	swait.ge [sflag:s15], $0x80  }
0x175: {  	[sflag:s15] =	ssyncset.done $0x0  }
0x176: {  	[sflag:s15] =	ssyncadd.s32 $0xFFFFFF80  }
0x177: {  	_ =	swait.ge [sflag:s15], $0x80  }
0x178: {  	[sflag:s15] =	ssyncset.done $0x0  }
0x179: {  	[sflag:s15] =	ssyncadd.s32 $0xFFFFFF80  }
0x17a: {  	_ =	swait.ge [sflag:s15], $0x80  }
0x17b: {  	[sflag:s15] =	ssyncset.done $0x0  }
0x17c: {  	[sflag:s15] =	ssyncadd.s32 $0xFFFFFF80  }
0x17d: {  	_ =	swait.ge [sflag:s15], $0x80  }
0x17e: {  	[sflag:s15] =	ssyncset.done $0x0  }
0x17f: {  	[sflag:s15] =	ssyncadd.s32 $0xFFFFFF80  }
0x180: {  	_ =	swait.ge [sflag:s15], $0x80  }
0x181: {  	[sflag:s15] =	ssyncset.done $0x0  }
0x182: {  	[sflag:s15] =	ssyncadd.s32 $0xFFFFFF80  }
0x183: {  	_ =	swait.ge [sflag:s15], $0x80  }
0x184: {  	[sflag:s15] =	ssyncset.done $0x0  }
0x185: {  	[sflag:s15] =	ssyncadd.s32 $0xFFFFFF80  }
0x186: {  	_ =	swait.ge [sflag:s15], $0x80  }
0x187: {  	[sflag:s15] =	ssyncset.done $0x0  }
0x188: {  	[sflag:s15] =	ssyncadd.s32 $0xFFFFFF80  }
0x189: {  	_ =	swait.ge [sflag:s15], $0x80  }
0x18a: {  	[sflag:s15] =	ssyncset.done $0x0  }
0x18b: {  	[sflag:s15] =	ssyncadd.s32 $0xFFFFFF80  }
0x18c: {  	_ =	swait.ge [sflag:s15], $0x80  }
0x18d: {  	[sflag:s15] =	ssyncset.done $0x0  }
0x18e: {  	[sflag:s15] =	ssyncadd.s32 $0xFFFFFF80  }
0x18f: {  	_ =	swait.ge [sflag:s15], $0x80  }
0x190: {  	[sflag:s15] =	ssyncset.done $0x0  }
0x191: {  	[sflag:s15] =	ssyncadd.s32 $0xFFFFFF80  }
0x192: {  	_ =	swait.ge [sflag:s15], $0x80  }
0x193: {  	[sflag:s15] =	ssyncset.done $0x0  }
0x194: {  	[sflag:s15] =	ssyncadd.s32 $0xFFFFFF80  }
0x195: {  	_ =	swait.ge [sflag:s15], $0x80  }
0x196: {  	[sflag:s15] =	ssyncset.done $0x0  }
0x197: {  	[sflag:s15] =	ssyncadd.s32 $0xFFFFFF80  }
0x198: {  	_ =	swait.ge [sflag:s15], $0x80  }
0x199: {  	[sflag:s15] =	ssyncset.done $0x0  }
0x19a: {  	[sflag:s15] =	ssyncadd.s32 $0xFFFFFF80  }
0x19b: {  	[bflag:$0x0] =	sbarrier.arrive $0xFFFF  }
0x19c: {  	s18 =	sshrl.u32 @!p0 s0, $0x3;
	s19 =	simm.s32 @!p0 $0x1C03;
	s17 =	rddreg [dreg:$0x6]  }
0x19d: {  	[hbm:s17], [sflag:s19] =	dma.local @!p0 [spmem:s18], $0x30  }
0x19e: {  	s4 =	sadd.s32 $0xFFFFFFFF, s4;
	_ =	swait.ge @!p0 [sflag:s16], $0x30  }
0x19f: {  	p1 =	sne.s32 s4, $0x0;
	s18 =	sshrl.u32 @!p0 s2, $0x3;
	[sflag:s16] =	ssyncset.done @!p0 $0x0  }
.Ltmp0:
0x1a0: {  	s17 =	rddreg [dreg:$0x7];
	[sflag:s16] =	ssyncadd.s32 @!p0 $0xFFFFFFD0;
	(pc) =	sbr.rel @p1 .LBB2_1-.Ltmp0, $4  }
0x1a1: {  	[hbm:s17], [sflag:s19] =	dma.local @!p0 [spmem:s18], $0x30  }
0x1a2: {  	_ =	swait.ge @!p0 [sflag:s16], $0x30  }
0x1a3: {  	[sflag:s16] =	ssyncset.done @!p0 $0x0  }
0x1a4: {  	[sflag:s16] =	ssyncadd.s32 @!p0 $0xFFFFFFD0  }
0x1a5: {  	_ =	sfence.sel $0x180000  }
0x1a6: {  	[bflag:$0x0] =	sbarrier.arrive $0xFFFF  }
0x1a7: {  	_ =	strace $0x90000047  }
0x1a8: {  	[bflag:$0x2] =	sbarrier.arrive $0xFFFF  }
0x1a9: {  	s0 =	rddreg [dreg:$0x3]  }
0x1aa: {  	s0 =	sadd.s32 @!p0 $0x100000, s0  }
0x1ab: {  	[sflag:s0] =	ssyncadd.tile.s32 @!p0 $0x1;
	_ =	shalt  }
.Lfunc_end2:
_tile_overlayer_lowered:
.L_overlay_start_2:
0x1ac: {  	(tag) =	ssettag $0x2  }
0x1ad: {  	s0 =	rddreg [dreg:$0x0];
	s2 =	stileid.u32  }
0x1ae: {  	s1 =	rddreg [dreg:$0x1];
	p0 =	sne.s32 s2, $0x0  }
0x1af: {  	s3 =	rddreg [dreg:$0x2];
	[bflag:$0x3] =	sbarrier.arrive $0xFFFF;
	s2 =	simm.s32 @!p0 $0x1C03  }
0x1b0: {  	[timem:s3], [sflag:s2] =	dma.local @!p0 [hbm:s0], s1  }
0x1b1: {  	s0 =	simm.s32 @!p0 $0x3  }
0x1b2: {  	_ =	swait.ge @!p0 [sflag:s0], s1  }
0x1b3: {  	s1 =	ssub.s32 @!p0 $0x0, s1;
	[sflag:s0] =	ssyncset.done @!p0 $0x0  }
0x1b4: {  	[sflag:s0] =	ssyncadd.s32 @!p0 s1  }
0x1b5: {  	[bflag:$0x3] =	sbarrier.arrive $0xFFFF  }
0x1b6: {  	_ =	shalt  }

</sc_bundles>
